<compile_context>
chip_gen: v7x
topology: tpu7x:2x2x1
jax: 0.10.2.dev20260603
libtpu: 0.0.44.dev20260713+nightly
codegen_flags: <defaults>
</compile_context>

<pallas_src>
import math

import jax
import jax.numpy as jnp
from jax.experimental import pallas as pl

PRE_NMS_TOP_N = 2000
FPN_POST_NMS_TOP_N = 1000
NMS_THRESH = 0.7
IMG_H = 1024.0
IMG_W = 1024.0
BBOX_XFORM_CLIP = math.log(1000.0 / 16.0)
PAD_N = 2048


def _decode_kernel(sl_ref, dx_ref, dy_ref, dw_ref, dh_ref,
                   ax1_ref, ay1_ref, ax2_ref, ay2_ref,
                   bx1_ref, by1_ref, bx2_ref, by2_ref, sm_ref, v_ref):
    col = jax.lax.broadcasted_iota(jnp.int32, sl_ref.shape, 1)
    real = col < PRE_NMS_TOP_N

    ax1 = ax1_ref[...]
    ay1 = ay1_ref[...]
    w = ax2_ref[...] - ax1 + 1.0
    h = ay2_ref[...] - ay1 + 1.0
    cx = ax1 + 0.5 * w
    cy = ay1 + 0.5 * h
    dw = jnp.minimum(dw_ref[...], BBOX_XFORM_CLIP)
    dh = jnp.minimum(dh_ref[...], BBOX_XFORM_CLIP)
    pcx = dx_ref[...] * w + cx
    pcy = dy_ref[...] * h + cy
    pw = jnp.exp(dw) * w
    ph = jnp.exp(dh) * h

    x1 = jnp.clip(pcx - 0.5 * pw, 0.0, IMG_W - 1.0)
    y1 = jnp.clip(pcy - 0.5 * ph, 0.0, IMG_H - 1.0)
    x2 = jnp.clip(pcx + 0.5 * pw - 1.0, 0.0, IMG_W - 1.0)
    y2 = jnp.clip(pcy + 0.5 * ph - 1.0, 0.0, IMG_H - 1.0)

    ws = x2 - x1 + 1.0
    hs = y2 - y1 + 1.0
    xc = x1 + ws / 2.0
    yc = y1 + hs / 2.0
    valid = (ws >= 0.0) & (hs >= 0.0) & (xc < IMG_W) & (yc < IMG_H) & real

    s = jax.nn.sigmoid(sl_ref[...])
    sm_ref[...] = jnp.where(valid, s, -1e4)
    v_ref[...] = jnp.where(valid, 1.0, 0.0)
    bx1_ref[...] = jnp.where(real, x1, 0.0)
    by1_ref[...] = jnp.where(real, y1, 0.0)
    bx2_ref[...] = jnp.where(real, x2, -1.0)
    by2_ref[...] = jnp.where(real, y2, -1.0)


def _nms_kernel(x1_ref, y1_ref, x2_ref, y2_ref, v_ref, s_ref, out_ref):
    x1 = x1_ref[...]
    y1 = y1_ref[...]
    x2 = x2_ref[...]
    y2 = y2_ref[...]
    area = (x2 - x1 + 1.0) * (y2 - y1 + 1.0)
    col = jax.lax.broadcasted_iota(jnp.int32, x1.shape, 1)

    def _pivot(a, mask):
        return jnp.sum(jnp.where(mask, a, 0.0), axis=1, keepdims=True)

    def body(i, keep):
        pm = col == i
        px1 = _pivot(x1, pm)
        py1 = _pivot(y1, pm)
        px2 = _pivot(x2, pm)
        py2 = _pivot(y2, pm)
        pk = _pivot(keep, pm)
        pa = (px2 - px1 + 1.0) * (py2 - py1 + 1.0)
        iw = jnp.maximum(jnp.minimum(x2, px2) - jnp.maximum(x1, px1) + 1.0, 0.0)
        ih = jnp.maximum(jnp.minimum(y2, py2) - jnp.maximum(y1, py1) + 1.0, 0.0)
        inter = iw * ih
        iou = inter / (area + pa - inter)
        suppress = (iou > NMS_THRESH) & (col > i) & (pk > 0.5)
        return jnp.where(suppress, 0.0, keep)

    keep = jax.lax.fori_loop(
        0, PRE_NMS_TOP_N, body, jnp.ones(x1.shape, jnp.float32))
    out_ref[...] = jnp.where(
        (keep > 0.5) & (v_ref[...] > 0.5), s_ref[...], -1e4)


def _row_call(fn, n_out, inputs):
    n = inputs[0].shape[0]
    return pl.pallas_call(
        fn,
        out_shape=[jax.ShapeDtypeStruct((n, PAD_N), jnp.float32)] * n_out,
    )(*inputs)


def _pad(x):
    return jnp.pad(x, ((0, 0), (0, PAD_N - x.shape[1])))


@jax.jit
def _kernel_impl(anchors, objectness, box_regression):
    N, A, H, W = objectness.shape
    obj = jnp.transpose(objectness, (0, 2, 3, 1)).reshape(N, -1)
    reg = jnp.transpose(
        box_regression.reshape(N, -1, 4, H, W), (0, 3, 4, 1, 2)).reshape(N, -1, 4)

    s_logit, idx = jax.lax.top_k(obj, PRE_NMS_TOP_N)
    reg_t = jnp.take_along_axis(reg, idx[..., None], axis=1)
    anch_t = anchors[idx]

    dec_in = [s_logit,
              reg_t[..., 0], reg_t[..., 1], reg_t[..., 2], reg_t[..., 3],
              anch_t[..., 0], anch_t[..., 1], anch_t[..., 2], anch_t[..., 3]]
    dec_in = [_pad(x) for x in dec_in]
    bx1, by1, bx2, by2, s_m, valid = _row_call(_decode_kernel, 6, dec_in)

    order = jnp.argsort(-s_m, axis=1)
    x1o, y1o, x2o, y2o, vo, so = (
        jnp.take_along_axis(a, order, axis=1)
        for a in (bx1, by1, bx2, by2, valid, s_m))

    s_final = _row_call(_nms_kernel, 1, [x1o, y1o, x2o, y2o, vo, so])[0]

    top_s, top_i = jax.lax.top_k(s_final[:, :PRE_NMS_TOP_N], FPN_POST_NMS_TOP_N)
    boxes = jnp.stack(
        [jnp.take_along_axis(a, top_i, axis=1) for a in (x1o, y1o, x2o, y2o)],
        axis=-1)
    return jnp.concatenate([boxes, top_s[..., None]], axis=-1)


def kernel(anchors, objectness, box_regression):
    return _kernel_impl(anchors, objectness, box_regression)

# --- scband reference (transcript-rebuilt; emitter-appended) ---
"""Pipeline reference for scband-fpnrpnbox-selector-9062380995329 (READ-ONLY COPY).

The authoritative reference and input builder live on the scoring server;
editing this copy changes nothing except your own understanding.
"""

import jax, jax.numpy as jnp
import numpy as np
import math

PRE_NMS_TOP_N = 2000
POST_NMS_TOP_N = 2000
FPN_POST_NMS_TOP_N = 1000
NMS_THRESH = 0.7
MIN_SIZE = 0.0
IMG_H = 1024.0
IMG_W = 1024.0
BBOX_XFORM_CLIP = math.log(1000.0 / 16.0)


def setup_inputs(seed: int = 0) -> dict:
    key = jax.random.key(seed)
    k1, k2, k3, k4, k5, k6 = jax.random.split(key, 6)
    num_anchors = 3 * 64 * 64
    x1 = jax.random.uniform(k1, (num_anchors,), minval=0.0, maxval=IMG_W - 160.0)
    y1 = jax.random.uniform(k2, (num_anchors,), minval=0.0, maxval=IMG_H - 160.0)
    w = jax.random.uniform(k3, (num_anchors,), minval=16.0, maxval=160.0)
    h = jax.random.uniform(k4, (num_anchors,), minval=16.0, maxval=160.0)
    anchors = jnp.stack([x1, y1, x1 + w - 1.0, y1 + h - 1.0], axis=1).astype(jnp.float32)
    objectness = jax.random.normal(k5, (2, 3, 64, 64), dtype=jnp.float32)
    box_regression = 0.2 * jax.random.normal(k6, (2, 12, 64, 64), dtype=jnp.float32)
    return {"anchors": anchors, "objectness": objectness, "box_regression": box_regression}


def _decode(rel, anch):
    # BoxCoder.decode with weights (1,1,1,1), TO_REMOVE=1
    widths = anch[:, 2] - anch[:, 0] + 1.0
    heights = anch[:, 3] - anch[:, 1] + 1.0
    ctr_x = anch[:, 0] + 0.5 * widths
    ctr_y = anch[:, 1] + 0.5 * heights
    dx, dy = rel[:, 0], rel[:, 1]
    dw = jnp.minimum(rel[:, 2], BBOX_XFORM_CLIP)
    dh = jnp.minimum(rel[:, 3], BBOX_XFORM_CLIP)
    pcx = dx * widths + ctr_x
    pcy = dy * heights + ctr_y
    pw = jnp.exp(dw) * widths
    ph = jnp.exp(dh) * heights
    return jnp.stack([pcx - 0.5 * pw, pcy - 0.5 * ph, pcx + 0.5 * pw - 1.0, pcy + 0.5 * ph - 1.0], axis=1)


def _clip(boxes):
    x1 = jnp.clip(boxes[:, 0], 0.0, IMG_W - 1.0)
    y1 = jnp.clip(boxes[:, 1], 0.0, IMG_H - 1.0)
    x2 = jnp.clip(boxes[:, 2], 0.0, IMG_W - 1.0)
    y2 = jnp.clip(boxes[:, 3], 0.0, IMG_H - 1.0)
    return jnp.stack([x1, y1, x2, y2], axis=1)


def _nms_keep(boxes, thresh):
    # greedy NMS on score-sorted boxes; returns bool keep mask of static shape
    n = boxes.shape[0]
    areas = (boxes[:, 2] - boxes[:, 0] + 1.0) * (boxes[:, 3] - boxes[:, 1] + 1.0)
    xx1 = jnp.maximum(boxes[:, None, 0], boxes[None, :, 0])
    yy1 = jnp.maximum(boxes[:, None, 1], boxes[None, :, 1])
    xx2 = jnp.minimum(boxes[:, None, 2], boxes[None, :, 2])
    yy2 = jnp.minimum(boxes[:, None, 3], boxes[None, :, 3])
    iw = jnp.maximum(xx2 - xx1 + 1.0, 0.0)
    ih = jnp.maximum(yy2 - yy1 + 1.0, 0.0)
    inter = iw * ih
    iou = inter / (areas[:, None] + areas[None, :] - inter)
    idxs = jnp.arange(n)

    def body(i, keep):
        suppress = (iou[i] > thresh) & (idxs > i) & keep[i]
        return keep & (~suppress)

    return jax.lax.fori_loop(0, n, body, jnp.ones((n,), dtype=bool))


def _single_image(anchors, obj, reg):
    scores = jax.nn.sigmoid(obj)
    s_top, idx = jax.lax.top_k(scores, PRE_NMS_TOP_N)
    reg_t = reg[idx]
    anch_t = anchors[idx]
    boxes = _clip(_decode(reg_t, anch_t))
    ws = boxes[:, 2] - boxes[:, 0] + 1.0
    hs = boxes[:, 3] - boxes[:, 1] + 1.0
    xc = boxes[:, 0] + ws / 2.0
    yc = boxes[:, 1] + hs / 2.0
    valid = (ws >= MIN_SIZE) & (hs >= MIN_SIZE) & (xc < IMG_W) & (yc < IMG_H)
    s_m = jnp.where(valid, s_top, -1e4)
    order = jnp.argsort(-s_m)
    boxes_o = boxes[order]
    s_o = s_m[order]
    valid_o = valid[order]
    keep = _nms_keep(jax.lax.stop_gradient(boxes_o), NMS_THRESH) & valid_o
    rank = jnp.cumsum(keep.astype(jnp.int32))
    keep = keep & (rank <= POST_NMS_TOP_N)
    s_final = jnp.where(keep, s_o, -1e4)
    top_s, top_i = jax.lax.top_k(s_final, FPN_POST_NMS_TOP_N)
    return boxes_o[top_i], top_s


def reference(anchors, objectness, box_regression):
    N, A, H, W = objectness.shape
    obj = jnp.transpose(objectness, (0, 2, 3, 1)).reshape(N, -1)
    reg = jnp.transpose(box_regression.reshape(N, -1, 4, H, W), (0, 3, 4, 1, 2)).reshape(N, -1, 4)
    out_b = []
    out_s = []
    for i in range(N):
        b, s = _single_image(anchors, obj[i], reg[i])
        out_b.append(b)
        out_s.append(s)
    boxes = jnp.stack(out_b)
    scores = jnp.stack(out_s)
    return jnp.concatenate([boxes, scores[..., None]], axis=-1)

if __name__ == "__main__":
    import jax
    _d = setup_inputs()
    print(jax.jit(kernel)(*tuple(_d.values())))

</pallas_src>

<mosaic_0001>
module attributes {stable_mosaic.version = 14 : i64} {
  func.func @_decode_kernel(%arg0: memref<2x2048xf32, #tpu.memory_space<vmem>>, %arg1: memref<2x2048xf32, #tpu.memory_space<vmem>>, %arg2: memref<2x2048xf32, #tpu.memory_space<vmem>>, %arg3: memref<2x2048xf32, #tpu.memory_space<vmem>>, %arg4: memref<2x2048xf32, #tpu.memory_space<vmem>>, %arg5: memref<2x2048xf32, #tpu.memory_space<vmem>>, %arg6: memref<2x2048xf32, #tpu.memory_space<vmem>>, %arg7: memref<2x2048xf32, #tpu.memory_space<vmem>>, %arg8: memref<2x2048xf32, #tpu.memory_space<vmem>>, %arg9: memref<2x2048xf32, #tpu.memory_space<vmem>>, %arg10: memref<2x2048xf32, #tpu.memory_space<vmem>>, %arg11: memref<2x2048xf32, #tpu.memory_space<vmem>>, %arg12: memref<2x2048xf32, #tpu.memory_space<vmem>>, %arg13: memref<2x2048xf32, #tpu.memory_space<vmem>>, %arg14: memref<2x2048xf32, #tpu.memory_space<vmem>>) attributes {dimension_semantics = [], scalar_prefetch = 0 : i64, scratch_operands = 0 : i64, tpu.core_type = #tpu.core_type<tc>} {
    %iota3A = tpu.iota {dimensions = array<i32: 1>} : vector<2x2048xi32>
    %lt3A = arith.constant 2000 : i32
    %lt3A_0 = vector.broadcast %lt3A : i32 to vector<2x2048xi32>
    %lt3A_1 = arith.cmpi slt, %iota3A, %lt3A_0 : vector<2x2048xi32>
    %get3A = arith.constant 0 : index
    %get3A_2 = arith.constant 0 : index
    %get3A_3 = vector.load %arg5[%get3A, %get3A_2] : memref<2x2048xf32, #tpu.memory_space<vmem>>, vector<2x2048xf32>
    %get3A_4 = arith.constant 0 : index
    %get3A_5 = arith.constant 0 : index
    %get3A_6 = vector.load %arg6[%get3A_4, %get3A_5] : memref<2x2048xf32, #tpu.memory_space<vmem>>, vector<2x2048xf32>
    %get3A_7 = arith.constant 0 : index
    %get3A_8 = arith.constant 0 : index
    %get3A_9 = vector.load %arg7[%get3A_7, %get3A_8] : memref<2x2048xf32, #tpu.memory_space<vmem>>, vector<2x2048xf32>
    %sub3A = arith.subf %get3A_9, %get3A_3 : vector<2x2048xf32>
    %add3A = arith.constant 1.000000e+00 : f32
    %add3A_10 = vector.broadcast %add3A : f32 to vector<2x2048xf32>
    %add3A_11 = arith.addf %sub3A, %add3A_10 : vector<2x2048xf32>
    %get3A_12 = arith.constant 0 : index
    %get3A_13 = arith.constant 0 : index
    %get3A_14 = vector.load %arg8[%get3A_12, %get3A_13] : memref<2x2048xf32, #tpu.memory_space<vmem>>, vector<2x2048xf32>
    %sub3A_15 = arith.subf %get3A_14, %get3A_6 : vector<2x2048xf32>
    %add3A_16 = arith.constant 1.000000e+00 : f32
    %add3A_17 = vector.broadcast %add3A_16 : f32 to vector<2x2048xf32>
    %add3A_18 = arith.addf %sub3A_15, %add3A_17 : vector<2x2048xf32>
    %mul3A = arith.constant 5.000000e-01 : f32
    %mul3A_19 = vector.broadcast %mul3A : f32 to vector<2x2048xf32>
    %mul3A_20 = arith.mulf %mul3A_19, %add3A_11 : vector<2x2048xf32>
    %add3A_21 = arith.addf %get3A_3, %mul3A_20 : vector<2x2048xf32>
    %mul3A_22 = arith.constant 5.000000e-01 : f32
    %mul3A_23 = vector.broadcast %mul3A_22 : f32 to vector<2x2048xf32>
    %mul3A_24 = arith.mulf %mul3A_23, %add3A_18 : vector<2x2048xf32>
    %add3A_25 = arith.addf %get3A_6, %mul3A_24 : vector<2x2048xf32>
    %get3A_26 = arith.constant 0 : index
    %get3A_27 = arith.constant 0 : index
    %get3A_28 = vector.load %arg3[%get3A_26, %get3A_27] : memref<2x2048xf32, #tpu.memory_space<vmem>>, vector<2x2048xf32>
    %min3A = arith.constant 4.13516665 : f32
    %min3A_29 = vector.broadcast %min3A : f32 to vector<2x2048xf32>
    %min3A_30 = arith.minimumf %get3A_28, %min3A_29 : vector<2x2048xf32>
    %get3A_31 = arith.constant 0 : index
    %get3A_32 = arith.constant 0 : index
    %get3A_33 = vector.load %arg4[%get3A_31, %get3A_32] : memref<2x2048xf32, #tpu.memory_space<vmem>>, vector<2x2048xf32>
    %min3A_34 = arith.constant 4.13516665 : f32
    %min3A_35 = vector.broadcast %min3A_34 : f32 to vector<2x2048xf32>
    %min3A_36 = arith.minimumf %get3A_33, %min3A_35 : vector<2x2048xf32>
    %get3A_37 = arith.constant 0 : index
    %get3A_38 = arith.constant 0 : index
    %get3A_39 = vector.load %arg1[%get3A_37, %get3A_38] : memref<2x2048xf32, #tpu.memory_space<vmem>>, vector<2x2048xf32>
    %mul3A_40 = arith.mulf %get3A_39, %add3A_11 : vector<2x2048xf32>
    %add3A_41 = arith.addf %mul3A_40, %add3A_21 : vector<2x2048xf32>
    %get3A_42 = arith.constant 0 : index
    %get3A_43 = arith.constant 0 : index
    %get3A_44 = vector.load %arg2[%get3A_42, %get3A_43] : memref<2x2048xf32, #tpu.memory_space<vmem>>, vector<2x2048xf32>
    %mul3A_45 = arith.mulf %get3A_44, %add3A_18 : vector<2x2048xf32>
    %add3A_46 = arith.addf %mul3A_45, %add3A_25 : vector<2x2048xf32>
    %exp3A = math.exp %min3A_30 : vector<2x2048xf32>
    %mul3A_47 = arith.mulf %exp3A, %add3A_11 : vector<2x2048xf32>
    %exp3A_48 = math.exp %min3A_36 : vector<2x2048xf32>
    %mul3A_49 = arith.mulf %exp3A_48, %add3A_18 : vector<2x2048xf32>
    %mul3A_50 = arith.constant 5.000000e-01 : f32
    %mul3A_51 = vector.broadcast %mul3A_50 : f32 to vector<2x2048xf32>
    %mul3A_52 = arith.mulf %mul3A_51, %mul3A_47 : vector<2x2048xf32>
    %sub3A_53 = arith.subf %add3A_41, %mul3A_52 : vector<2x2048xf32>
    %jit3A = arith.constant 0.000000e+00 : f32
    %jit3A_54 = arith.constant 1.023000e+03 : f32
    %max3A = vector.broadcast %jit3A : f32 to vector<2x2048xf32>
    %max3A_55 = arith.maximumf %max3A, %sub3A_53 : vector<2x2048xf32>
    %min3A_56 = vector.broadcast %jit3A_54 : f32 to vector<2x2048xf32>
    %min3A_57 = arith.minimumf %min3A_56, %max3A_55 : vector<2x2048xf32>
    %mul3A_58 = arith.constant 5.000000e-01 : f32
    %mul3A_59 = vector.broadcast %mul3A_58 : f32 to vector<2x2048xf32>
    %mul3A_60 = arith.mulf %mul3A_59, %mul3A_49 : vector<2x2048xf32>
    %sub3A_61 = arith.subf %add3A_46, %mul3A_60 : vector<2x2048xf32>
    %jit3A_62 = arith.constant 0.000000e+00 : f32
    %jit3A_63 = arith.constant 1.023000e+03 : f32
    %max3A_64 = vector.broadcast %jit3A_62 : f32 to vector<2x2048xf32>
    %max3A_65 = arith.maximumf %max3A_64, %sub3A_61 : vector<2x2048xf32>
    %min3A_66 = vector.broadcast %jit3A_63 : f32 to vector<2x2048xf32>
    %min3A_67 = arith.minimumf %min3A_66, %max3A_65 : vector<2x2048xf32>
    %mul3A_68 = arith.constant 5.000000e-01 : f32
    %mul3A_69 = vector.broadcast %mul3A_68 : f32 to vector<2x2048xf32>
    %mul3A_70 = arith.mulf %mul3A_69, %mul3A_47 : vector<2x2048xf32>
    %add3A_71 = arith.addf %add3A_41, %mul3A_70 : vector<2x2048xf32>
    %sub3A_72 = arith.constant 1.000000e+00 : f32
    %sub3A_73 = vector.broadcast %sub3A_72 : f32 to vector<2x2048xf32>
    %sub3A_74 = arith.subf %add3A_71, %sub3A_73 : vector<2x2048xf32>
    %jit3A_75 = arith.constant 0.000000e+00 : f32
    %jit3A_76 = arith.constant 1.023000e+03 : f32
    %max3A_77 = vector.broadcast %jit3A_75 : f32 to vector<2x2048xf32>
    %max3A_78 = arith.maximumf %max3A_77, %sub3A_74 : vector<2x2048xf32>
    %min3A_79 = vector.broadcast %jit3A_76 : f32 to vector<2x2048xf32>
    %min3A_80 = arith.minimumf %min3A_79, %max3A_78 : vector<2x2048xf32>
    %mul3A_81 = arith.constant 5.000000e-01 : f32
    %mul3A_82 = vector.broadcast %mul3A_81 : f32 to vector<2x2048xf32>
    %mul3A_83 = arith.mulf %mul3A_82, %mul3A_49 : vector<2x2048xf32>
    %add3A_84 = arith.addf %add3A_46, %mul3A_83 : vector<2x2048xf32>
    %sub3A_85 = arith.constant 1.000000e+00 : f32
    %sub3A_86 = vector.broadcast %sub3A_85 : f32 to vector<2x2048xf32>
    %sub3A_87 = arith.subf %add3A_84, %sub3A_86 : vector<2x2048xf32>
    %jit3A_88 = arith.constant 0.000000e+00 : f32
    %jit3A_89 = arith.constant 1.023000e+03 : f32
    %max3A_90 = vector.broadcast %jit3A_88 : f32 to vector<2x2048xf32>
    %max3A_91 = arith.maximumf %max3A_90, %sub3A_87 : vector<2x2048xf32>
    %min3A_92 = vector.broadcast %jit3A_89 : f32 to vector<2x2048xf32>
    %min3A_93 = arith.minimumf %min3A_92, %max3A_91 : vector<2x2048xf32>
    %sub3A_94 = arith.subf %min3A_80, %min3A_57 : vector<2x2048xf32>
    %add3A_95 = arith.constant 1.000000e+00 : f32
    %add3A_96 = vector.broadcast %add3A_95 : f32 to vector<2x2048xf32>
    %add3A_97 = arith.addf %sub3A_94, %add3A_96 : vector<2x2048xf32>
    %sub3A_98 = arith.subf %min3A_93, %min3A_67 : vector<2x2048xf32>
    %add3A_99 = arith.constant 1.000000e+00 : f32
    %add3A_100 = vector.broadcast %add3A_99 : f32 to vector<2x2048xf32>
    %add3A_101 = arith.addf %sub3A_98, %add3A_100 : vector<2x2048xf32>
    %div3A = arith.constant 2.000000e+00 : f32
    %div3A_102 = vector.broadcast %div3A : f32 to vector<2x2048xf32>
    %div3A_103 = arith.divf %add3A_97, %div3A_102 : vector<2x2048xf32>
    %add3A_104 = arith.addf %min3A_57, %div3A_103 : vector<2x2048xf32>
    %div3A_105 = arith.constant 2.000000e+00 : f32
    %div3A_106 = vector.broadcast %div3A_105 : f32 to vector<2x2048xf32>
    %div3A_107 = arith.divf %add3A_101, %div3A_106 : vector<2x2048xf32>
    %add3A_108 = arith.addf %min3A_67, %div3A_107 : vector<2x2048xf32>
    %ge3A = arith.constant 0.000000e+00 : f32
    %ge3A_109 = vector.broadcast %ge3A : f32 to vector<2x2048xf32>
    %ge3A_110 = arith.cmpf oge, %add3A_97, %ge3A_109 : vector<2x2048xf32>
    %ge3A_111 = arith.constant 0.000000e+00 : f32
    %ge3A_112 = vector.broadcast %ge3A_111 : f32 to vector<2x2048xf32>
    %ge3A_113 = arith.cmpf oge, %add3A_101, %ge3A_112 : vector<2x2048xf32>
    %and3A = arith.andi %ge3A_110, %ge3A_113 : vector<2x2048xi1>
    %lt3A_114 = arith.constant 1.024000e+03 : f32
    %lt3A_115 = vector.broadcast %lt3A_114 : f32 to vector<2x2048xf32>
    %lt3A_116 = arith.cmpf olt, %add3A_104, %lt3A_115 : vector<2x2048xf32>
    %and3A_117 = arith.andi %and3A, %lt3A_116 : vector<2x2048xi1>
    %lt3A_118 = arith.constant 1.024000e+03 : f32
    %lt3A_119 = vector.broadcast %lt3A_118 : f32 to vector<2x2048xf32>
    %lt3A_120 = arith.cmpf olt, %add3A_108, %lt3A_119 : vector<2x2048xf32>
    %and3A_121 = arith.andi %and3A_117, %lt3A_120 : vector<2x2048xi1>
    %and3A_122 = arith.andi %and3A_121, %lt3A_1 : vector<2x2048xi1>
    %get3A_123 = arith.constant 0 : index
    %get3A_124 = arith.constant 0 : index
    %get3A_125 = vector.load %arg0[%get3A_123, %get3A_124] : memref<2x2048xf32, #tpu.memory_space<vmem>>, vector<2x2048xf32>
    %logistic3A = arith.negf %get3A_125 : vector<2x2048xf32>
    %logistic3A_126 = math.exp %logistic3A : vector<2x2048xf32>
    %logistic3A_127 = arith.constant 1.000000e+00 : f32
    %logistic3A_128 = vector.broadcast %logistic3A_127 : f32 to vector<2x2048xf32>
    %logistic3A_129 = arith.addf %logistic3A_128, %logistic3A_126 : vector<2x2048xf32>
    %logistic3A_130 = arith.divf %logistic3A_128, %logistic3A_129 : vector<2x2048xf32>
    %jit3A_131 = arith.constant -1.000000e+04 : f32
    %broadcast_in_dim3A = vector.broadcast %jit3A_131 : f32 to vector<2x2048xf32>
    %select_n3A = arith.select %and3A_122, %logistic3A_130, %broadcast_in_dim3A : vector<2x2048xi1>, vector<2x2048xf32>
    %swap3A = arith.constant 0 : index
    %swap3A_132 = arith.constant 0 : index
    %swap3A_133 = vector.load %arg13[%swap3A, %swap3A_132] : memref<2x2048xf32, #tpu.memory_space<vmem>>, vector<2x2048xf32>
    tpu.vector_store %arg13[%swap3A, %swap3A_132], %select_n3A {strides = array<i32>} : memref<2x2048xf32, #tpu.memory_space<vmem>>, vector<2x2048xf32>,
    %jit3A_134 = arith.constant 1.000000e+00 : f32
    %jit3A_135 = arith.constant 0.000000e+00 : f32
    %broadcast_in_dim3A_136 = vector.broadcast %jit3A_134 : f32 to vector<2x2048xf32>
    %broadcast_in_dim3A_137 = vector.broadcast %jit3A_135 : f32 to vector<2x2048xf32>
    %select_n3A_138 = arith.select %and3A_122, %broadcast_in_dim3A_136, %broadcast_in_dim3A_137 : vector<2x2048xi1>, vector<2x2048xf32>
    %swap3A_139 = arith.constant 0 : index
    %swap3A_140 = arith.constant 0 : index
    %swap3A_141 = vector.load %arg14[%swap3A_139, %swap3A_140] : memref<2x2048xf32, #tpu.memory_space<vmem>>, vector<2x2048xf32>
    tpu.vector_store %arg14[%swap3A_139, %swap3A_140], %select_n3A_138 {strides = array<i32>} : memref<2x2048xf32, #tpu.memory_space<vmem>>, vector<2x2048xf32>,
    %jit3A_142 = arith.constant 0.000000e+00 : f32
    %broadcast_in_dim3A_143 = vector.broadcast %jit3A_142 : f32 to vector<2x2048xf32>
    %select_n3A_144 = arith.select %lt3A_1, %min3A_57, %broadcast_in_dim3A_143 : vector<2x2048xi1>, vector<2x2048xf32>
    %swap3A_145 = arith.constant 0 : index
    %swap3A_146 = arith.constant 0 : index
    %swap3A_147 = vector.load %arg9[%swap3A_145, %swap3A_146] : memref<2x2048xf32, #tpu.memory_space<vmem>>, vector<2x2048xf32>
    tpu.vector_store %arg9[%swap3A_145, %swap3A_146], %select_n3A_144 {strides = array<i32>} : memref<2x2048xf32, #tpu.memory_space<vmem>>, vector<2x2048xf32>,
    %jit3A_148 = arith.constant 0.000000e+00 : f32
    %broadcast_in_dim3A_149 = vector.broadcast %jit3A_148 : f32 to vector<2x2048xf32>
    %select_n3A_150 = arith.select %lt3A_1, %min3A_67, %broadcast_in_dim3A_149 : vector<2x2048xi1>, vector<2x2048xf32>
    %swap3A_151 = arith.constant 0 : index
    %swap3A_152 = arith.constant 0 : index
    %swap3A_153 = vector.load %arg10[%swap3A_151, %swap3A_152] : memref<2x2048xf32, #tpu.memory_space<vmem>>, vector<2x2048xf32>
    tpu.vector_store %arg10[%swap3A_151, %swap3A_152], %select_n3A_150 {strides = array<i32>} : memref<2x2048xf32, #tpu.memory_space<vmem>>, vector<2x2048xf32>,
    %jit3A_154 = arith.constant -1.000000e+00 : f32
    %broadcast_in_dim3A_155 = vector.broadcast %jit3A_154 : f32 to vector<2x2048xf32>
    %select_n3A_156 = arith.select %lt3A_1, %min3A_80, %broadcast_in_dim3A_155 : vector<2x2048xi1>, vector<2x2048xf32>
    %swap3A_157 = arith.constant 0 : index
    %swap3A_158 = arith.constant 0 : index
    %swap3A_159 = vector.load %arg11[%swap3A_157, %swap3A_158] : memref<2x2048xf32, #tpu.memory_space<vmem>>, vector<2x2048xf32>
    tpu.vector_store %arg11[%swap3A_157, %swap3A_158], %select_n3A_156 {strides = array<i32>} : memref<2x2048xf32, #tpu.memory_space<vmem>>, vector<2x2048xf32>,
    %jit3A_160 = arith.constant -1.000000e+00 : f32
    %broadcast_in_dim3A_161 = vector.broadcast %jit3A_160 : f32 to vector<2x2048xf32>
    %select_n3A_162 = arith.select %lt3A_1, %min3A_93, %broadcast_in_dim3A_161 : vector<2x2048xi1>, vector<2x2048xf32>
    %swap3A_163 = arith.constant 0 : index
    %swap3A_164 = arith.constant 0 : index
    %swap3A_165 = vector.load %arg12[%swap3A_163, %swap3A_164] : memref<2x2048xf32, #tpu.memory_space<vmem>>, vector<2x2048xf32>
    tpu.vector_store %arg12[%swap3A_163, %swap3A_164], %select_n3A_162 {strides = array<i32>} : memref<2x2048xf32, #tpu.memory_space<vmem>>, vector<2x2048xf32>,
    return
  }
}

module attributes {stable_mosaic.version = 14 : i64} {
  func.func @_nms_kernel(%arg0: memref<2x2048xf32, #tpu.memory_space<vmem>>, %arg1: memref<2x2048xf32, #tpu.memory_space<vmem>>, %arg2: memref<2x2048xf32, #tpu.memory_space<vmem>>, %arg3: memref<2x2048xf32, #tpu.memory_space<vmem>>, %arg4: memref<2x2048xf32, #tpu.memory_space<vmem>>, %arg5: memref<2x2048xf32, #tpu.memory_space<vmem>>, %arg6: memref<2x2048xf32, #tpu.memory_space<vmem>>) attributes {dimension_semantics = [], scalar_prefetch = 0 : i64, scratch_operands = 0 : i64, tpu.core_type = #tpu.core_type<tc>} {
    %get3A = arith.constant 0 : index
    %get3A_0 = arith.constant 0 : index
    %get3A_1 = vector.load %arg0[%get3A, %get3A_0] : memref<2x2048xf32, #tpu.memory_space<vmem>>, vector<2x2048xf32>
    %get3A_2 = arith.constant 0 : index
    %get3A_3 = arith.constant 0 : index
    %get3A_4 = vector.load %arg1[%get3A_2, %get3A_3] : memref<2x2048xf32, #tpu.memory_space<vmem>>, vector<2x2048xf32>
    %get3A_5 = arith.constant 0 : index
    %get3A_6 = arith.constant 0 : index
    %get3A_7 = vector.load %arg2[%get3A_5, %get3A_6] : memref<2x2048xf32, #tpu.memory_space<vmem>>, vector<2x2048xf32>
    %get3A_8 = arith.constant 0 : index
    %get3A_9 = arith.constant 0 : index
    %get3A_10 = vector.load %arg3[%get3A_8, %get3A_9] : memref<2x2048xf32, #tpu.memory_space<vmem>>, vector<2x2048xf32>
    %sub3A = arith.subf %get3A_7, %get3A_1 : vector<2x2048xf32>
    %add3A = arith.constant 1.000000e+00 : f32
    %add3A_11 = vector.broadcast %add3A : f32 to vector<2x2048xf32>
    %add3A_12 = arith.addf %sub3A, %add3A_11 : vector<2x2048xf32>
    %sub3A_13 = arith.subf %get3A_10, %get3A_4 : vector<2x2048xf32>
    %add3A_14 = arith.constant 1.000000e+00 : f32
    %add3A_15 = vector.broadcast %add3A_14 : f32 to vector<2x2048xf32>
    %add3A_16 = arith.addf %sub3A_13, %add3A_15 : vector<2x2048xf32>
    %mul3A = arith.mulf %add3A_12, %add3A_16 : vector<2x2048xf32>
    %iota3A = tpu.iota {dimensions = array<i32: 1>} : vector<2x2048xi32>
    %broadcast_in_dim3A = arith.constant 1.000000e+00 : f32
    %broadcast_in_dim3A_17 = vector.broadcast %broadcast_in_dim3A : f32 to vector<2x2048xf32>
    %scan3A = arith.constant 0 : i32
    %scan3A_18 = arith.constant 2000 : i32
    %scan3A_19 = arith.addi %scan3A, %scan3A_18 : i32
    %scan3A_20 = arith.constant 1 : i32
    %scan3A_21 = scf.for %scan3A_37 = %scan3A to %scan3A_19 step %scan3A_20 iter_args(%scan3A_38 = %broadcast_in_dim3A_17) -> (vector<2x2048xf32>)  : i32 {
      %eq3A = vector.broadcast %scan3A_37 : i32 to vector<2x2048xi32>
      %eq3A_39 = arith.cmpi eq, %iota3A, %eq3A : vector<2x2048xi32>
      %jit3A_40 = arith.constant 0.000000e+00 : f32
      %broadcast_in_dim3A_41 = vector.broadcast %jit3A_40 : f32 to vector<2x2048xf32>
      %select_n3A_42 = arith.select %eq3A_39, %get3A_1, %broadcast_in_dim3A_41 : vector<2x2048xi1>, vector<2x2048xf32>
      %reduce_sum3A = arith.constant dense<0.000000e+00> : vector<2xf32>
      %reduce_sum3A_43 = vector.multi_reduction <add>, %select_n3A_42, %reduce_sum3A [1] : vector<2x2048xf32> to vector<2xf32>
      %broadcast_in_dim3A_44 = vector.shape_cast %reduce_sum3A_43 : vector<2xf32> to vector<2x1xf32>
      %jit3A_45 = arith.constant 0.000000e+00 : f32
      %broadcast_in_dim3A_46 = vector.broadcast %jit3A_45 : f32 to vector<2x2048xf32>
      %select_n3A_47 = arith.select %eq3A_39, %get3A_4, %broadcast_in_dim3A_46 : vector<2x2048xi1>, vector<2x2048xf32>
      %reduce_sum3A_48 = arith.constant dense<0.000000e+00> : vector<2xf32>
      %reduce_sum3A_49 = vector.multi_reduction <add>, %select_n3A_47, %reduce_sum3A_48 [1] : vector<2x2048xf32> to vector<2xf32>
      %broadcast_in_dim3A_50 = vector.shape_cast %reduce_sum3A_49 : vector<2xf32> to vector<2x1xf32>
      %jit3A_51 = arith.constant 0.000000e+00 : f32
      %broadcast_in_dim3A_52 = vector.broadcast %jit3A_51 : f32 to vector<2x2048xf32>
      %select_n3A_53 = arith.select %eq3A_39, %get3A_7, %broadcast_in_dim3A_52 : vector<2x2048xi1>, vector<2x2048xf32>
      %reduce_sum3A_54 = arith.constant dense<0.000000e+00> : vector<2xf32>
      %reduce_sum3A_55 = vector.multi_reduction <add>, %select_n3A_53, %reduce_sum3A_54 [1] : vector<2x2048xf32> to vector<2xf32>
      %broadcast_in_dim3A_56 = vector.shape_cast %reduce_sum3A_55 : vector<2xf32> to vector<2x1xf32>
      %jit3A_57 = arith.constant 0.000000e+00 : f32
      %broadcast_in_dim3A_58 = vector.broadcast %jit3A_57 : f32 to vector<2x2048xf32>
      %select_n3A_59 = arith.select %eq3A_39, %get3A_10, %broadcast_in_dim3A_58 : vector<2x2048xi1>, vector<2x2048xf32>
      %reduce_sum3A_60 = arith.constant dense<0.000000e+00> : vector<2xf32>
      %reduce_sum3A_61 = vector.multi_reduction <add>, %select_n3A_59, %reduce_sum3A_60 [1] : vector<2x2048xf32> to vector<2xf32>
      %broadcast_in_dim3A_62 = vector.shape_cast %reduce_sum3A_61 : vector<2xf32> to vector<2x1xf32>
      %jit3A_63 = arith.constant 0.000000e+00 : f32
      %broadcast_in_dim3A_64 = vector.broadcast %jit3A_63 : f32 to vector<2x2048xf32>
      %select_n3A_65 = arith.select %eq3A_39, %scan3A_38, %broadcast_in_dim3A_64 : vector<2x2048xi1>, vector<2x2048xf32>
      %reduce_sum3A_66 = arith.constant dense<0.000000e+00> : vector<2xf32>
      %reduce_sum3A_67 = vector.multi_reduction <add>, %select_n3A_65, %reduce_sum3A_66 [1] : vector<2x2048xf32> to vector<2xf32>
      %broadcast_in_dim3A_68 = vector.shape_cast %reduce_sum3A_67 : vector<2xf32> to vector<2x1xf32>
      %sub3A_69 = arith.subf %broadcast_in_dim3A_56, %broadcast_in_dim3A_44 : vector<2x1xf32>
      %add3A_70 = arith.constant 1.000000e+00 : f32
      %add3A_71 = vector.broadcast %add3A_70 : f32 to vector<2x1xf32>
      %add3A_72 = arith.addf %sub3A_69, %add3A_71 : vector<2x1xf32>
      %sub3A_73 = arith.subf %broadcast_in_dim3A_62, %broadcast_in_dim3A_50 : vector<2x1xf32>
      %add3A_74 = arith.constant 1.000000e+00 : f32
      %add3A_75 = vector.broadcast %add3A_74 : f32 to vector<2x1xf32>
      %add3A_76 = arith.addf %sub3A_73, %add3A_75 : vector<2x1xf32>
      %mul3A_77 = arith.mulf %add3A_72, %add3A_76 : vector<2x1xf32>
      %min3A = vector.broadcast %broadcast_in_dim3A_56 : vector<2x1xf32> to vector<2x2048xf32>
      %min3A_78 = arith.minimumf %get3A_7, %min3A : vector<2x2048xf32>
      %max3A = vector.broadcast %broadcast_in_dim3A_44 : vector<2x1xf32> to vector<2x2048xf32>
      %max3A_79 = arith.maximumf %get3A_1, %max3A : vector<2x2048xf32>
      %sub3A_80 = arith.subf %min3A_78, %max3A_79 : vector<2x2048xf32>
      %add3A_81 = arith.constant 1.000000e+00 : f32
      %add3A_82 = vector.broadcast %add3A_81 : f32 to vector<2x2048xf32>
      %add3A_83 = arith.addf %sub3A_80, %add3A_82 : vector<2x2048xf32>
      %max3A_84 = arith.constant 0.000000e+00 : f32
      %max3A_85 = vector.broadcast %max3A_84 : f32 to vector<2x2048xf32>
      %max3A_86 = arith.maximumf %add3A_83, %max3A_85 : vector<2x2048xf32>
      %min3A_87 = vector.broadcast %broadcast_in_dim3A_62 : vector<2x1xf32> to vector<2x2048xf32>
      %min3A_88 = arith.minimumf %get3A_10, %min3A_87 : vector<2x2048xf32>
      %max3A_89 = vector.broadcast %broadcast_in_dim3A_50 : vector<2x1xf32> to vector<2x2048xf32>
      %max3A_90 = arith.maximumf %get3A_4, %max3A_89 : vector<2x2048xf32>
      %sub3A_91 = arith.subf %min3A_88, %max3A_90 : vector<2x2048xf32>
      %add3A_92 = arith.constant 1.000000e+00 : f32
      %add3A_93 = vector.broadcast %add3A_92 : f32 to vector<2x2048xf32>
      %add3A_94 = arith.addf %sub3A_91, %add3A_93 : vector<2x2048xf32>
      %max3A_95 = arith.constant 0.000000e+00 : f32
      %max3A_96 = vector.broadcast %max3A_95 : f32 to vector<2x2048xf32>
      %max3A_97 = arith.maximumf %add3A_94, %max3A_96 : vector<2x2048xf32>
      %mul3A_98 = arith.mulf %max3A_86, %max3A_97 : vector<2x2048xf32>
      %add3A_99 = vector.broadcast %mul3A_77 : vector<2x1xf32> to vector<2x2048xf32>
      %add3A_100 = arith.addf %mul3A, %add3A_99 : vector<2x2048xf32>
      %sub3A_101 = arith.subf %add3A_100, %mul3A_98 : vector<2x2048xf32>
      %div3A = arith.divf %mul3A_98, %sub3A_101 : vector<2x2048xf32>
      %gt3A_102 = arith.constant 0.699999988 : f32
      %gt3A_103 = vector.broadcast %gt3A_102 : f32 to vector<2x2048xf32>
      %gt3A_104 = arith.cmpf ogt, %div3A, %gt3A_103 : vector<2x2048xf32>
      %gt3A_105 = vector.broadcast %scan3A_37 : i32 to vector<2x2048xi32>
      %gt3A_106 = arith.cmpi sgt, %iota3A, %gt3A_105 : vector<2x2048xi32>
      %and3A_107 = arith.andi %gt3A_104, %gt3A_106 : vector<2x2048xi1>
      %gt3A_108 = arith.constant 5.000000e-01 : f32
      %gt3A_109 = vector.broadcast %gt3A_108 : f32 to vector<2x1xf32>
      %gt3A_110 = arith.cmpf ogt, %broadcast_in_dim3A_68, %gt3A_109 : vector<2x1xf32>
      %and3A_111 = vector.broadcast %gt3A_110 : vector<2x1xi1> to vector<2x2048xi1>
      %and3A_112 = arith.andi %and3A_107, %and3A_111 : vector<2x2048xi1>
      %jit3A_113 = arith.constant 0.000000e+00 : f32
      %broadcast_in_dim3A_114 = vector.broadcast %jit3A_113 : f32 to vector<2x2048xf32>
      %select_n3A_115 = arith.select %and3A_112, %broadcast_in_dim3A_114, %scan3A_38 : vector<2x2048xi1>, vector<2x2048xf32>
      scf.yield %select_n3A_115 : vector<2x2048xf32>
    }
    %scan3A_22 = arith.constant 2000 : i32
    %gt3A = arith.constant 5.000000e-01 : f32
    %gt3A_23 = vector.broadcast %gt3A : f32 to vector<2x2048xf32>
    %gt3A_24 = arith.cmpf ogt, %scan3A_21, %gt3A_23 : vector<2x2048xf32>
    %get3A_25 = arith.constant 0 : index
    %get3A_26 = arith.constant 0 : index
    %get3A_27 = vector.load %arg4[%get3A_25, %get3A_26] : memref<2x2048xf32, #tpu.memory_space<vmem>>, vector<2x2048xf32>
    %gt3A_28 = arith.constant 5.000000e-01 : f32
    %gt3A_29 = vector.broadcast %gt3A_28 : f32 to vector<2x2048xf32>
    %gt3A_30 = arith.cmpf ogt, %get3A_27, %gt3A_29 : vector<2x2048xf32>
    %and3A = arith.andi %gt3A_24, %gt3A_30 : vector<2x2048xi1>
    %get3A_31 = arith.constant 0 : index
    %get3A_32 = arith.constant 0 : index
    %get3A_33 = vector.load %arg5[%get3A_31, %get3A_32] : memref<2x2048xf32, #tpu.memory_space<vmem>>, vector<2x2048xf32>
    %jit3A = arith.constant -1.000000e+04 : f32
    %broadcast_in_dim3A_34 = vector.broadcast %jit3A : f32 to vector<2x2048xf32>
    %select_n3A = arith.select %and3A, %get3A_33, %broadcast_in_dim3A_34 : vector<2x2048xi1>, vector<2x2048xf32>
    %swap3A = arith.constant 0 : index
    %swap3A_35 = arith.constant 0 : index
    %swap3A_36 = vector.load %arg6[%swap3A, %swap3A_35] : memref<2x2048xf32, #tpu.memory_space<vmem>>, vector<2x2048xf32>
    tpu.vector_store %arg6[%swap3A, %swap3A_35], %select_n3A {strides = array<i32>} : memref<2x2048xf32, #tpu.memory_space<vmem>>, vector<2x2048xf32>,
    return
  }
}

</mosaic_0001>

<sc_bundles>
// kernel: gather_offload_async_start.10
scs
__scs_entry_jumppad:
0x0: {  	(pc) =	sbr.rel $0x88, $3  }
0x1: {  	(tag) =	ssettag $0x0;
	lr =	simm.s32 $0x1  }
0x2: {  	[smem:$0x3F9E] =	sst lr;
	_ =	strace $0xD0000000  }
0x3: {  	_ = 	snop  }
0x4: {  	_ = 	snop  }
0x5: {  	_ = 	snop  }
0x6: {  	_ = 	snop  }
0x7: {  	_ = 	snop  }
__scs_overlays_trampoline_lowered:
0x8: {  	[smem:$0x3FAD] =	sst s0  }
0x9: {  	[smem:$0x3FAE] =	sst s1  }
0xa: {  	[smem:$0x3FAF] =	sst s2  }
0xb: {  	[smem:$0x3FB0] =	sst s3  }
0xc: {  	[smem:$0x3FB1] =	sst s4  }
0xd: {  	[smem:$0x3FB2] =	sst s5  }
0xe: {  	[smem:$0x3FB3] =	sst s6  }
0xf: {  	[smem:$0x3FB4] =	sst s7  }
0x10: {  	[smem:$0x3FB5] =	sst s8  }
0x11: {  	[smem:$0x3FB6] =	sst s9;
	s0 =	simm.s32 @!p0 $0x0  }
0x12: {  	s1 =	sld [smem:$0x3F9C];
	s0 =	simm.s32 @p0 $0x1  }
0x13: {  	[smem:$0x3FB7] =	sst s0;
	s0 =	simm.s32 @!p1 $0x0  }
0x14: {  	s2 =	sld [smem:$0x3F9B];
	s0 =	simm.s32 @p1 $0x1  }
0x15: {  	[smem:$0x3FB8] =	sst s0;
	s0 =	simm.s32 @!p2 $0x0  }
0x16: {  	s3 =	sld [smem:$0x3FDB];
	s0 =	simm.s32 @p2 $0x1  }
0x17: {  	s4 =	simm.s32 $0x1BF5;
	[smem:$0x3FBA] =	sst s0  }
0x18: {  	s0 =	sld [smem:$0x3F9D];
	_ =	swait.ge [sflag:s4], $0x0  }
0x19: {  	s7 =	sld [smem:$0x3F9E]  }
0x1a: {  	s8 =	sadd.s32 $0xFFFFE003, lr  }
0x1b: {  	s9 =	sadd.s32 $0xFFFFFEF7, lr;
	s5 =	simm.s32 $0xFFFFFFFF;
	p2 =	slt.u32 s8, $0xFFFFF086  }
0x1c: {  	p1 =	slt.u32 s9, $0xF7A;
	s5 =	simm.s32 @!p2 $0x0  }
0x1d: {  	s5 =	simm.s32 @p1 $0x1;
	p0 =	seq.s32 s7, s2  }
0x1e: {  	s7 =	smul.u32 @!p0 $0xF7A, s2;
	p2 =	seq.s32 @!p0 s5, $0x0  }
0x1f: {  	s9 =	smul.u32 $0xF7A, s1;
	s8 =	simm.s32 @!p0 $0x1BF5;
	p2 =	por !p2, p0  }
0x20: {  	[sflag:s8] =	ssyncset.s32 @!p0 $0xFFFFF086;
	s6 =	sadd.s32 @!p0 s3, s7;
	s7 =	simm.s32 @!p0 $0x108  }
0x21: {  	s3 =	sadd.s32 s3, s9;
	s6 =	sadd.s32 @!p0 $0x88, s6;
	s7 =	simm.s32 @p2 $0x1082  }
0x22: {  	[simem:s7], [sflag:s8] =	dma.local @!p0 [hbm:s6], $0xF7A  }
0x23: {  	s9 =	sor.u32 $0xD0000000, s2;
	s6 =	simm.s32 $0x108;
	_ =	swait.ge @!p0 [sflag:s8], $0x0  }
0x24: {  	s3 =	sadd.s32 $0x88, s3;
	s6 =	simm.s32 @!p1 $0x1082;
	[sflag:s4] =	ssyncset.s32 $0xFFFFF086  }
0x25: {  	[simem:s6], [sflag:s4] =	dma.local [hbm:s3], $0xF7A  }
0x26: {  	[smem:$0x3F9E] =	sst s1;
	(tag) =	ssettag s2;
	_ =	strace s9  }
0x27: {  	s1 =	sld [smem:$0x3FAE]  }
0x28: {  	s2 =	sld [smem:$0x3FAF]  }
0x29: {  	s4 =	sld [smem:$0x3FB1]  }
0x2a: {  	p0 =	seq.s32 s5, $0x0;
	s5 =	sld [smem:$0x3FB2]  }
0x2b: {  	s6 =	sld [smem:$0x3FB3]  }
0x2c: {  	s7 =	sld [smem:$0x3FB4]  }
0x2d: {  	s3 =	simm.s32 $0x108;
	s8 =	sld [smem:$0x3FB5]  }
0x2e: {  	s3 =	simm.s32 @!p0 $0x1082;
	s9 =	sld [smem:$0x3FB6]  }
0x2f: {  	lr =	sadd.s32 s0, s3;
	s0 =	sld [smem:$0x3FAD]  }
0x30: {  	s3 =	sld [smem:$0x3FB0]  }
0x31: {  	[smem:$0x3FB9] =	sst s10  }
0x32: {  	s10 =	sld [smem:$0x3FB7];
	_ =	sdelay $0x3  }
0x33: {  	p0 =	seq.s32 s10, $0x1;
	s10 =	sld [smem:$0x3FB9];
	_ =	sdelay $0x3  }
0x34: {  	[smem:$0x3FB9] =	sst s10  }
0x35: {  	s10 =	sld [smem:$0x3FB8];
	_ =	sdelay $0x3  }
0x36: {  	p1 =	seq.s32 s10, $0x1;
	s10 =	sld [smem:$0x3FB9];
	_ =	sdelay $0x3  }
0x37: {  	[smem:$0x3FB9] =	sst s10  }
0x38: {  	s10 =	sld [smem:$0x3FBA]  }
0x39: {  	_ = 	snop;
	(pc) =	sbr.ind lr, $3  }
0x3a: {  	_ = 	snop  }
0x3b: {  	_ = 	snop  }
0x3c: {  	p2 =	seq.s32 s10, $0x1;
	s10 =	sld [smem:$0x3FB9]  }
0x3d: {  	_ =	shalt  }
0x3e: {  	_ =	shalt  }
0x3f: {  	_ =	shalt  }
0x40: {  	_ =	shalt  }
0x41: {  	_ =	shalt  }
0x42: {  	_ =	shalt  }
0x43: {  	_ =	shalt  }
0x44: {  	_ =	shalt  }
0x45: {  	_ =	shalt  }
0x46: {  	_ =	shalt  }
0x47: {  	_ =	shalt  }
0x48: {  	_ =	shalt  }
0x49: {  	_ =	shalt  }
0x4a: {  	_ =	shalt  }
0x4b: {  	_ =	shalt  }
0x4c: {  	_ =	shalt  }
0x4d: {  	_ =	shalt  }
0x4e: {  	_ =	shalt  }
0x4f: {  	_ =	shalt  }
0x50: {  	_ =	shalt  }
0x51: {  	_ =	shalt  }
0x52: {  	_ =	shalt  }
0x53: {  	_ =	shalt  }
0x54: {  	_ =	shalt  }
0x55: {  	_ =	shalt  }
0x56: {  	_ =	shalt  }
0x57: {  	_ =	shalt  }
0x58: {  	_ =	shalt  }
0x59: {  	_ =	shalt  }
0x5a: {  	_ =	shalt  }
0x5b: {  	_ =	shalt  }
0x5c: {  	_ =	shalt  }
0x5d: {  	_ =	shalt  }
0x5e: {  	_ =	shalt  }
0x5f: {  	_ =	shalt  }
0x60: {  	_ =	shalt  }
0x61: {  	_ =	shalt  }
0x62: {  	_ =	shalt  }
0x63: {  	_ =	shalt  }
0x64: {  	_ =	shalt  }
0x65: {  	_ =	shalt  }
0x66: {  	_ =	shalt  }
0x67: {  	_ =	shalt  }
0x68: {  	_ =	shalt  }
0x69: {  	_ =	shalt  }
0x6a: {  	_ =	shalt  }
0x6b: {  	_ =	shalt  }
0x6c: {  	_ =	shalt  }
0x6d: {  	_ =	shalt  }
0x6e: {  	_ =	shalt  }
0x6f: {  	_ =	shalt  }
0x70: {  	_ =	shalt  }
0x71: {  	_ =	shalt  }
0x72: {  	_ =	shalt  }
0x73: {  	_ =	shalt  }
0x74: {  	_ =	shalt  }
0x75: {  	_ =	shalt  }
0x76: {  	_ =	shalt  }
0x77: {  	_ =	shalt  }
0x78: {  	_ =	shalt  }
0x79: {  	_ =	shalt  }
0x7a: {  	_ =	shalt  }
0x7b: {  	_ =	shalt  }
0x7c: {  	_ =	shalt  }
0x7d: {  	_ =	shalt  }
0x7e: {  	_ =	shalt  }
0x7f: {  	_ =	shalt  }
0x80: {  	_ =	shalt  }
0x81: {  	_ =	shalt  }
0x82: {  	_ =	shalt  }
0x83: {  	_ =	shalt  }
0x84: {  	_ =	shalt  }
0x85: {  	_ =	shalt  }
0x86: {  	_ =	shalt  }
0x87: {  	_ =	shalt  }
.Lfunc_end0:
.L_simem_size_0:
called_computation.10_lowered:
.L_overlay_start_0:
0x88: {  	s0 =	sld [smem:$0x3FD9]  }
0x89: {  	s1 =	sld [smem:$0x3FFE];
	_ =	sdelay $0x3  }
0x8a: {  	s0 =	sadd.s32 s1, s0  }
0x8b: {  	[smem:$0x3FC5] =	sst s0  }
0x8c: {  	_ = 	snop  }
0x8d: {  	s0 =	sld [smem:$0x3FD0];
	(tm) =	ssettm $0x1  }
0x8e: {  	s16 =	sld [smem:$0x3FFB];
	_ =	sdelay $0x3  }
0x8f: {  	_ =	strace s16  }
0x90: {  	s1 =	sld [smem:$0x3FFC];
	_ =	sdelay $0x3  }
0x91: {  	_ =	strace s1  }
0x92: {  	s1 =	sld [smem:$0x3FFD];
	_ =	sdelay $0x3  }
0x93: {  	_ =	strace s1  }
0x94: {  	_ =	strace $0x8FFFFFFF  }
0x95: {  	s17 =	sld [smem:$0x3FDB];
	_ =	sdelay $0x1  }
0x96: {  	s2 =	simm.s32 $_scs_section_size  }
0x97: {  	s3 =	simm.s32 $_size__tile_overlayer_lowered;
	s4 =	simm.s32 $_tile_overlayer_lowered  }
0x98: {  	s20 =	simm.s32 $0x1BFF;
	s19 =	sshll.u32 s4, $0x1;
	s1 =	sadd.s32 s2, s17  }
0x99: {  	s5 =	simm.s32 $0x0;
	s18 =	sshll.u32 s3, $0x1;
	s3 =	sadd.s32 s19, s1  }
0x9a: {  	[timem:s5], [sflag:s20] =	dma.local [hbm:s3], s18  }
0x9b: {  	_ =	swait.ge [sflag:s20], s18  }
0x9c: {  	s2 =	ssub.s32 $0x0, s18;
	[sflag:s20] =	ssyncset.done $0x0  }
0x9d: {  	[sflag:s20] =	ssyncadd.s32 s2;
	_ =	sdelay $0x1  }
0x9e: {  	s21 =	simm.s32 $0x1B8B  }
0x9f: {  	_ =	swait.ge [sflag:s21], $0x1  }
0xa0: {  	[sflag:s21] =	ssyncset.done $0x0  }
0xa1: {  	s23 =	simm.s32 $0x1B8E;
	s22 =	sld [smem:$0x3FFE];
	[sflag:s21] =	ssyncadd.s32 $0xFFFFFFFF  }
0xa2: {  	s24 =	simm.s32 $execute0_lowered;
	[smem:$0x3FD2] =	sst s23  }
0xa3: {  	s3 =	sshll.u32 s24, $0x1;
	_ =	strace $0x80000064;
	[dreg:$0x1] =	wrdreg $0xFFFFFFFF  }
0xa4: {  	s25 =	simm.s32 $_size_execute0_lowered;
	s1 =	sadd.s32 s1, s3;
	[dreg:$0x0] =	wrdreg $0x0  }
0xa5: {  	s3 =	sshll.u32 s25, $0x1;
	[dreg:$0x2] =	wrdreg s1  }
0xa6: {  	[dreg:$0x3] =	wrdreg s3  }
0xa7: {  	[dreg:$0x4] =	wrdreg $0xC0  }
0xa8: {  	_ =	task [dreg:s5], $0x5FFFF  }
0xa9: {  	[dreg:$0x1] =	wrdreg $0xFFFFFFFF  }
0xaa: {  	[dreg:$0x0] =	wrdreg $0x60  }
0xab: {  	[dreg:$0x2] =	wrdreg s22  }
0xac: {  	[dreg:$0x3] =	wrdreg s0  }
0xad: {  	[dreg:$0x4] =	wrdreg $0x9  }
0xae: {  	_ =	task.clear_ibuf [dreg:s5], $0x5FFFF;
	_ =	strace $0x90000064  }
0xaf: {  	s26 =	simm.s32 $0x9;
	_ =	strace $0x80000066  }
0xb0: {  	_ =	swait.ge [sflag:s26], $0x1  }
0xb1: {  	[sflag:s26] =	ssyncadd.s32 $0xFFFFFFFF  }
0xb2: {  	_ =	strace $0x90000066  }
0xb3: {  	_ =	sfence  }
0xb4: {  	s28 =	sld [smem:$0x0];
	_ =	sdelay $0x1  }
0xb5: {  	s29 =	srdreg.scid  }
0xb6: {  	s30 =	sshll.u32 s29, $0xD;
	s31 =	sshrl.u32 s29, $0x2  }
0xb7: {  	s2 =	sand.u32 $0x4000, s30;
	s1 =	sand.u32 $0x1, s29;
	s0 =	sadd.s32 s31, s28  }
0xb8: {  	s1 =	sor.u32 s2, s1;
	s0 =	sshll.u32 s0, $0x11  }
0xb9: {  	s0 =	sor.u32 s0, s1  }
0xba: {  	s0 =	sadd.s32 $0x8F2B, s0  }
0xbb: {  	[sflag:s0] =	ssyncadd.remote.s32 $0x1  }
0xbc: {  	_ =	sfence.sel $0xFFFF  }
0xbd: {  	[dreg:$0x0] =	wrdreg $0xFFFFFFFF;
	(pc) =	sbr.abs _section_cstart, $3  }
0xbe: {  	[dreg:$0x1] =	wrdreg $0xFFFFFFFF  }
0xbf: {  	_ =	task.clear_ibuf [dreg:s5], $0x2FFFF;
	_ =	strace $0x9FFFFFFF  }
0xc0: {  	(tm) =	ssettm $0x7FFFFFFF  }
0xc1: {  	_ =	shalt  }
tec
execute0_lowered:
.L_overlay_start_1:
0x0: {  	(tag) =	ssettag $0x1  }
0x1: {  	s8 =	rddreg [dreg:$0x0]  }
0x2: {  	s2 =	rddreg [dreg:$0x1]  }
0x3: {  	s0 =	rddreg [dreg:$0x2]  }
0x4: {  	s1 =	stileid.u32;
	_ =	strace $0x80000065;
	s5 =	simm.s32 $0x1  }
0x5: {  	s6 =	simm.s32 $0x500;
	s9 =	simm.s32 $0x1;
	s10 =	simm.s32 $0x3  }
0x6: {  	s13 =	simm.s32 $0x0;
	s12 =	simm.s32 $0x0;
	s4 =	smul.u32 $0x50, s1  }
0x7: {  	s3 =	sadd.s32 $0x200, s8;
	p0 =	slt.u32 s1, $0xA;
	[sflag:s5] =	ssyncpa.u1 $0x0  }
.Ltmp0:
0x8: {  	s6 =	simm.s32 @!p0 $0x0;
	s7 =	ssub.s32 $0x7D0, s4;
	(pc) =	sbr.rel .LBB2_1-.Ltmp0, $4  }
0x9: {  	s9 =	simm.s32 @!p0 $0x0;
	p0 =	sne.s32 s7, s6;
	s7 =	simm.s32 $0x1  }
0xa: {  	s8 =	sadd.s32 $0x600, s8;
	s6 =	simm.s32 $0x2;
	s7 =	simm.s32 @!p0 $0x0  }
0xb: {  	s11 =	smov.u32 s4;
	[sflag:s6] =	ssyncpa.u1 $0x0;
	s7 =	sadd.s32 s9, s7  }
0xc: {  	vm0 =	vmmov $0xffff;
	[sflag:s10] =	ssyncpa.u1 $0x0;
	s10 =	simm.s32 $0x0;
	s9 =	sadd.s32 $0x1, s7  }
.LBB2_4:
0xd: {  	v5 =	vld.msk [tilespmem:s18+$0x0 ss:$0x1], $0xffff  }
0xe: {  	v6 =	vand.u32 $0x1, v1;
	v7 =	vshrl.u32 v1, $0x1  }
0xf: {  	v3 =	vor.u32 v4, v3;
	vm1 =	veq.s32 v1, $0x80000000;
	v53 =	vand.u32 $0x7FF, v7  }
0x10: {  	v2 =	vor.u32 v2, v3;
	v54 =	vsel vm1, $0xFFFFFFFF, v6;
	v1 =	vsel vm1, $0xFFFFFFFF, v53  }
0x11: {  	v6 =	vshll.u32 v54, $0x7;
	v3 =	vand.u32 $0xFFFFF000, v54;
	v55 =	vand.u32 $0x7F, v1  }
0x12: {  	v1 =	vshll.u32 v1, $0x1;
	v6 =	vand.u32 $0x80, v6;
	v56 =	vshrl.u32 v5, $0x1  }
0x13: {  	v1 =	vand.u32 $0xFFFFFF00, v1;
	vm1 =	veq.s32 v5, $0x80000000;
	v57 =	vand.u32 $0x7FF, v56  }
0x14: {  	v1 =	vadd.s32 v3, v1;
	v5 =	vand.u32 $0x1, v5;
	v3 =	vsel vm1, $0xFFFFFFFF, v57  }
0x15: {  	v1 =	vor.u32 v6, v1;
	v5 =	vsel vm1, $0xFFFFFFFF, v5;
	v58 =	vshll.u32 v3, $0x1  }
0x16: {  	v59 =	vshll.u32 v5, $0x7;
	v5 =	vand.u32 $0xFFFFF000, v5;
	v6 =	vand.u32 $0xFFFFFF00, v58  }
0x17: {  	v1 =	vor.u32 v55, v1;
	v61 =	vand.u32 $0x80, v59;
	v60 =	vadd.s32 v5, v6  }
0x18: {  	[tilespmem:s16], [sflag:$0x1] =	stream.indirect_vreg.gather [hbm4b:s3+s10], $0x1, v0, vm0, $0x4038;
	v62 =	vand.u32 $0x7F, v3;
	v63 =	vor.u32 v61, v60;
	[tilespmem:$0x140] =	vst v63  }
0x19: {  	(ifvalue) =	ssetifvalue $0x7FFFFFFF;
	v0 =	vor.u32 v62, v63  }
0x1a: {  	[tilespmem:s15], [sflag:$0x1] =	stream.indirect_vreg.gather [hbm4b:s3+s10], $0x1, v2, vm0, $0x4038;
	[tilespmem:$0x140] =	vst v63  }
0x1b: {  	s29 =	sadd.s32 $0x10, s15;
	(ifvalue) =	ssetifvalue $0x7FFFFFFF  }
0x1c: {  	[tilespmem:s29], [sflag:$0x1] =	stream.indirect_vreg.gather [hbm4b:s3+s10], $0x1, v1, vm0, $0x4038;
	[tilespmem:$0x140] =	vst v63  }
0x1d: {  	s15 =	sadd.s32 $0x10, s29;
	(ifvalue) =	ssetifvalue $0x7FFFFFFF  }
0x1e: {  	[tilespmem:s15], [sflag:$0x1] =	stream.indirect_vreg.gather [hbm4b:s3+s10], $0x1, v0, vm0, $0x4038;
	[tilespmem:$0x140] =	vst v63  }
0x1f: {  	_ =	swait.ge [sflag:s5], $0x50  }
0x20: {  	s30 =	sshrl.u32 s13, $0x3;
	[sflag:s5] =	ssyncset.done $0x0  }
0x21: {  	s31 =	sand.u32 $0x7, s13;
	s15 =	sadd.s32 s2, s30;
	[sflag:s5] =	ssyncadd.s32 $0xFFFFFFB0  }
0x22: {  	[hbm4b:s15+s31] =	stream.linear.scatter [tilespmem:s14], [sflag:$0x3], $0x50, $0x38;
	[tilespmem:$0x140] =	vst v63  }
.LBB2_5:
0x23: {  	s15 =	sadd.s32 $0x500, s11  }
0x24: {  	p1 =	sgt.s32 s15, $0x7CF  }
0x25: {  	s15 =	smov.u32 @p1 s4;
	p1 =	sne.s32 s12, s9  }
.Ltmp1:
0x26: {  	p0 =	slt.u32 s12, $0x2;
	(pc) =	sbr.rel @!p1 .LBB2_6-.Ltmp1, $4  }
0x27: {  	s14 =	simm.s32 @!p0 $0x3  }
0x28: {  	_ =	swait.ge @!p0 [sflag:s14], $0x50  }
0x29: {  	s16 =	sadd.s32 $0x1, s12;
	s13 =	smov.u32 s11;
	[sflag:s14] =	ssyncset.done @!p0 $0x0  }
0x2a: {  	s12 =	smov.u32 s16;
	s11 =	smov.u32 s15;
	[sflag:s14] =	ssyncadd.s32 @!p0 $0xFFFFFFB0  }
.LBB2_1:
0x2b: {  	p0 =	sge.u32 s12, s7  }
0x2c: {  	s14 =	sxor.u32 @!p0 $0x1, s12  }
0x2d: {  	s14 =	smul.u32 @!p0 $0x140, s14  }
0x2e: {  	s31 =	sadd.s32 $0xFFFFFFFF, s12;
	s15 =	sshrl.u32 @!p0 s11, $0x3  }
0x2f: {  	s16 =	sand.u32 @!p0 $0x7, s11;
	s15 =	sadd.s32 @!p0 s8, s15;
	s14 =	sshra.s32 @!p0 s14, $0x2  }
0x30: {  	[tilespmem:s14], [sflag:$0x2] =	stream.linear.gather @!p0 [hbm4b:s15+s16], $0x50, $0x38;
	[tilespmem:$0x140] =	vst v63  }
0x31: {  	p0 =	sge.u32 s31, s7  }
.Ltmp2:
0x32: {  	_ = 	snop;
	(pc) =	sbr.rel @p0 .LBB2_5-.Ltmp2, $1  }
0x33: {  	_ =	sdelay $0x3  }
0x34: {  	s14 =	sand.u32 $0x1, s12  }
0x35: {  	_ =	swait.ge [sflag:s6], $0x50;
	p0 =	seq.s32 s14, $0x1;
	s14 =	simm.s32 $0x50  }
0x36: {  	[sflag:s6] =	ssyncset.done $0x0;
	s14 =	simm.s32 @!p0 $0x0  }
0x37: {  	[sflag:s6] =	ssyncadd.s32 $0xFFFFFFB0;
	(ifvalue) =	ssetifvalue $0x7FFFFFFF;
	v0 =	vld.msk [tilespmem:s14+$0x0 ss:$0x1], $0xffff;
	_ =	sdelay $0x4  }
0x38: {  	s15 =	sadd.s32 $0x10, s14;
	v2 =	vshrl.u32 v0, $0x1  }
0x39: {  	v1 =	vld.msk [tilespmem:s15+$0x0 ss:$0x1], $0xffff;
	vm1 =	veq.s32 v0, $0x80000000;
	v2 =	vand.u32 $0x7FF, v2  }
0x3a: {  	v0 =	vand.u32 $0x1, v0;
	v2 =	vsel vm1, $0xFFFFFFFF, v2  }
0x3b: {  	v0 =	vsel vm1, $0xFFFFFFFF, v0;
	v3 =	vshll.u32 v2, $0x1  }
0x3c: {  	v4 =	vand.u32 $0xFFFFF000, v0;
	v0 =	vshll.u32 v0, $0x7;
	v3 =	vand.u32 $0xFFFFFF00, v3  }
0x3d: {  	v0 =	vand.u32 $0x80, v0;
	v3 =	vadd.s32 v4, v3  }
0x3e: {  	v2 =	vand.u32 $0x7F, v2;
	v4 =	vshrl.u32 v1, $0x1;
	v0 =	vor.u32 v0, v3  }
0x3f: {  	vm1 =	veq.s32 v1, $0x80000000;
	v4 =	vand.u32 $0x7FF, v4;
	v0 =	vor.u32 v2, v0  }
0x40: {  	s15 =	sadd.s32 $0x10, s15;
	v1 =	vand.u32 $0x1, v1;
	v3 =	vsel vm1, $0xFFFFFFFF, v4  }
0x41: {  	s14 =	sor.u32 $0xA0, s14;
	v2 =	vsel vm1, $0xFFFFFFFF, v1;
	v1 =	vld.msk [tilespmem:s15+$0x0 ss:$0x1], $0xffff;
	v4 =	vshll.u32 v3, $0x1  }
0x42: {  	s17 =	simm.s32 $0x30;
	s16 =	smov.u32 s14;
	v5 =	vshll.u32 v2, $0x7;
	v6 =	vand.u32 $0xFFFFF000, v2;
	v4 =	vand.u32 $0xFFFFFF00, v4  }
0x43: {  	s18 =	sadd.s32 $0x10, s15;
	(ifvalue) =	ssetifvalue $0x7FFFFFFF;
	s15 =	sadd.s32 $0x10, s14;
	v2 =	vand.u32 $0x7F, v3;
	v3 =	vadd.s32 v6, v4;
	v4 =	vand.u32 $0x80, v5  }
.LBB2_3:
0x44: {  	[tilespmem:s16], [sflag:$0x1] =	stream.indirect_vreg.gather [hbm4b:s3+s10], $0x1, v0, vm0, $0x4038;
	[tilespmem:$0x140] =	vst v63  }
0x45: {  	s17 =	sadd.s32 $0x10, s17  }
0x46: {  	v5 =	vand.u32 $0x1, v1;
	v6 =	vshrl.u32 v1, $0x1;
	v3 =	vor.u32 v4, v3;
	v0 =	vmovc v1;
	v1 =	vld.msk [tilespmem:s18+$0x0 ss:$0x1], $0xffff;
	p0 =	slt.u32 s17, $0x40  }
.Ltmp3:
0x47: {  	s16 =	smov.u32 s15;
	vm1 =	veq.s32 v0, $0x80000000;
	v4 =	vand.u32 $0x7FF, v6;
	v0 =	vor.u32 v2, v3;
	(pc) =	sbr.rel @p0 .LBB2_3-.Ltmp3, $4  }
0x48: {  	v3 =	vsel vm1, $0xFFFFFFFF, v5;
	v4 =	vsel vm1, $0xFFFFFFFF, v4  }
0x49: {  	v2 =	vand.u32 $0x7F, v4;
	v4 =	vshll.u32 v4, $0x1;
	v5 =	vshll.u32 v3, $0x7  }
0x4a: {  	v3 =	vand.u32 $0xFFFFF000, v3;
	v4 =	vand.u32 $0xFFFFFF00, v4  }
0x4b: {  	s18 =	sadd.s32 $0x10, s18;
	s15 =	sadd.s32 $0x10, s15;
	v3 =	vadd.s32 v3, v4;
	v4 =	vand.u32 $0x80, v5;
	(ifvalue) =	ssetifvalue $0x7FFFFFFF  }
.Ltmp4:
0x4c: {  	_ = 	snop;
	(pc) =	sbr.rel .LBB2_4-.Ltmp4, $1  }
0x4d: {  	_ =	sdelay $0x3  }
.LBB2_6:
0x4e: {  	_ =	sfence.sel $0x180000  }
0x4f: {  	s2 =	simm.s32 $0x2;
	[bflag:$0x0] =	sbarrier.arrive $0xFFFF  }
0x50: {  	s30 =	simm.s32 $0x3;
	[sflag:s2] =	ssyncpa.u1 $0x1  }
0x51: {  	s31 =	simm.s32 $0x1;
	[sflag:s30] =	ssyncpa.u1 $0x1  }
0x52: {  	[sflag:s31] =	ssyncpa.u1 $0x1  }
0x53: {  	p0 =	sne.s32 s1, $0x0;
	_ =	strace $0x90000065  }
0x54: {  	s0 =	sadd.s32 @!p0 $0x100000, s0;
	[bflag:$0x2] =	sbarrier.arrive $0xFFFF  }
0x55: {  	[sflag:s0] =	ssyncadd.tile.s32 @!p0 $0x1;
	_ =	shalt  }
.Lfunc_end2:
_tile_overlayer_lowered:
.L_overlay_start_2:
0x56: {  	(tag) =	ssettag $0x2  }
0x57: {  	s0 =	rddreg [dreg:$0x0];
	s2 =	stileid.u32  }
0x58: {  	s1 =	rddreg [dreg:$0x1];
	p0 =	sne.s32 s2, $0x0  }
0x59: {  	s3 =	rddreg [dreg:$0x2];
	[bflag:$0x3] =	sbarrier.arrive $0xFFFF;
	s2 =	simm.s32 @!p0 $0x1C01  }
0x5a: {  	[timem:s3], [sflag:s2] =	dma.local @!p0 [hbm:s0], s1  }
0x5b: {  	s0 =	simm.s32 @!p0 $0x1  }
0x5c: {  	_ =	swait.ge @!p0 [sflag:s0], s1  }
0x5d: {  	s1 =	ssub.s32 @!p0 $0x0, s1;
	[sflag:s0] =	ssyncset.done @!p0 $0x0  }
0x5e: {  	[sflag:s0] =	ssyncadd.s32 @!p0 s1  }
0x5f: {  	[bflag:$0x3] =	sbarrier.arrive $0xFFFF  }
0x60: {  	_ =	shalt  }

// kernel: gather_offload_async_start.11
scs
__scs_entry_jumppad:
0x0: {  	(pc) =	sbr.rel $0x88, $3  }
0x1: {  	(tag) =	ssettag $0x0;
	lr =	simm.s32 $0x1  }
0x2: {  	[smem:$0x3F9E] =	sst lr;
	_ =	strace $0xD0000000  }
0x3: {  	_ = 	snop  }
0x4: {  	_ = 	snop  }
0x5: {  	_ = 	snop  }
0x6: {  	_ = 	snop  }
0x7: {  	_ = 	snop  }
__scs_overlays_trampoline_lowered:
0x8: {  	[smem:$0x3FAD] =	sst s0  }
0x9: {  	[smem:$0x3FAE] =	sst s1  }
0xa: {  	[smem:$0x3FAF] =	sst s2  }
0xb: {  	[smem:$0x3FB0] =	sst s3  }
0xc: {  	[smem:$0x3FB1] =	sst s4  }
0xd: {  	[smem:$0x3FB2] =	sst s5  }
0xe: {  	[smem:$0x3FB3] =	sst s6  }
0xf: {  	[smem:$0x3FB4] =	sst s7  }
0x10: {  	[smem:$0x3FB5] =	sst s8  }
0x11: {  	[smem:$0x3FB6] =	sst s9;
	s0 =	simm.s32 @!p0 $0x0  }
0x12: {  	s1 =	sld [smem:$0x3F9C];
	s0 =	simm.s32 @p0 $0x1  }
0x13: {  	[smem:$0x3FB7] =	sst s0;
	s0 =	simm.s32 @!p1 $0x0  }
0x14: {  	s2 =	sld [smem:$0x3F9B];
	s0 =	simm.s32 @p1 $0x1  }
0x15: {  	[smem:$0x3FB8] =	sst s0;
	s0 =	simm.s32 @!p2 $0x0  }
0x16: {  	s3 =	sld [smem:$0x3FDB];
	s0 =	simm.s32 @p2 $0x1  }
0x17: {  	s4 =	simm.s32 $0x1BF5;
	[smem:$0x3FBA] =	sst s0  }
0x18: {  	s0 =	sld [smem:$0x3F9D];
	_ =	swait.ge [sflag:s4], $0x0  }
0x19: {  	s7 =	sld [smem:$0x3F9E]  }
0x1a: {  	s8 =	sadd.s32 $0xFFFFE003, lr  }
0x1b: {  	s9 =	sadd.s32 $0xFFFFFEF7, lr;
	s5 =	simm.s32 $0xFFFFFFFF;
	p2 =	slt.u32 s8, $0xFFFFF086  }
0x1c: {  	p1 =	slt.u32 s9, $0xF7A;
	s5 =	simm.s32 @!p2 $0x0  }
0x1d: {  	s5 =	simm.s32 @p1 $0x1;
	p0 =	seq.s32 s7, s2  }
0x1e: {  	s7 =	smul.u32 @!p0 $0xF7A, s2;
	p2 =	seq.s32 @!p0 s5, $0x0  }
0x1f: {  	s9 =	smul.u32 $0xF7A, s1;
	s8 =	simm.s32 @!p0 $0x1BF5;
	p2 =	por !p2, p0  }
0x20: {  	[sflag:s8] =	ssyncset.s32 @!p0 $0xFFFFF086;
	s6 =	sadd.s32 @!p0 s3, s7;
	s7 =	simm.s32 @!p0 $0x108  }
0x21: {  	s3 =	sadd.s32 s3, s9;
	s6 =	sadd.s32 @!p0 $0x88, s6;
	s7 =	simm.s32 @p2 $0x1082  }
0x22: {  	[simem:s7], [sflag:s8] =	dma.local @!p0 [hbm:s6], $0xF7A  }
0x23: {  	s9 =	sor.u32 $0xD0000000, s2;
	s6 =	simm.s32 $0x108;
	_ =	swait.ge @!p0 [sflag:s8], $0x0  }
0x24: {  	s3 =	sadd.s32 $0x88, s3;
	s6 =	simm.s32 @!p1 $0x1082;
	[sflag:s4] =	ssyncset.s32 $0xFFFFF086  }
0x25: {  	[simem:s6], [sflag:s4] =	dma.local [hbm:s3], $0xF7A  }
0x26: {  	[smem:$0x3F9E] =	sst s1;
	(tag) =	ssettag s2;
	_ =	strace s9  }
0x27: {  	s1 =	sld [smem:$0x3FAE]  }
0x28: {  	s2 =	sld [smem:$0x3FAF]  }
0x29: {  	s4 =	sld [smem:$0x3FB1]  }
0x2a: {  	p0 =	seq.s32 s5, $0x0;
	s5 =	sld [smem:$0x3FB2]  }
0x2b: {  	s6 =	sld [smem:$0x3FB3]  }
0x2c: {  	s7 =	sld [smem:$0x3FB4]  }
0x2d: {  	s3 =	simm.s32 $0x108;
	s8 =	sld [smem:$0x3FB5]  }
0x2e: {  	s3 =	simm.s32 @!p0 $0x1082;
	s9 =	sld [smem:$0x3FB6]  }
0x2f: {  	lr =	sadd.s32 s0, s3;
	s0 =	sld [smem:$0x3FAD]  }
0x30: {  	s3 =	sld [smem:$0x3FB0]  }
0x31: {  	[smem:$0x3FB9] =	sst s10  }
0x32: {  	s10 =	sld [smem:$0x3FB7];
	_ =	sdelay $0x3  }
0x33: {  	p0 =	seq.s32 s10, $0x1;
	s10 =	sld [smem:$0x3FB9];
	_ =	sdelay $0x3  }
0x34: {  	[smem:$0x3FB9] =	sst s10  }
0x35: {  	s10 =	sld [smem:$0x3FB8];
	_ =	sdelay $0x3  }
0x36: {  	p1 =	seq.s32 s10, $0x1;
	s10 =	sld [smem:$0x3FB9];
	_ =	sdelay $0x3  }
0x37: {  	[smem:$0x3FB9] =	sst s10  }
0x38: {  	s10 =	sld [smem:$0x3FBA]  }
0x39: {  	_ = 	snop;
	(pc) =	sbr.ind lr, $3  }
0x3a: {  	_ = 	snop  }
0x3b: {  	_ = 	snop  }
0x3c: {  	p2 =	seq.s32 s10, $0x1;
	s10 =	sld [smem:$0x3FB9]  }
0x3d: {  	_ =	shalt  }
0x3e: {  	_ =	shalt  }
0x3f: {  	_ =	shalt  }
0x40: {  	_ =	shalt  }
0x41: {  	_ =	shalt  }
0x42: {  	_ =	shalt  }
0x43: {  	_ =	shalt  }
0x44: {  	_ =	shalt  }
0x45: {  	_ =	shalt  }
0x46: {  	_ =	shalt  }
0x47: {  	_ =	shalt  }
0x48: {  	_ =	shalt  }
0x49: {  	_ =	shalt  }
0x4a: {  	_ =	shalt  }
0x4b: {  	_ =	shalt  }
0x4c: {  	_ =	shalt  }
0x4d: {  	_ =	shalt  }
0x4e: {  	_ =	shalt  }
0x4f: {  	_ =	shalt  }
0x50: {  	_ =	shalt  }
0x51: {  	_ =	shalt  }
0x52: {  	_ =	shalt  }
0x53: {  	_ =	shalt  }
0x54: {  	_ =	shalt  }
0x55: {  	_ =	shalt  }
0x56: {  	_ =	shalt  }
0x57: {  	_ =	shalt  }
0x58: {  	_ =	shalt  }
0x59: {  	_ =	shalt  }
0x5a: {  	_ =	shalt  }
0x5b: {  	_ =	shalt  }
0x5c: {  	_ =	shalt  }
0x5d: {  	_ =	shalt  }
0x5e: {  	_ =	shalt  }
0x5f: {  	_ =	shalt  }
0x60: {  	_ =	shalt  }
0x61: {  	_ =	shalt  }
0x62: {  	_ =	shalt  }
0x63: {  	_ =	shalt  }
0x64: {  	_ =	shalt  }
0x65: {  	_ =	shalt  }
0x66: {  	_ =	shalt  }
0x67: {  	_ =	shalt  }
0x68: {  	_ =	shalt  }
0x69: {  	_ =	shalt  }
0x6a: {  	_ =	shalt  }
0x6b: {  	_ =	shalt  }
0x6c: {  	_ =	shalt  }
0x6d: {  	_ =	shalt  }
0x6e: {  	_ =	shalt  }
0x6f: {  	_ =	shalt  }
0x70: {  	_ =	shalt  }
0x71: {  	_ =	shalt  }
0x72: {  	_ =	shalt  }
0x73: {  	_ =	shalt  }
0x74: {  	_ =	shalt  }
0x75: {  	_ =	shalt  }
0x76: {  	_ =	shalt  }
0x77: {  	_ =	shalt  }
0x78: {  	_ =	shalt  }
0x79: {  	_ =	shalt  }
0x7a: {  	_ =	shalt  }
0x7b: {  	_ =	shalt  }
0x7c: {  	_ =	shalt  }
0x7d: {  	_ =	shalt  }
0x7e: {  	_ =	shalt  }
0x7f: {  	_ =	shalt  }
0x80: {  	_ =	shalt  }
0x81: {  	_ =	shalt  }
0x82: {  	_ =	shalt  }
0x83: {  	_ =	shalt  }
0x84: {  	_ =	shalt  }
0x85: {  	_ =	shalt  }
0x86: {  	_ =	shalt  }
0x87: {  	_ =	shalt  }
.Lfunc_end0:
.L_simem_size_0:
called_computation.11_lowered:
.L_overlay_start_0:
0x88: {  	s0 =	sld [smem:$0x3FD9]  }
0x89: {  	s1 =	sld [smem:$0x3FFE];
	_ =	sdelay $0x3  }
0x8a: {  	s0 =	sadd.s32 s1, s0  }
0x8b: {  	[smem:$0x3FC5] =	sst s0  }
0x8c: {  	_ = 	snop  }
0x8d: {  	s0 =	sld [smem:$0x3FD0];
	(tm) =	ssettm $0x1  }
0x8e: {  	s16 =	sld [smem:$0x3FFB];
	_ =	sdelay $0x3  }
0x8f: {  	_ =	strace s16  }
0x90: {  	s1 =	sld [smem:$0x3FFC];
	_ =	sdelay $0x3  }
0x91: {  	_ =	strace s1  }
0x92: {  	s1 =	sld [smem:$0x3FFD];
	_ =	sdelay $0x3  }
0x93: {  	_ =	strace s1  }
0x94: {  	_ =	strace $0x8FFFFFFF  }
0x95: {  	s17 =	sld [smem:$0x3FDB];
	_ =	sdelay $0x1  }
0x96: {  	s2 =	simm.s32 $_scs_section_size  }
0x97: {  	s3 =	simm.s32 $_size__tile_overlayer_lowered;
	s4 =	simm.s32 $_tile_overlayer_lowered  }
0x98: {  	s20 =	simm.s32 $0x1BFF;
	s19 =	sshll.u32 s4, $0x1;
	s1 =	sadd.s32 s2, s17  }
0x99: {  	s5 =	simm.s32 $0x0;
	s18 =	sshll.u32 s3, $0x1;
	s3 =	sadd.s32 s19, s1  }
0x9a: {  	[timem:s5], [sflag:s20] =	dma.local [hbm:s3], s18  }
0x9b: {  	_ =	swait.ge [sflag:s20], s18  }
0x9c: {  	s2 =	ssub.s32 $0x0, s18;
	[sflag:s20] =	ssyncset.done $0x0  }
0x9d: {  	[sflag:s20] =	ssyncadd.s32 s2;
	_ =	sdelay $0x1  }
0x9e: {  	s21 =	simm.s32 $0x1B8B  }
0x9f: {  	_ =	swait.ge [sflag:s21], $0x1  }
0xa0: {  	[sflag:s21] =	ssyncset.done $0x0  }
0xa1: {  	s23 =	simm.s32 $0x1B8E;
	s22 =	sld [smem:$0x3FFE];
	[sflag:s21] =	ssyncadd.s32 $0xFFFFFFFF  }
0xa2: {  	s24 =	simm.s32 $execute0_lowered;
	[smem:$0x3FD2] =	sst s23  }
0xa3: {  	s3 =	sshll.u32 s24, $0x1;
	_ =	strace $0x80000067;
	[dreg:$0x1] =	wrdreg $0xFFFFFFFF  }
0xa4: {  	s25 =	simm.s32 $_size_execute0_lowered;
	s1 =	sadd.s32 s1, s3;
	[dreg:$0x0] =	wrdreg $0x0  }
0xa5: {  	s3 =	sshll.u32 s25, $0x1;
	[dreg:$0x2] =	wrdreg s1  }
0xa6: {  	[dreg:$0x3] =	wrdreg s3  }
0xa7: {  	[dreg:$0x4] =	wrdreg $0xC0  }
0xa8: {  	_ =	task [dreg:s5], $0x5FFFF  }
0xa9: {  	[dreg:$0x1] =	wrdreg $0xFFFFFFFF  }
0xaa: {  	[dreg:$0x0] =	wrdreg $0x60  }
0xab: {  	[dreg:$0x2] =	wrdreg s22  }
0xac: {  	[dreg:$0x3] =	wrdreg s0  }
0xad: {  	[dreg:$0x4] =	wrdreg $0x9  }
0xae: {  	_ =	task.clear_ibuf [dreg:s5], $0x5FFFF;
	_ =	strace $0x90000067  }
0xaf: {  	s26 =	simm.s32 $0x9;
	_ =	strace $0x80000069  }
0xb0: {  	_ =	swait.ge [sflag:s26], $0x1  }
0xb1: {  	[sflag:s26] =	ssyncadd.s32 $0xFFFFFFFF  }
0xb2: {  	_ =	strace $0x90000069  }
0xb3: {  	_ =	sfence  }
0xb4: {  	s28 =	sld [smem:$0x0];
	_ =	sdelay $0x1  }
0xb5: {  	s29 =	srdreg.scid  }
0xb6: {  	s30 =	sshll.u32 s29, $0xD;
	s31 =	sshrl.u32 s29, $0x2  }
0xb7: {  	s2 =	sand.u32 $0x4000, s30;
	s1 =	sand.u32 $0x1, s29;
	s0 =	sadd.s32 s31, s28  }
0xb8: {  	s1 =	sor.u32 s2, s1;
	s0 =	sshll.u32 s0, $0x11  }
0xb9: {  	s0 =	sor.u32 s0, s1  }
0xba: {  	s0 =	sadd.s32 $0x8F2B, s0  }
0xbb: {  	[sflag:s0] =	ssyncadd.remote.s32 $0x1  }
0xbc: {  	_ =	sfence.sel $0xFFFF  }
0xbd: {  	[dreg:$0x0] =	wrdreg $0xFFFFFFFF;
	(pc) =	sbr.abs _section_cstart, $3  }
0xbe: {  	[dreg:$0x1] =	wrdreg $0xFFFFFFFF  }
0xbf: {  	_ =	task.clear_ibuf [dreg:s5], $0x2FFFF;
	_ =	strace $0x9FFFFFFF  }
0xc0: {  	(tm) =	ssettm $0x7FFFFFFF  }
0xc1: {  	_ =	shalt  }
tec
execute0_lowered:
.L_overlay_start_1:
0x0: {  	(tag) =	ssettag $0x1  }
0x1: {  	s2 =	rddreg [dreg:$0x0]  }
0x2: {  	s3 =	rddreg [dreg:$0x1]  }
0x3: {  	s0 =	rddreg [dreg:$0x2];
	s1 =	stileid.u32;
	_ =	strace $0x80000068  }
0x4: {  	s5 =	simm.s32 $0x1;
	s6 =	simm.s32 $0x500;
	s8 =	simm.s32 $0x1  }
0x5: {  	s9 =	simm.s32 $0x3;
	s10 =	simm.s32 $0x0;
	s4 =	smul.u32 $0x50, s1  }
0x6: {  	s13 =	simm.s32 $0x0;
	s12 =	simm.s32 $0x0;
	p0 =	slt.u32 s1, $0xA  }
.Ltmp0:
0x7: {  	s6 =	simm.s32 @!p0 $0x0;
	s7 =	ssub.s32 $0x7D0, s4;
	(pc) =	sbr.rel .LBB2_1-.Ltmp0, $4  }
0x8: {  	s8 =	simm.s32 @!p0 $0x0;
	p0 =	sne.s32 s7, s6;
	s7 =	simm.s32 $0x1  }
0x9: {  	[sflag:s5] =	ssyncpa.u1 $0x0;
	s6 =	simm.s32 $0x2;
	s7 =	simm.s32 @!p0 $0x0  }
0xa: {  	s11 =	smov.u32 s4;
	[sflag:s6] =	ssyncpa.u1 $0x0;
	s7 =	sadd.s32 s8, s7  }
0xb: {  	vm0 =	vmmov $0xffff;
	s8 =	sadd.s32 $0x600, s2;
	[sflag:s9] =	ssyncpa.u1 $0x0;
	s9 =	sadd.s32 $0x1, s7  }
.LBB2_4:
0xc: {  	v5 =	vld.msk [tilespmem:s18+$0x0 ss:$0x1], $0xffff  }
0xd: {  	v6 =	vand.u32 $0x1, v1;
	v7 =	vshrl.u32 v1, $0x1  }
0xe: {  	v3 =	vor.u32 v4, v3;
	vm1 =	veq.s32 v1, $0x80000000;
	v53 =	vand.u32 $0x7FF, v7  }
0xf: {  	v2 =	vor.u32 v2, v3;
	v54 =	vsel vm1, $0xFFFFFFFF, v6;
	v1 =	vsel vm1, $0xFFFFFFFF, v53  }
0x10: {  	v6 =	vshll.u32 v54, $0x7;
	v3 =	vand.u32 $0xFFFFF000, v54;
	v55 =	vand.u32 $0x7F, v1  }
0x11: {  	v1 =	vshll.u32 v1, $0x1;
	v6 =	vand.u32 $0x80, v6;
	v56 =	vshrl.u32 v5, $0x1  }
0x12: {  	v1 =	vand.u32 $0xFFFFFF00, v1;
	vm1 =	veq.s32 v5, $0x80000000;
	v57 =	vand.u32 $0x7FF, v56  }
0x13: {  	v1 =	vadd.s32 v3, v1;
	v5 =	vand.u32 $0x1, v5;
	v3 =	vsel vm1, $0xFFFFFFFF, v57  }
0x14: {  	v1 =	vor.u32 v6, v1;
	v5 =	vsel vm1, $0xFFFFFFFF, v5;
	v58 =	vshll.u32 v3, $0x1  }
0x15: {  	v59 =	vshll.u32 v5, $0x7;
	v5 =	vand.u32 $0xFFFFF000, v5;
	v6 =	vand.u32 $0xFFFFFF00, v58  }
0x16: {  	v1 =	vor.u32 v55, v1;
	v61 =	vand.u32 $0x80, v59;
	v60 =	vadd.s32 v5, v6  }
0x17: {  	[tilespmem:s16], [sflag:$0x1] =	stream.indirect_vreg.gather [hbm4b:s2+s10], $0x1, v0, vm0, $0x4038;
	v62 =	vand.u32 $0x7F, v3;
	v63 =	vor.u32 v61, v60;
	[tilespmem:$0x140] =	vst v63  }
0x18: {  	(ifvalue) =	ssetifvalue $0x7FFFFFFF;
	v0 =	vor.u32 v62, v63  }
0x19: {  	[tilespmem:s15], [sflag:$0x1] =	stream.indirect_vreg.gather [hbm4b:s2+s10], $0x1, v2, vm0, $0x4038;
	[tilespmem:$0x140] =	vst v63  }
0x1a: {  	s29 =	sadd.s32 $0x10, s15;
	(ifvalue) =	ssetifvalue $0x7FFFFFFF  }
0x1b: {  	[tilespmem:s29], [sflag:$0x1] =	stream.indirect_vreg.gather [hbm4b:s2+s10], $0x1, v1, vm0, $0x4038;
	[tilespmem:$0x140] =	vst v63  }
0x1c: {  	s15 =	sadd.s32 $0x10, s29;
	(ifvalue) =	ssetifvalue $0x7FFFFFFF  }
0x1d: {  	[tilespmem:s15], [sflag:$0x1] =	stream.indirect_vreg.gather [hbm4b:s2+s10], $0x1, v0, vm0, $0x4038;
	[tilespmem:$0x140] =	vst v63  }
0x1e: {  	_ =	swait.ge [sflag:s5], $0x50  }
0x1f: {  	s30 =	sshrl.u32 s13, $0x3;
	[sflag:s5] =	ssyncset.done $0x0  }
0x20: {  	s31 =	sand.u32 $0x7, s13;
	s15 =	sadd.s32 s3, s30;
	[sflag:s5] =	ssyncadd.s32 $0xFFFFFFB0  }
0x21: {  	[hbm4b:s15+s31] =	stream.linear.scatter [tilespmem:s14], [sflag:$0x3], $0x50, $0x38;
	[tilespmem:$0x140] =	vst v63  }
.LBB2_5:
0x22: {  	s15 =	sadd.s32 $0x500, s11  }
0x23: {  	p1 =	sgt.s32 s15, $0x7CF  }
0x24: {  	s15 =	smov.u32 @p1 s4;
	p1 =	sne.s32 s12, s9  }
.Ltmp1:
0x25: {  	p0 =	slt.u32 s12, $0x2;
	(pc) =	sbr.rel @!p1 .LBB2_6-.Ltmp1, $4  }
0x26: {  	s14 =	simm.s32 @!p0 $0x3  }
0x27: {  	_ =	swait.ge @!p0 [sflag:s14], $0x50  }
0x28: {  	s16 =	sadd.s32 $0x1, s12;
	s13 =	smov.u32 s11;
	[sflag:s14] =	ssyncset.done @!p0 $0x0  }
0x29: {  	s12 =	smov.u32 s16;
	s11 =	smov.u32 s15;
	[sflag:s14] =	ssyncadd.s32 @!p0 $0xFFFFFFB0  }
.LBB2_1:
0x2a: {  	p0 =	sge.u32 s12, s7  }
0x2b: {  	s14 =	sxor.u32 @!p0 $0x1, s12  }
0x2c: {  	s14 =	smul.u32 @!p0 $0x140, s14  }
0x2d: {  	s31 =	sadd.s32 $0xFFFFFFFF, s12;
	s15 =	sshrl.u32 @!p0 s11, $0x3  }
0x2e: {  	s16 =	sand.u32 @!p0 $0x7, s11;
	s15 =	sadd.s32 @!p0 s8, s15;
	s14 =	sshra.s32 @!p0 s14, $0x2  }
0x2f: {  	[tilespmem:s14], [sflag:$0x2] =	stream.linear.gather @!p0 [hbm4b:s15+s16], $0x50, $0x38;
	[tilespmem:$0x140] =	vst v63  }
0x30: {  	p0 =	sge.u32 s31, s7  }
.Ltmp2:
0x31: {  	_ = 	snop;
	(pc) =	sbr.rel @p0 .LBB2_5-.Ltmp2, $1  }
0x32: {  	_ =	sdelay $0x3  }
0x33: {  	s14 =	sand.u32 $0x1, s12  }
0x34: {  	_ =	swait.ge [sflag:s6], $0x50;
	p0 =	seq.s32 s14, $0x1;
	s14 =	simm.s32 $0x50  }
0x35: {  	[sflag:s6] =	ssyncset.done $0x0;
	s14 =	simm.s32 @!p0 $0x0  }
0x36: {  	[sflag:s6] =	ssyncadd.s32 $0xFFFFFFB0;
	(ifvalue) =	ssetifvalue $0x7FFFFFFF;
	v0 =	vld.msk [tilespmem:s14+$0x0 ss:$0x1], $0xffff;
	_ =	sdelay $0x4  }
0x37: {  	s15 =	sadd.s32 $0x10, s14;
	v2 =	vshrl.u32 v0, $0x1  }
0x38: {  	v1 =	vld.msk [tilespmem:s15+$0x0 ss:$0x1], $0xffff;
	vm1 =	veq.s32 v0, $0x80000000;
	v2 =	vand.u32 $0x7FF, v2  }
0x39: {  	v0 =	vand.u32 $0x1, v0;
	v2 =	vsel vm1, $0xFFFFFFFF, v2  }
0x3a: {  	v0 =	vsel vm1, $0xFFFFFFFF, v0;
	v3 =	vshll.u32 v2, $0x1  }
0x3b: {  	v4 =	vand.u32 $0xFFFFF000, v0;
	v0 =	vshll.u32 v0, $0x7;
	v3 =	vand.u32 $0xFFFFFF00, v3  }
0x3c: {  	v0 =	vand.u32 $0x80, v0;
	v3 =	vadd.s32 v4, v3  }
0x3d: {  	v2 =	vand.u32 $0x7F, v2;
	v4 =	vshrl.u32 v1, $0x1;
	v0 =	vor.u32 v0, v3  }
0x3e: {  	vm1 =	veq.s32 v1, $0x80000000;
	v4 =	vand.u32 $0x7FF, v4;
	v0 =	vor.u32 v2, v0  }
0x3f: {  	s15 =	sadd.s32 $0x10, s15;
	v1 =	vand.u32 $0x1, v1;
	v3 =	vsel vm1, $0xFFFFFFFF, v4  }
0x40: {  	s14 =	sor.u32 $0xA0, s14;
	v2 =	vsel vm1, $0xFFFFFFFF, v1;
	v1 =	vld.msk [tilespmem:s15+$0x0 ss:$0x1], $0xffff;
	v4 =	vshll.u32 v3, $0x1  }
0x41: {  	s17 =	simm.s32 $0x30;
	s16 =	smov.u32 s14;
	v5 =	vshll.u32 v2, $0x7;
	v6 =	vand.u32 $0xFFFFF000, v2;
	v4 =	vand.u32 $0xFFFFFF00, v4  }
0x42: {  	s18 =	sadd.s32 $0x10, s15;
	(ifvalue) =	ssetifvalue $0x7FFFFFFF;
	s15 =	sadd.s32 $0x10, s14;
	v2 =	vand.u32 $0x7F, v3;
	v3 =	vadd.s32 v6, v4;
	v4 =	vand.u32 $0x80, v5  }
.LBB2_3:
0x43: {  	[tilespmem:s16], [sflag:$0x1] =	stream.indirect_vreg.gather [hbm4b:s2+s10], $0x1, v0, vm0, $0x4038;
	[tilespmem:$0x140] =	vst v63  }
0x44: {  	s17 =	sadd.s32 $0x10, s17  }
0x45: {  	v5 =	vand.u32 $0x1, v1;
	v6 =	vshrl.u32 v1, $0x1;
	v3 =	vor.u32 v4, v3;
	v0 =	vmovc v1;
	v1 =	vld.msk [tilespmem:s18+$0x0 ss:$0x1], $0xffff;
	p0 =	slt.u32 s17, $0x40  }
.Ltmp3:
0x46: {  	s16 =	smov.u32 s15;
	vm1 =	veq.s32 v0, $0x80000000;
	v4 =	vand.u32 $0x7FF, v6;
	v0 =	vor.u32 v2, v3;
	(pc) =	sbr.rel @p0 .LBB2_3-.Ltmp3, $4  }
0x47: {  	v3 =	vsel vm1, $0xFFFFFFFF, v5;
	v4 =	vsel vm1, $0xFFFFFFFF, v4  }
0x48: {  	v2 =	vand.u32 $0x7F, v4;
	v4 =	vshll.u32 v4, $0x1;
	v5 =	vshll.u32 v3, $0x7  }
0x49: {  	v3 =	vand.u32 $0xFFFFF000, v3;
	v4 =	vand.u32 $0xFFFFFF00, v4  }
0x4a: {  	s18 =	sadd.s32 $0x10, s18;
	s15 =	sadd.s32 $0x10, s15;
	v3 =	vadd.s32 v3, v4;
	v4 =	vand.u32 $0x80, v5;
	(ifvalue) =	ssetifvalue $0x7FFFFFFF  }
.Ltmp4:
0x4b: {  	_ = 	snop;
	(pc) =	sbr.rel .LBB2_4-.Ltmp4, $1  }
0x4c: {  	_ =	sdelay $0x3  }
.LBB2_6:
0x4d: {  	_ =	sfence.sel $0x180000  }
0x4e: {  	s2 =	simm.s32 $0x2;
	[bflag:$0x0] =	sbarrier.arrive $0xFFFF  }
0x4f: {  	s30 =	simm.s32 $0x3;
	[sflag:s2] =	ssyncpa.u1 $0x1  }
0x50: {  	s31 =	simm.s32 $0x1;
	[sflag:s30] =	ssyncpa.u1 $0x1  }
0x51: {  	[sflag:s31] =	ssyncpa.u1 $0x1  }
0x52: {  	p0 =	sne.s32 s1, $0x0;
	_ =	strace $0x90000068  }
0x53: {  	s0 =	sadd.s32 @!p0 $0x100000, s0;
	[bflag:$0x2] =	sbarrier.arrive $0xFFFF  }
0x54: {  	[sflag:s0] =	ssyncadd.tile.s32 @!p0 $0x1;
	_ =	shalt  }
.Lfunc_end2:
_tile_overlayer_lowered:
.L_overlay_start_2:
0x55: {  	(tag) =	ssettag $0x2  }
0x56: {  	s0 =	rddreg [dreg:$0x0];
	s2 =	stileid.u32  }
0x57: {  	s1 =	rddreg [dreg:$0x1];
	p0 =	sne.s32 s2, $0x0  }
0x58: {  	s3 =	rddreg [dreg:$0x2];
	[bflag:$0x3] =	sbarrier.arrive $0xFFFF;
	s2 =	simm.s32 @!p0 $0x1C01  }
0x59: {  	[timem:s3], [sflag:s2] =	dma.local @!p0 [hbm:s0], s1  }
0x5a: {  	s0 =	simm.s32 @!p0 $0x1  }
0x5b: {  	_ =	swait.ge @!p0 [sflag:s0], s1  }
0x5c: {  	s1 =	ssub.s32 @!p0 $0x0, s1;
	[sflag:s0] =	ssyncset.done @!p0 $0x0  }
0x5d: {  	[sflag:s0] =	ssyncadd.s32 @!p0 s1  }
0x5e: {  	[bflag:$0x3] =	sbarrier.arrive $0xFFFF  }
0x5f: {  	_ =	shalt  }

// kernel: gather_offload_async_start.1
scs
__scs_entry_jumppad:
0x0: {  	(pc) =	sbr.rel $0x88, $3  }
0x1: {  	(tag) =	ssettag $0x0;
	lr =	simm.s32 $0x1  }
0x2: {  	[smem:$0x3F9E] =	sst lr;
	_ =	strace $0xD0000000  }
0x3: {  	_ = 	snop  }
0x4: {  	_ = 	snop  }
0x5: {  	_ = 	snop  }
0x6: {  	_ = 	snop  }
0x7: {  	_ = 	snop  }
__scs_overlays_trampoline_lowered:
0x8: {  	[smem:$0x3FAD] =	sst s0  }
0x9: {  	[smem:$0x3FAE] =	sst s1  }
0xa: {  	[smem:$0x3FAF] =	sst s2  }
0xb: {  	[smem:$0x3FB0] =	sst s3  }
0xc: {  	[smem:$0x3FB1] =	sst s4  }
0xd: {  	[smem:$0x3FB2] =	sst s5  }
0xe: {  	[smem:$0x3FB3] =	sst s6  }
0xf: {  	[smem:$0x3FB4] =	sst s7  }
0x10: {  	[smem:$0x3FB5] =	sst s8  }
0x11: {  	[smem:$0x3FB6] =	sst s9;
	s0 =	simm.s32 @!p0 $0x0  }
0x12: {  	s1 =	sld [smem:$0x3F9C];
	s0 =	simm.s32 @p0 $0x1  }
0x13: {  	[smem:$0x3FB7] =	sst s0;
	s0 =	simm.s32 @!p1 $0x0  }
0x14: {  	s2 =	sld [smem:$0x3F9B];
	s0 =	simm.s32 @p1 $0x1  }
0x15: {  	[smem:$0x3FB8] =	sst s0;
	s0 =	simm.s32 @!p2 $0x0  }
0x16: {  	s3 =	sld [smem:$0x3FDB];
	s0 =	simm.s32 @p2 $0x1  }
0x17: {  	s4 =	simm.s32 $0x1BF5;
	[smem:$0x3FBA] =	sst s0  }
0x18: {  	s0 =	sld [smem:$0x3F9D];
	_ =	swait.ge [sflag:s4], $0x0  }
0x19: {  	s7 =	sld [smem:$0x3F9E]  }
0x1a: {  	s8 =	sadd.s32 $0xFFFFE003, lr  }
0x1b: {  	s9 =	sadd.s32 $0xFFFFFEF7, lr;
	s5 =	simm.s32 $0xFFFFFFFF;
	p2 =	slt.u32 s8, $0xFFFFF086  }
0x1c: {  	p1 =	slt.u32 s9, $0xF7A;
	s5 =	simm.s32 @!p2 $0x0  }
0x1d: {  	s5 =	simm.s32 @p1 $0x1;
	p0 =	seq.s32 s7, s2  }
0x1e: {  	s7 =	smul.u32 @!p0 $0xF7A, s2;
	p2 =	seq.s32 @!p0 s5, $0x0  }
0x1f: {  	s9 =	smul.u32 $0xF7A, s1;
	s8 =	simm.s32 @!p0 $0x1BF5;
	p2 =	por !p2, p0  }
0x20: {  	[sflag:s8] =	ssyncset.s32 @!p0 $0xFFFFF086;
	s6 =	sadd.s32 @!p0 s3, s7;
	s7 =	simm.s32 @!p0 $0x108  }
0x21: {  	s3 =	sadd.s32 s3, s9;
	s6 =	sadd.s32 @!p0 $0x88, s6;
	s7 =	simm.s32 @p2 $0x1082  }
0x22: {  	[simem:s7], [sflag:s8] =	dma.local @!p0 [hbm:s6], $0xF7A  }
0x23: {  	s9 =	sor.u32 $0xD0000000, s2;
	s6 =	simm.s32 $0x108;
	_ =	swait.ge @!p0 [sflag:s8], $0x0  }
0x24: {  	s3 =	sadd.s32 $0x88, s3;
	s6 =	simm.s32 @!p1 $0x1082;
	[sflag:s4] =	ssyncset.s32 $0xFFFFF086  }
0x25: {  	[simem:s6], [sflag:s4] =	dma.local [hbm:s3], $0xF7A  }
0x26: {  	[smem:$0x3F9E] =	sst s1;
	(tag) =	ssettag s2;
	_ =	strace s9  }
0x27: {  	s1 =	sld [smem:$0x3FAE]  }
0x28: {  	s2 =	sld [smem:$0x3FAF]  }
0x29: {  	s4 =	sld [smem:$0x3FB1]  }
0x2a: {  	p0 =	seq.s32 s5, $0x0;
	s5 =	sld [smem:$0x3FB2]  }
0x2b: {  	s6 =	sld [smem:$0x3FB3]  }
0x2c: {  	s7 =	sld [smem:$0x3FB4]  }
0x2d: {  	s3 =	simm.s32 $0x108;
	s8 =	sld [smem:$0x3FB5]  }
0x2e: {  	s3 =	simm.s32 @!p0 $0x1082;
	s9 =	sld [smem:$0x3FB6]  }
0x2f: {  	lr =	sadd.s32 s0, s3;
	s0 =	sld [smem:$0x3FAD]  }
0x30: {  	s3 =	sld [smem:$0x3FB0]  }
0x31: {  	[smem:$0x3FB9] =	sst s10  }
0x32: {  	s10 =	sld [smem:$0x3FB7];
	_ =	sdelay $0x3  }
0x33: {  	p0 =	seq.s32 s10, $0x1;
	s10 =	sld [smem:$0x3FB9];
	_ =	sdelay $0x3  }
0x34: {  	[smem:$0x3FB9] =	sst s10  }
0x35: {  	s10 =	sld [smem:$0x3FB8];
	_ =	sdelay $0x3  }
0x36: {  	p1 =	seq.s32 s10, $0x1;
	s10 =	sld [smem:$0x3FB9];
	_ =	sdelay $0x3  }
0x37: {  	[smem:$0x3FB9] =	sst s10  }
0x38: {  	s10 =	sld [smem:$0x3FBA]  }
0x39: {  	_ = 	snop;
	(pc) =	sbr.ind lr, $3  }
0x3a: {  	_ = 	snop  }
0x3b: {  	_ = 	snop  }
0x3c: {  	p2 =	seq.s32 s10, $0x1;
	s10 =	sld [smem:$0x3FB9]  }
0x3d: {  	_ =	shalt  }
0x3e: {  	_ =	shalt  }
0x3f: {  	_ =	shalt  }
0x40: {  	_ =	shalt  }
0x41: {  	_ =	shalt  }
0x42: {  	_ =	shalt  }
0x43: {  	_ =	shalt  }
0x44: {  	_ =	shalt  }
0x45: {  	_ =	shalt  }
0x46: {  	_ =	shalt  }
0x47: {  	_ =	shalt  }
0x48: {  	_ =	shalt  }
0x49: {  	_ =	shalt  }
0x4a: {  	_ =	shalt  }
0x4b: {  	_ =	shalt  }
0x4c: {  	_ =	shalt  }
0x4d: {  	_ =	shalt  }
0x4e: {  	_ =	shalt  }
0x4f: {  	_ =	shalt  }
0x50: {  	_ =	shalt  }
0x51: {  	_ =	shalt  }
0x52: {  	_ =	shalt  }
0x53: {  	_ =	shalt  }
0x54: {  	_ =	shalt  }
0x55: {  	_ =	shalt  }
0x56: {  	_ =	shalt  }
0x57: {  	_ =	shalt  }
0x58: {  	_ =	shalt  }
0x59: {  	_ =	shalt  }
0x5a: {  	_ =	shalt  }
0x5b: {  	_ =	shalt  }
0x5c: {  	_ =	shalt  }
0x5d: {  	_ =	shalt  }
0x5e: {  	_ =	shalt  }
0x5f: {  	_ =	shalt  }
0x60: {  	_ =	shalt  }
0x61: {  	_ =	shalt  }
0x62: {  	_ =	shalt  }
0x63: {  	_ =	shalt  }
0x64: {  	_ =	shalt  }
0x65: {  	_ =	shalt  }
0x66: {  	_ =	shalt  }
0x67: {  	_ =	shalt  }
0x68: {  	_ =	shalt  }
0x69: {  	_ =	shalt  }
0x6a: {  	_ =	shalt  }
0x6b: {  	_ =	shalt  }
0x6c: {  	_ =	shalt  }
0x6d: {  	_ =	shalt  }
0x6e: {  	_ =	shalt  }
0x6f: {  	_ =	shalt  }
0x70: {  	_ =	shalt  }
0x71: {  	_ =	shalt  }
0x72: {  	_ =	shalt  }
0x73: {  	_ =	shalt  }
0x74: {  	_ =	shalt  }
0x75: {  	_ =	shalt  }
0x76: {  	_ =	shalt  }
0x77: {  	_ =	shalt  }
0x78: {  	_ =	shalt  }
0x79: {  	_ =	shalt  }
0x7a: {  	_ =	shalt  }
0x7b: {  	_ =	shalt  }
0x7c: {  	_ =	shalt  }
0x7d: {  	_ =	shalt  }
0x7e: {  	_ =	shalt  }
0x7f: {  	_ =	shalt  }
0x80: {  	_ =	shalt  }
0x81: {  	_ =	shalt  }
0x82: {  	_ =	shalt  }
0x83: {  	_ =	shalt  }
0x84: {  	_ =	shalt  }
0x85: {  	_ =	shalt  }
0x86: {  	_ =	shalt  }
0x87: {  	_ =	shalt  }
.Lfunc_end0:
.L_simem_size_0:
called_computation.1_lowered:
.L_overlay_start_0:
0x88: {  	s2 =	sld [smem:$0x3FD9]  }
0x89: {  	s3 =	sld [smem:$0x3FFE];
	_ =	sdelay $0x1  }
0x8a: {  	s1 =	srdreg.scid  }
0x8b: {  	s0 =	sand.u32 $0x1, s1  }
0x8c: {  	s17 =	sshll.u32 s0, $0xA;
	s2 =	sadd.s32 s3, s2  }
0x8d: {  	s2 =	sadd.s32 s2, s17  }
0x8e: {  	[smem:$0x3FC5] =	sst s2  }
0x8f: {  	_ = 	snop  }
0x90: {  	s18 =	sld [smem:$0x3FD0];
	(tm) =	ssettm $0x1  }
0x91: {  	s19 =	sld [smem:$0x3FFB];
	_ =	sdelay $0x3  }
0x92: {  	_ =	strace s19  }
0x93: {  	s2 =	sld [smem:$0x3FFC];
	_ =	sdelay $0x3  }
0x94: {  	_ =	strace s2  }
0x95: {  	s2 =	sld [smem:$0x3FFD];
	_ =	sdelay $0x3  }
0x96: {  	_ =	strace s2  }
0x97: {  	_ =	strace $0x8FFFFFFF  }
0x98: {  	s20 =	sld [smem:$0x3FDB];
	_ =	sdelay $0x1  }
0x99: {  	s4 =	simm.s32 $_scs_section_size  }
0x9a: {  	s5 =	simm.s32 $_size__tile_overlayer_lowered;
	s6 =	simm.s32 $_tile_overlayer_lowered  }
0x9b: {  	s7 =	simm.s32 $0x1BFF;
	s21 =	sshll.u32 s6, $0x1;
	s4 =	sadd.s32 s4, s20  }
0x9c: {  	s22 =	simm.s32 $0x0;
	s5 =	sshll.u32 s5, $0x1;
	s6 =	sadd.s32 s21, s4  }
0x9d: {  	[timem:s22], [sflag:s7] =	dma.local [hbm:s6], s5  }
0x9e: {  	_ =	swait.ge [sflag:s7], s5  }
0x9f: {  	s5 =	ssub.s32 $0x0, s5;
	[sflag:s7] =	ssyncset.done $0x0  }
0xa0: {  	[sflag:s7] =	ssyncadd.s32 s5;
	_ =	sdelay $0x1  }
0xa1: {  	s23 =	simm.s32 $0x1B8B  }
0xa2: {  	_ =	swait.ge [sflag:s23], $0x1  }
0xa3: {  	[sflag:s23] =	ssyncset.done $0x0  }
0xa4: {  	[sflag:s23] =	ssyncadd.s32 $0xFFFFFFFF  }
0xa5: {  	s5 =	sld [smem:$0x0]  }
0xa6: {  	s6 =	sand.u32 $0xFFFFFFFE, s1  }
0xa7: {  	p0 =	sne.s32 s1, s6  }
0xa8: {  	s6 =	sshll.u32 @p0 s6, $0xE  }
0xa9: {  	s6 =	sadd.s32 @p0 $0x11B8D, s6;
	s7 =	sshll.u32 @p0 s5, $0x11  }
0xaa: {  	s6 =	sor.u32 @p0 s7, s6  }
0xab: {  	[sflag:s6] =	ssyncadd.remote.s32 @p0 $0x1;
	_ =	sdelay $0x1  }
0xac: {  	s6 =	simm.s32 @p0 $0x1B8D  }
0xad: {  	_ =	swait.eq @p0 [sflag:s6], $0x1  }
0xae: {  	[sflag:s6] =	ssyncadd.s32 @p0 $0xFFFFFFFF  }
0xaf: {  	s7 =	sshll.u32 @!p0 s1, $0xE  }
0xb0: {  	s7 =	sor.u32 @!p0 $0x4000, s7;
	s6 =	simm.s32 @!p0 $0x1B8D  }
0xb1: {  	s5 =	sshll.u32 @!p0 s5, $0x11;
	s7 =	sadd.s32 @!p0 $0x11B8D, s7;
	_ =	swait.eq @!p0 [sflag:s6], $0x1  }
0xb2: {  	s5 =	sor.u32 @!p0 s5, s7;
	[sflag:s6] =	ssyncadd.s32 @!p0 $0xFFFFFFFF  }
0xb3: {  	s25 =	simm.s32 $0x1B8E;
	s24 =	sld [smem:$0x3FFE];
	[sflag:s5] =	ssyncadd.remote.s32 @!p0 $0x1  }
0xb4: {  	s26 =	simm.s32 $execute0_lowered;
	[smem:$0x3FD2] =	sst s25  }
0xb5: {  	s6 =	sshll.u32 s26, $0x1;
	_ =	strace $0x80000049;
	[dreg:$0x1] =	wrdreg $0xFFFFFFFF  }
0xb6: {  	s28 =	simm.s32 $_size_execute0_lowered;
	s4 =	sadd.s32 s4, s6;
	[dreg:$0x0] =	wrdreg $0x0  }
0xb7: {  	s6 =	sshll.u32 s28, $0x1;
	[dreg:$0x2] =	wrdreg s4  }
0xb8: {  	[dreg:$0x3] =	wrdreg s6  }
0xb9: {  	[dreg:$0x4] =	wrdreg $0xC0  }
0xba: {  	_ =	task [dreg:s22], $0x5FFFF  }
0xbb: {  	[dreg:$0x1] =	wrdreg $0xFFFFFFFF  }
0xbc: {  	[dreg:$0x0] =	wrdreg $0x60  }
0xbd: {  	[dreg:$0x2] =	wrdreg s24  }
0xbe: {  	[dreg:$0x3] =	wrdreg s18  }
0xbf: {  	[dreg:$0x4] =	wrdreg $0xA  }
0xc0: {  	_ =	task.clear_ibuf [dreg:s22], $0x5FFFF;
	_ =	strace $0x90000049  }
0xc1: {  	s29 =	simm.s32 $0xA;
	_ =	strace $0x8000004B  }
0xc2: {  	_ =	swait.ge [sflag:s29], $0x1  }
0xc3: {  	[sflag:s29] =	ssyncadd.s32 $0xFFFFFFFF  }
0xc4: {  	_ =	strace $0x9000004B  }
0xc5: {  	_ =	sfence  }
0xc6: {  	s30 =	sld [smem:$0x0];
	_ =	sdelay $0x2  }
0xc7: {  	s31 =	sshll.u32 s1, $0xD;
	s1 =	sshrl.u32 s1, $0x2  }
0xc8: {  	s4 =	sand.u32 $0x4000, s31;
	s1 =	sadd.s32 s1, s30  }
0xc9: {  	s0 =	sor.u32 s4, s0;
	s1 =	sshll.u32 s1, $0x11  }
0xca: {  	s0 =	sor.u32 s1, s0  }
0xcb: {  	s0 =	sadd.s32 $0x8F2B, s0  }
0xcc: {  	[sflag:s0] =	ssyncadd.remote.s32 $0x1  }
0xcd: {  	_ =	sfence.sel $0xFFFF  }
0xce: {  	[dreg:$0x0] =	wrdreg $0xFFFFFFFF;
	(pc) =	sbr.abs _section_cstart, $3  }
0xcf: {  	[dreg:$0x1] =	wrdreg $0xFFFFFFFF  }
0xd0: {  	_ =	task.clear_ibuf [dreg:s22], $0x2FFFF;
	_ =	strace $0x9FFFFFFF  }
0xd1: {  	(tm) =	ssettm $0x7FFFFFFF  }
tec
execute0_lowered:
.L_overlay_start_1:
0x0: {  	(tag) =	ssettag $0x1  }
0x1: {  	s0 =	srdreg.scid  }
0x2: {  	s1 =	sshll.u32 s0, $0x4  }
0x3: {  	s0 =	stileid.u32;
	s1 =	sand.u32 $0x10, s1  }
0x4: {  	s2 =	sor.u32 s0, s1  }
0x5: {  	s1 =	smin.u32 s2, $0x12  }
0x6: {  	s1 =	sadd.s32 s2, s1  }
0x7: {  	p0 =	slt.u32 s2, $0x12;
	s2 =	simm.s32 $0xA0;
	s1 =	smul.u32 $0x50, s1  }
0x8: {  	s2 =	simm.s32 @!p0 $0x50  }
0x9: {  	s2 =	sadd.s32 s2, s1  }
0xa: {  	s3 =	smin.u32 s2, $0xFA0  }
0xb: {  	s7 =	ssub.s32 s3, s1  }
0xc: {  	p0 =	sgt.s32 s7, $0x0  }
0xd: {  	s7 =	simm.s32 @!p0 $0x0  }
0xe: {  	s9 =	rddreg [dreg:$0x0];
	s31 =	smul.u32 $0xCCCD, s7  }
0xf: {  	s4 =	rddreg [dreg:$0x1];
	s6 =	simm.s32 $0x1  }
0x10: {  	s11 =	simm.s32 $0x3;
	s13 =	simm.s32 $0x0;
	s8 =	sshrl.u32 s31, $0x16  }
0x11: {  	s12 =	simm.s32 $0x0;
	s5 =	sadd.s32 $0x3FC00, s9;
	s10 =	smul.u32 $0x50, s8  }
.Ltmp0:
0x12: {  	s9 =	sadd.s32 $0x9FC00, s9;
	s2 =	rddreg [dreg:$0x2];
	(pc) =	sbr.rel .LBB2_1-.Ltmp0, $4  }
0x13: {  	_ =	strace $0x8000004A;
	p0 =	sne.s32 s7, s10;
	s10 =	simm.s32 $0x1  }
0x14: {  	[sflag:s6] =	ssyncpa.u1 $0x0;
	s7 =	simm.s32 $0x2;
	s10 =	simm.s32 @!p0 $0x0  }
0x15: {  	[sflag:s7] =	ssyncpa.u1 $0x0;
	p0 =	por $0x0, $0x0;
	s8 =	sadd.s32 s8, s10  }
0x16: {  	v0 =	vimm.s32 $0x0;
	vm0 =	vmmov $0xff;
	vm1 =	vcmask $0x3F20;
	[sflag:s11] =	ssyncpa.u1 $0x0;
	s11 =	smov.u32 s1;
	s10 =	sadd.s32 $0x1, s8  }
.LBB2_6:
0x17: {  	[hbm:s17] =	stream.linear.scatter [tilespmem:s14], [sflag:$0x3], $0x400, $0x38;
	[tilespmem:$0x50A0] =	vst v63  }
.LBB2_7:
0x18: {  	s13 =	sadd.s32 $0x50, s11  }
0x19: {  	s15 =	smov.u32 s1;
	p2 =	slt.s32 s13, s3  }
0x1a: {  	s15 =	smov.u32 @p2 s13;
	p2 =	sne.s32 s12, s10  }
.Ltmp1:
0x1b: {  	p1 =	slt.u32 s12, $0x2;
	(pc) =	sbr.rel @!p2 .LBB2_8-.Ltmp1, $4  }
0x1c: {  	s14 =	simm.s32 @!p1 $0x3  }
0x1d: {  	s16 =	sadd.s32 $0x1, s12;
	_ =	swait.ge @!p1 [sflag:s14], $0x2800  }
0x1e: {  	p0 =	por !p0, !p0;
	s13 =	smov.u32 s11;
	[sflag:s14] =	ssyncset.done @!p1 $0x0  }
0x1f: {  	s12 =	smov.u32 s16;
	s11 =	smov.u32 s15;
	[sflag:s14] =	ssyncadd.s32 @!p1 $0xFFFFD800  }
.LBB2_1:
0x20: {  	p1 =	sge.u32 s12, s8  }
0x21: {  	s14 =	sxor.u32 @!p1 $0xFFFFFFFF, s12  }
0x22: {  	s14 =	sand.u32 @!p1 $0x1, s14  }
0x23: {  	s14 =	smul.u32 @!p1 $0x140, s14  }
0x24: {  	s31 =	sadd.s32 $0xFFFFFFFF, s12;
	s15 =	sshrl.u32 @!p1 s11, $0x3  }
0x25: {  	s16 =	sand.u32 @!p1 $0x7, s11;
	s15 =	sadd.s32 @!p1 s4, s15;
	s14 =	sshrl.u32 @!p1 s14, $0x2  }
0x26: {  	[tilespmem:s14], [sflag:$0x2] =	stream.linear.gather @!p1 [hbm4b:s15+s16], $0x50, $0x38;
	[tilespmem:$0x50A0] =	vst v63  }
0x27: {  	p1 =	sge.u32 s31, s8  }
.Ltmp2:
0x28: {  	_ = 	snop;
	(pc) =	sbr.rel @p1 .LBB2_7-.Ltmp2, $1  }
0x29: {  	_ =	sdelay $0x3  }
0x2a: {  	s14 =	simm.s32 $0x1  }
0x2b: {  	s14 =	simm.s32 @!p0 $0x0  }
0x2c: {  	s15 =	smul.u32 $0x140, s14  }
0x2d: {  	_ =	swait.ge [sflag:s7], $0x50  }
0x2e: {  	[sflag:s7] =	ssyncset.done $0x0;
	s16 =	sshrl.u32 s15, $0x2  }
0x2f: {  	[sflag:s7] =	ssyncadd.s32 $0xFFFFFFB0;
	s15 =	sadd.s32 $0x0, s16  }
0x30: {  	v1 =	vld.msk [tilespmem:s15+$0x0 ss:$0x1], $0xffff;
	_ =	sdelay $0x4  }
0x31: {  	v2 =	vand.u32 $0x1, v1;
	v3 =	vshll.u32 v1, $0x6  }
0x32: {  	vm2 =	veq.s32 v1, $0x80000000;
	vm3 =	veq.s32 v2, $0x1;
	v1 =	vand.u32 $0x1FFF80, v3  }
0x33: {  	v2 =	vsel vm3, $0x180000, v0;
	v1 =	vsel vm2, $0xFFFFFF80, v1  }
0x34: {  	v2 =	vsel vm2, $0xFFE80000, v2;
	v3 =	vand.u32 $0xFFFFFC00, v1  }
0x35: {  	v1 =	vand.u32 $0x380, v1;
	v2 =	vadd.s32 v2, v3  }
0x36: {  	v1 =	vor.u32 v1, v2  }
0x37: {  	v1 =	vshrl.u32 v1, $0x3  }
0x38: {  	s14 =	smul.u32 $0xA000, s14;
	_ =	sdelay $0x1  }
0x39: {  	s14 =	sshrl.u32 s14, $0x2  }
0x3a: {  	s14 =	sor.u32 $0xA0, s14  }
0x3b: {  	[tilespmem:s14], [sflag:$0x1] =	stream.indirect_vreg.gather [hbm:s5], $0x80, v1, vm0, $0x38;
	[tilespmem:$0x50A0] =	vst v63  }
0x3c: {  	s17 =	sadd.s32 $0x10, s16;
	s15 =	sadd.s32 $0x400, s14  }
0x3d: {  	[tilespmem:s15], [sflag:$0x1] =	stream.indirect_vreg.gather [hbm:s5], $0x80, v1, vm1, $0x38;
	[tilespmem:$0x50A0] =	vst v63  }
0x3e: {  	s18 =	simm.s32 $0x80;
	v1 =	vld.msk [tilespmem:s17+$0x0 ss:$0x1], $0xffff;
	s17 =	smov.u32 s14  }
.LBB2_3:
0x3f: {  	p1 =	sne.s32 s18, $0x100;
	_ =	sdelay $0x4  }
0x40: {  	v2 =	vand.u32 $0x1, v1;
	v3 =	vshll.u32 v1, $0x6  }
0x41: {  	vm2 =	veq.s32 v1, $0x80000000;
	vm3 =	veq.s32 v2, $0x1;
	v1 =	vand.u32 $0x1FFF80, v3  }
0x42: {  	v2 =	vsel vm3, $0x180000, v0;
	v1 =	vsel vm2, $0xFFFFFF80, v1  }
0x43: {  	v2 =	vsel vm2, $0xFFE80000, v2;
	v3 =	vand.u32 $0xFFFFFC00, v1  }
0x44: {  	v1 =	vand.u32 $0x380, v1;
	v2 =	vadd.s32 v2, v3  }
0x45: {  	v1 =	vor.u32 v1, v2  }
0x46: {  	v1 =	vshrl.u32 v1, $0x3;
	_ =	sdelay $0x3  }
.Ltmp3:
0x47: {  	s19 =	sshra.s32 s18, $0x2;
	s17 =	sadd.s32 $0x800, s17;
	(pc) =	sbr.rel @p1 .LBB2_3-.Ltmp3, $4  }
0x48: {  	[tilespmem:s17], [sflag:$0x1] =	stream.indirect_vreg.gather [hbm:s5], $0x80, v1, vm0, $0x38;
	[tilespmem:$0x50A0] =	vst v63  }
0x49: {  	s19 =	sadd.s32 s19, s16;
	s20 =	sadd.s32 $0x400, s17  }
0x4a: {  	[tilespmem:s20], [sflag:$0x1] =	stream.indirect_vreg.gather [hbm:s5], $0x80, v1, vm1, $0x38;
	[tilespmem:$0x50A0] =	vst v63  }
0x4b: {  	s18 =	sadd.s32 $0x40, s18;
	v1 =	vld.msk [tilespmem:s19+$0x0 ss:$0x1], $0xffff  }
0x4c: {  	_ =	sdelay $0x3  }
0x4d: {  	v2 =	vand.u32 $0x1, v1;
	v3 =	vshll.u32 v1, $0x6  }
0x4e: {  	vm2 =	veq.s32 v1, $0x80000000;
	vm3 =	veq.s32 v2, $0x1;
	v1 =	vand.u32 $0x1FFF80, v3  }
0x4f: {  	v2 =	vsel vm3, $0x180000, v0;
	v1 =	vsel vm2, $0xFFFFFF80, v1  }
0x50: {  	v2 =	vsel vm2, $0xFFE80000, v2;
	v3 =	vand.u32 $0xFFFFFC00, v1  }
0x51: {  	v1 =	vand.u32 $0x380, v1;
	v2 =	vadd.s32 v2, v3  }
0x52: {  	v1 =	vor.u32 v1, v2  }
0x53: {  	v1 =	vshrl.u32 v1, $0x3;
	_ =	sdelay $0x3  }
0x54: {  	s16 =	sadd.s32 $0x800, s17  }
0x55: {  	[tilespmem:s16], [sflag:$0x1] =	stream.indirect_vreg.gather [hbm:s5], $0x80, v1, vm0, $0x38;
	[tilespmem:$0x50A0] =	vst v63  }
0x56: {  	s16 =	sadd.s32 $0x400, s16  }
0x57: {  	[tilespmem:s16], [sflag:$0x1] =	stream.indirect_vreg.gather [hbm:s5], $0x80, v1, vm1, $0x38;
	[tilespmem:$0x50A0] =	vst v63  }
0x58: {  	s13 =	sshll.u32 s13, $0x4;
	_ =	swait.ge [sflag:s6], $0x2800  }
0x59: {  	s13 =	sadd.s32 s13, s9;
	[sflag:s6] =	ssyncset.done $0x0  }
0x5a: {  	s17 =	sadd.s32 $0x0, s13;
	s16 =	simm.s32 $0x80;
	[sflag:s6] =	ssyncadd.s32 $0xFFFFD800  }
.LBB2_5:
0x5b: {  	[hbm:s17] =	stream.linear.scatter [tilespmem:s14], [sflag:$0x3], $0x400, $0x38;
	[tilespmem:$0x50A0] =	vst v63  }
0x5c: {  	s17 =	smov.u32 s16;
	s14 =	smov.u32 s15;
	p1 =	sne.s32 s16, $0x480  }
.Ltmp4:
0x5d: {  	s16 =	sadd.s32 $0x80, s16;
	(pc) =	sbr.rel @p1 .LBB2_5-.Ltmp4, $2  }
0x5e: {  	_ =	sdelay $0x2  }
0x5f: {  	s15 =	sadd.s32 $0x400, s15;
	s17 =	sadd.s32 s17, s13  }
.Ltmp5:
0x60: {  	_ = 	snop;
	(pc) =	sbr.rel .LBB2_6-.Ltmp5, $1  }
0x61: {  	_ =	sdelay $0x3  }
.LBB2_8:
0x62: {  	_ =	sfence.sel $0x180000  }
0x63: {  	s1 =	simm.s32 $0x2;
	[bflag:$0x0] =	sbarrier.arrive $0xFFFF  }
0x64: {  	s30 =	simm.s32 $0x3;
	[sflag:s1] =	ssyncpa.u1 $0x1  }
0x65: {  	s31 =	simm.s32 $0x1;
	[sflag:s30] =	ssyncpa.u1 $0x1  }
0x66: {  	[sflag:s31] =	ssyncpa.u1 $0x1  }
0x67: {  	p0 =	sne.s32 s0, $0x0;
	_ =	strace $0x9000004A  }
0x68: {  	s0 =	sadd.s32 @!p0 $0x100000, s2;
	[bflag:$0x2] =	sbarrier.arrive $0xFFFF  }
0x69: {  	[sflag:s0] =	ssyncadd.tile.s32 @!p0 $0x1;
	_ =	shalt  }
.Lfunc_end2:
_tile_overlayer_lowered:
.L_overlay_start_2:
0x6a: {  	(tag) =	ssettag $0x2  }
0x6b: {  	s0 =	rddreg [dreg:$0x0];
	s2 =	stileid.u32  }
0x6c: {  	s1 =	rddreg [dreg:$0x1];
	p0 =	sne.s32 s2, $0x0  }
0x6d: {  	s3 =	rddreg [dreg:$0x2];
	[bflag:$0x3] =	sbarrier.arrive $0xFFFF;
	s2 =	simm.s32 @!p0 $0x1C01  }
0x6e: {  	[timem:s3], [sflag:s2] =	dma.local @!p0 [hbm:s0], s1  }
0x6f: {  	s0 =	simm.s32 @!p0 $0x1  }
0x70: {  	_ =	swait.ge @!p0 [sflag:s0], s1  }
0x71: {  	s1 =	ssub.s32 @!p0 $0x0, s1;
	[sflag:s0] =	ssyncset.done @!p0 $0x0  }
0x72: {  	[sflag:s0] =	ssyncadd.s32 @!p0 s1  }
0x73: {  	[bflag:$0x3] =	sbarrier.arrive $0xFFFF  }
0x74: {  	_ =	shalt  }

// kernel: gather_offload_async_start.2
scs
__scs_entry_jumppad:
0x0: {  	(pc) =	sbr.rel $0x88, $3  }
0x1: {  	(tag) =	ssettag $0x0;
	lr =	simm.s32 $0x1  }
0x2: {  	[smem:$0x3F9E] =	sst lr;
	_ =	strace $0xD0000000  }
0x3: {  	_ = 	snop  }
0x4: {  	_ = 	snop  }
0x5: {  	_ = 	snop  }
0x6: {  	_ = 	snop  }
0x7: {  	_ = 	snop  }
__scs_overlays_trampoline_lowered:
0x8: {  	[smem:$0x3FAD] =	sst s0  }
0x9: {  	[smem:$0x3FAE] =	sst s1  }
0xa: {  	[smem:$0x3FAF] =	sst s2  }
0xb: {  	[smem:$0x3FB0] =	sst s3  }
0xc: {  	[smem:$0x3FB1] =	sst s4  }
0xd: {  	[smem:$0x3FB2] =	sst s5  }
0xe: {  	[smem:$0x3FB3] =	sst s6  }
0xf: {  	[smem:$0x3FB4] =	sst s7  }
0x10: {  	[smem:$0x3FB5] =	sst s8  }
0x11: {  	[smem:$0x3FB6] =	sst s9;
	s0 =	simm.s32 @!p0 $0x0  }
0x12: {  	s1 =	sld [smem:$0x3F9C];
	s0 =	simm.s32 @p0 $0x1  }
0x13: {  	[smem:$0x3FB7] =	sst s0;
	s0 =	simm.s32 @!p1 $0x0  }
0x14: {  	s2 =	sld [smem:$0x3F9B];
	s0 =	simm.s32 @p1 $0x1  }
0x15: {  	[smem:$0x3FB8] =	sst s0;
	s0 =	simm.s32 @!p2 $0x0  }
0x16: {  	s3 =	sld [smem:$0x3FDB];
	s0 =	simm.s32 @p2 $0x1  }
0x17: {  	s4 =	simm.s32 $0x1BF5;
	[smem:$0x3FBA] =	sst s0  }
0x18: {  	s0 =	sld [smem:$0x3F9D];
	_ =	swait.ge [sflag:s4], $0x0  }
0x19: {  	s7 =	sld [smem:$0x3F9E]  }
0x1a: {  	s8 =	sadd.s32 $0xFFFFE003, lr  }
0x1b: {  	s9 =	sadd.s32 $0xFFFFFEF7, lr;
	s5 =	simm.s32 $0xFFFFFFFF;
	p2 =	slt.u32 s8, $0xFFFFF086  }
0x1c: {  	p1 =	slt.u32 s9, $0xF7A;
	s5 =	simm.s32 @!p2 $0x0  }
0x1d: {  	s5 =	simm.s32 @p1 $0x1;
	p0 =	seq.s32 s7, s2  }
0x1e: {  	s7 =	smul.u32 @!p0 $0xF7A, s2;
	p2 =	seq.s32 @!p0 s5, $0x0  }
0x1f: {  	s9 =	smul.u32 $0xF7A, s1;
	s8 =	simm.s32 @!p0 $0x1BF5;
	p2 =	por !p2, p0  }
0x20: {  	[sflag:s8] =	ssyncset.s32 @!p0 $0xFFFFF086;
	s6 =	sadd.s32 @!p0 s3, s7;
	s7 =	simm.s32 @!p0 $0x108  }
0x21: {  	s3 =	sadd.s32 s3, s9;
	s6 =	sadd.s32 @!p0 $0x88, s6;
	s7 =	simm.s32 @p2 $0x1082  }
0x22: {  	[simem:s7], [sflag:s8] =	dma.local @!p0 [hbm:s6], $0xF7A  }
0x23: {  	s9 =	sor.u32 $0xD0000000, s2;
	s6 =	simm.s32 $0x108;
	_ =	swait.ge @!p0 [sflag:s8], $0x0  }
0x24: {  	s3 =	sadd.s32 $0x88, s3;
	s6 =	simm.s32 @!p1 $0x1082;
	[sflag:s4] =	ssyncset.s32 $0xFFFFF086  }
0x25: {  	[simem:s6], [sflag:s4] =	dma.local [hbm:s3], $0xF7A  }
0x26: {  	[smem:$0x3F9E] =	sst s1;
	(tag) =	ssettag s2;
	_ =	strace s9  }
0x27: {  	s1 =	sld [smem:$0x3FAE]  }
0x28: {  	s2 =	sld [smem:$0x3FAF]  }
0x29: {  	s4 =	sld [smem:$0x3FB1]  }
0x2a: {  	p0 =	seq.s32 s5, $0x0;
	s5 =	sld [smem:$0x3FB2]  }
0x2b: {  	s6 =	sld [smem:$0x3FB3]  }
0x2c: {  	s7 =	sld [smem:$0x3FB4]  }
0x2d: {  	s3 =	simm.s32 $0x108;
	s8 =	sld [smem:$0x3FB5]  }
0x2e: {  	s3 =	simm.s32 @!p0 $0x1082;
	s9 =	sld [smem:$0x3FB6]  }
0x2f: {  	lr =	sadd.s32 s0, s3;
	s0 =	sld [smem:$0x3FAD]  }
0x30: {  	s3 =	sld [smem:$0x3FB0]  }
0x31: {  	[smem:$0x3FB9] =	sst s10  }
0x32: {  	s10 =	sld [smem:$0x3FB7];
	_ =	sdelay $0x3  }
0x33: {  	p0 =	seq.s32 s10, $0x1;
	s10 =	sld [smem:$0x3FB9];
	_ =	sdelay $0x3  }
0x34: {  	[smem:$0x3FB9] =	sst s10  }
0x35: {  	s10 =	sld [smem:$0x3FB8];
	_ =	sdelay $0x3  }
0x36: {  	p1 =	seq.s32 s10, $0x1;
	s10 =	sld [smem:$0x3FB9];
	_ =	sdelay $0x3  }
0x37: {  	[smem:$0x3FB9] =	sst s10  }
0x38: {  	s10 =	sld [smem:$0x3FBA]  }
0x39: {  	_ = 	snop;
	(pc) =	sbr.ind lr, $3  }
0x3a: {  	_ = 	snop  }
0x3b: {  	_ = 	snop  }
0x3c: {  	p2 =	seq.s32 s10, $0x1;
	s10 =	sld [smem:$0x3FB9]  }
0x3d: {  	_ =	shalt  }
0x3e: {  	_ =	shalt  }
0x3f: {  	_ =	shalt  }
0x40: {  	_ =	shalt  }
0x41: {  	_ =	shalt  }
0x42: {  	_ =	shalt  }
0x43: {  	_ =	shalt  }
0x44: {  	_ =	shalt  }
0x45: {  	_ =	shalt  }
0x46: {  	_ =	shalt  }
0x47: {  	_ =	shalt  }
0x48: {  	_ =	shalt  }
0x49: {  	_ =	shalt  }
0x4a: {  	_ =	shalt  }
0x4b: {  	_ =	shalt  }
0x4c: {  	_ =	shalt  }
0x4d: {  	_ =	shalt  }
0x4e: {  	_ =	shalt  }
0x4f: {  	_ =	shalt  }
0x50: {  	_ =	shalt  }
0x51: {  	_ =	shalt  }
0x52: {  	_ =	shalt  }
0x53: {  	_ =	shalt  }
0x54: {  	_ =	shalt  }
0x55: {  	_ =	shalt  }
0x56: {  	_ =	shalt  }
0x57: {  	_ =	shalt  }
0x58: {  	_ =	shalt  }
0x59: {  	_ =	shalt  }
0x5a: {  	_ =	shalt  }
0x5b: {  	_ =	shalt  }
0x5c: {  	_ =	shalt  }
0x5d: {  	_ =	shalt  }
0x5e: {  	_ =	shalt  }
0x5f: {  	_ =	shalt  }
0x60: {  	_ =	shalt  }
0x61: {  	_ =	shalt  }
0x62: {  	_ =	shalt  }
0x63: {  	_ =	shalt  }
0x64: {  	_ =	shalt  }
0x65: {  	_ =	shalt  }
0x66: {  	_ =	shalt  }
0x67: {  	_ =	shalt  }
0x68: {  	_ =	shalt  }
0x69: {  	_ =	shalt  }
0x6a: {  	_ =	shalt  }
0x6b: {  	_ =	shalt  }
0x6c: {  	_ =	shalt  }
0x6d: {  	_ =	shalt  }
0x6e: {  	_ =	shalt  }
0x6f: {  	_ =	shalt  }
0x70: {  	_ =	shalt  }
0x71: {  	_ =	shalt  }
0x72: {  	_ =	shalt  }
0x73: {  	_ =	shalt  }
0x74: {  	_ =	shalt  }
0x75: {  	_ =	shalt  }
0x76: {  	_ =	shalt  }
0x77: {  	_ =	shalt  }
0x78: {  	_ =	shalt  }
0x79: {  	_ =	shalt  }
0x7a: {  	_ =	shalt  }
0x7b: {  	_ =	shalt  }
0x7c: {  	_ =	shalt  }
0x7d: {  	_ =	shalt  }
0x7e: {  	_ =	shalt  }
0x7f: {  	_ =	shalt  }
0x80: {  	_ =	shalt  }
0x81: {  	_ =	shalt  }
0x82: {  	_ =	shalt  }
0x83: {  	_ =	shalt  }
0x84: {  	_ =	shalt  }
0x85: {  	_ =	shalt  }
0x86: {  	_ =	shalt  }
0x87: {  	_ =	shalt  }
.Lfunc_end0:
.L_simem_size_0:
called_computation.2_lowered:
.L_overlay_start_0:
0x88: {  	s2 =	sld [smem:$0x3FD9]  }
0x89: {  	s3 =	sld [smem:$0x3FFE];
	_ =	sdelay $0x1  }
0x8a: {  	s1 =	srdreg.scid  }
0x8b: {  	s0 =	sand.u32 $0x1, s1  }
0x8c: {  	s17 =	sshll.u32 s0, $0xA;
	s2 =	sadd.s32 s3, s2  }
0x8d: {  	s2 =	sadd.s32 s2, s17  }
0x8e: {  	[smem:$0x3FC5] =	sst s2  }
0x8f: {  	_ = 	snop  }
0x90: {  	s18 =	sld [smem:$0x3FD0];
	(tm) =	ssettm $0x1  }
0x91: {  	s19 =	sld [smem:$0x3FFB];
	_ =	sdelay $0x3  }
0x92: {  	_ =	strace s19  }
0x93: {  	s2 =	sld [smem:$0x3FFC];
	_ =	sdelay $0x3  }
0x94: {  	_ =	strace s2  }
0x95: {  	s2 =	sld [smem:$0x3FFD];
	_ =	sdelay $0x3  }
0x96: {  	_ =	strace s2  }
0x97: {  	_ =	strace $0x8FFFFFFF  }
0x98: {  	s20 =	sld [smem:$0x3FDB];
	_ =	sdelay $0x1  }
0x99: {  	s4 =	simm.s32 $_scs_section_size  }
0x9a: {  	s5 =	simm.s32 $_size__tile_overlayer_lowered;
	s6 =	simm.s32 $_tile_overlayer_lowered  }
0x9b: {  	s7 =	simm.s32 $0x1BFF;
	s21 =	sshll.u32 s6, $0x1;
	s4 =	sadd.s32 s4, s20  }
0x9c: {  	s22 =	simm.s32 $0x0;
	s5 =	sshll.u32 s5, $0x1;
	s6 =	sadd.s32 s21, s4  }
0x9d: {  	[timem:s22], [sflag:s7] =	dma.local [hbm:s6], s5  }
0x9e: {  	_ =	swait.ge [sflag:s7], s5  }
0x9f: {  	s5 =	ssub.s32 $0x0, s5;
	[sflag:s7] =	ssyncset.done $0x0  }
0xa0: {  	[sflag:s7] =	ssyncadd.s32 s5;
	_ =	sdelay $0x1  }
0xa1: {  	s23 =	simm.s32 $0x1B8B  }
0xa2: {  	_ =	swait.ge [sflag:s23], $0x1  }
0xa3: {  	[sflag:s23] =	ssyncset.done $0x0  }
0xa4: {  	[sflag:s23] =	ssyncadd.s32 $0xFFFFFFFF  }
0xa5: {  	s5 =	sld [smem:$0x0]  }
0xa6: {  	s6 =	sand.u32 $0xFFFFFFFE, s1  }
0xa7: {  	p0 =	sne.s32 s1, s6  }
0xa8: {  	s6 =	sshll.u32 @p0 s6, $0xE  }
0xa9: {  	s6 =	sadd.s32 @p0 $0x11B8D, s6;
	s7 =	sshll.u32 @p0 s5, $0x11  }
0xaa: {  	s6 =	sor.u32 @p0 s7, s6  }
0xab: {  	[sflag:s6] =	ssyncadd.remote.s32 @p0 $0x1;
	_ =	sdelay $0x1  }
0xac: {  	s6 =	simm.s32 @p0 $0x1B8D  }
0xad: {  	_ =	swait.eq @p0 [sflag:s6], $0x1  }
0xae: {  	[sflag:s6] =	ssyncadd.s32 @p0 $0xFFFFFFFF  }
0xaf: {  	s7 =	sshll.u32 @!p0 s1, $0xE  }
0xb0: {  	s7 =	sor.u32 @!p0 $0x4000, s7;
	s6 =	simm.s32 @!p0 $0x1B8D  }
0xb1: {  	s5 =	sshll.u32 @!p0 s5, $0x11;
	s7 =	sadd.s32 @!p0 $0x11B8D, s7;
	_ =	swait.eq @!p0 [sflag:s6], $0x1  }
0xb2: {  	s5 =	sor.u32 @!p0 s5, s7;
	[sflag:s6] =	ssyncadd.s32 @!p0 $0xFFFFFFFF  }
0xb3: {  	s25 =	simm.s32 $0x1B8E;
	s24 =	sld [smem:$0x3FFE];
	[sflag:s5] =	ssyncadd.remote.s32 @!p0 $0x1  }
0xb4: {  	s26 =	simm.s32 $execute0_lowered;
	[smem:$0x3FD2] =	sst s25  }
0xb5: {  	s6 =	sshll.u32 s26, $0x1;
	_ =	strace $0x8000005B;
	[dreg:$0x1] =	wrdreg $0xFFFFFFFF  }
0xb6: {  	s28 =	simm.s32 $_size_execute0_lowered;
	s4 =	sadd.s32 s4, s6;
	[dreg:$0x0] =	wrdreg $0x0  }
0xb7: {  	s6 =	sshll.u32 s28, $0x1;
	[dreg:$0x2] =	wrdreg s4  }
0xb8: {  	[dreg:$0x3] =	wrdreg s6  }
0xb9: {  	[dreg:$0x4] =	wrdreg $0xC0  }
0xba: {  	_ =	task [dreg:s22], $0x5FFFF  }
0xbb: {  	[dreg:$0x1] =	wrdreg $0xFFFFFFFF  }
0xbc: {  	[dreg:$0x0] =	wrdreg $0x60  }
0xbd: {  	[dreg:$0x2] =	wrdreg s24  }
0xbe: {  	[dreg:$0x3] =	wrdreg s18  }
0xbf: {  	[dreg:$0x4] =	wrdreg $0x9  }
0xc0: {  	_ =	task.clear_ibuf [dreg:s22], $0x5FFFF;
	_ =	strace $0x9000005B  }
0xc1: {  	s29 =	simm.s32 $0x9;
	_ =	strace $0x8000005D  }
0xc2: {  	_ =	swait.ge [sflag:s29], $0x1  }
0xc3: {  	[sflag:s29] =	ssyncadd.s32 $0xFFFFFFFF  }
0xc4: {  	_ =	strace $0x9000005D  }
0xc5: {  	_ =	sfence  }
0xc6: {  	s30 =	sld [smem:$0x0];
	_ =	sdelay $0x2  }
0xc7: {  	s31 =	sshll.u32 s1, $0xD;
	s1 =	sshrl.u32 s1, $0x2  }
0xc8: {  	s4 =	sand.u32 $0x4000, s31;
	s1 =	sadd.s32 s1, s30  }
0xc9: {  	s0 =	sor.u32 s4, s0;
	s1 =	sshll.u32 s1, $0x11  }
0xca: {  	s0 =	sor.u32 s1, s0  }
0xcb: {  	s0 =	sadd.s32 $0x8F2B, s0  }
0xcc: {  	[sflag:s0] =	ssyncadd.remote.s32 $0x1  }
0xcd: {  	_ =	sfence.sel $0xFFFF  }
0xce: {  	[dreg:$0x0] =	wrdreg $0xFFFFFFFF;
	(pc) =	sbr.abs _section_cstart, $3  }
0xcf: {  	[dreg:$0x1] =	wrdreg $0xFFFFFFFF  }
0xd0: {  	_ =	task.clear_ibuf [dreg:s22], $0x2FFFF;
	_ =	strace $0x9FFFFFFF  }
0xd1: {  	(tm) =	ssettm $0x7FFFFFFF  }
tec
execute0_lowered:
.L_overlay_start_1:
0x0: {  	(tag) =	ssettag $0x1  }
0x1: {  	s1 =	srdreg.scid;
	s2 =	rddreg [dreg:$0x0]  }
0x2: {  	s0 =	stileid.u32;
	s3 =	rddreg [dreg:$0x1]  }
0x3: {  	s6 =	simm.s32 $0x1;
	s9 =	simm.s32 $0x1;
	s1 =	sshll.u32 s1, $0x6  }
0x4: {  	s10 =	simm.s32 $0x3;
	s4 =	sshll.u32 s0, $0x7;
	s5 =	sand.u32 $0x40, s1  }
0x5: {  	s13 =	simm.s32 $0x0;
	s12 =	simm.s32 $0x0;
	s4 =	sor.u32 s4, s5  }
0x6: {  	s1 =	rddreg [dreg:$0x2];
	_ =	strace $0x8000005C;
	s8 =	ssub.s32 $0x1000, s4  }
.Ltmp0:
0x7: {  	s5 =	sadd.s32 $0xA00, s2;
	s7 =	sand.u32 $0x7C0, s8;
	(pc) =	sbr.rel .LBB2_1-.Ltmp0, $4  }
0x8: {  	[sflag:s6] =	ssyncpa.u1 $0x0;
	s11 =	smov.u32 s4;
	p0 =	sne.s32 s7, $0x0  }
0x9: {  	s8 =	sshrl.u32 s8, $0xB;
	s7 =	simm.s32 $0x2;
	s9 =	simm.s32 @!p0 $0x0  }
0xa: {  	[sflag:s7] =	ssyncpa.u1 $0x0;
	p0 =	por $0x0, $0x0;
	s8 =	sadd.s32 s9, s8  }
0xb: {  	vm0 =	vmmov $0xffff;
	[sflag:s10] =	ssyncpa.u1 $0x0;
	s10 =	simm.s32 $0x0;
	s9 =	sadd.s32 $0x1, s8  }
.LBB2_4:
0xc: {  	vm1 =	veq.s32 v1, $0x80000000;
	v2 =	vand.u32 $0x7FF, v2  }
0xd: {  	v63 =	vand.u32 $0x1, v1;
	v2 =	vsel vm1, $0xFFFFFFFF, v2  }
0xe: {  	v1 =	vsel vm1, $0xFFFFFFFF, v63;
	v3 =	vshll.u32 v2, $0x1  }
0xf: {  	v4 =	vand.u32 $0xFFFFF000, v1;
	v1 =	vshll.u32 v1, $0x7;
	v3 =	vand.u32 $0xFFFFFF00, v3  }
0x10: {  	v1 =	vand.u32 $0x80, v1;
	v3 =	vadd.s32 v4, v3  }
0x11: {  	v2 =	vand.u32 $0x7F, v2;
	v1 =	vor.u32 v1, v3  }
0x12: {  	v1 =	vor.u32 v2, v1;
	_ =	sdelay $0x1  }
0x13: {  	(ifvalue) =	ssetifvalue $0x7FFFFFFF;
	s14 =	sadd.s32 $0x10, s14  }
0x14: {  	[tilespmem:s14], [sflag:$0x1] =	stream.indirect_vreg.gather [hbm4b:s2+s10], $0x1, v0, vm0, $0x4038;
	[tilespmem:$0x100] =	vst v63  }
0x15: {  	(ifvalue) =	ssetifvalue $0x7FFFFFFF;
	s14 =	sadd.s32 $0x10, s14  }
0x16: {  	[tilespmem:s14], [sflag:$0x1] =	stream.indirect_vreg.gather [hbm4b:s2+s10], $0x1, v1, vm0, $0x4038;
	[tilespmem:$0x100] =	vst v63  }
0x17: {  	_ =	swait.ge [sflag:s6], $0x40  }
0x18: {  	s30 =	sshrl.u32 s13, $0x3;
	[sflag:s6] =	ssyncset.done $0x0  }
0x19: {  	s31 =	sand.u32 $0x7, s13;
	s14 =	sadd.s32 s3, s30;
	[sflag:s6] =	ssyncadd.s32 $0xFFFFFFC0  }
0x1a: {  	[hbm4b:s14+s31] =	stream.linear.scatter [tilespmem:s15], [sflag:$0x3], $0x40, $0x38;
	[tilespmem:$0x100] =	vst v63  }
.LBB2_5:
0x1b: {  	s15 =	sadd.s32 $0x800, s11  }
0x1c: {  	p2 =	sgt.s32 s15, $0xFFF  }
0x1d: {  	s15 =	smov.u32 @p2 s4;
	p2 =	sne.s32 s12, s9  }
.Ltmp1:
0x1e: {  	p1 =	slt.u32 s12, $0x2;
	(pc) =	sbr.rel @!p2 .LBB2_6-.Ltmp1, $4  }
0x1f: {  	s14 =	simm.s32 @!p1 $0x3  }
0x20: {  	s16 =	sadd.s32 $0x1, s12;
	_ =	swait.ge @!p1 [sflag:s14], $0x40  }
0x21: {  	s13 =	smov.u32 s11;
	p0 =	por !p0, !p0;
	[sflag:s14] =	ssyncset.done @!p1 $0x0  }
0x22: {  	s12 =	smov.u32 s16;
	s11 =	smov.u32 s15;
	[sflag:s14] =	ssyncadd.s32 @!p1 $0xFFFFFFC0  }
.LBB2_1:
0x23: {  	p1 =	sge.u32 s12, s8  }
0x24: {  	s14 =	sxor.u32 @!p1 $0xFFFFFFFF, s12  }
0x25: {  	s31 =	sadd.s32 $0xFFFFFFFF, s12;
	s15 =	sshrl.u32 @!p1 s11, $0x3;
	s14 =	sshll.u32 @!p1 s14, $0x6  }
0x26: {  	s16 =	sand.u32 @!p1 $0x7, s11;
	s15 =	sadd.s32 @!p1 s5, s15;
	s14 =	sand.u32 @!p1 $0x40, s14  }
0x27: {  	[tilespmem:s14], [sflag:$0x2] =	stream.linear.gather @!p1 [hbm4b:s15+s16], $0x40, $0x38;
	[tilespmem:$0x100] =	vst v63  }
0x28: {  	p1 =	sge.u32 s31, s8  }
.Ltmp2:
0x29: {  	_ = 	snop;
	(pc) =	sbr.rel @p1 .LBB2_5-.Ltmp2, $1  }
0x2a: {  	_ =	sdelay $0x3  }
0x2b: {  	s14 =	simm.s32 $0x1  }
0x2c: {  	_ =	swait.ge [sflag:s7], $0x40;
	s14 =	simm.s32 @!p0 $0x0  }
0x2d: {  	[sflag:s7] =	ssyncset.done $0x0;
	s14 =	sshll.u32 s14, $0x6  }
0x2e: {  	[sflag:s7] =	ssyncadd.s32 $0xFFFFFFC0;
	(ifvalue) =	ssetifvalue $0x7FFFFFFF;
	v0 =	vld.msk [tilespmem:s14+$0x0 ss:$0x1], $0xffff;
	_ =	sdelay $0x4  }
0x2f: {  	s15 =	sadd.s32 $0x10, s14;
	v1 =	vshrl.u32 v0, $0x1  }
0x30: {  	v2 =	vld.msk [tilespmem:s15+$0x0 ss:$0x1], $0xffff;
	vm1 =	veq.s32 v0, $0x80000000;
	v1 =	vand.u32 $0x7FF, v1  }
0x31: {  	v0 =	vand.u32 $0x1, v0;
	v1 =	vsel vm1, $0xFFFFFFFF, v1  }
0x32: {  	v0 =	vsel vm1, $0xFFFFFFFF, v0;
	v3 =	vshll.u32 v1, $0x1  }
0x33: {  	v4 =	vand.u32 $0xFFFFF000, v0;
	v0 =	vshll.u32 v0, $0x7;
	v3 =	vand.u32 $0xFFFFFF00, v3  }
0x34: {  	v0 =	vand.u32 $0x80, v0;
	v3 =	vadd.s32 v4, v3  }
0x35: {  	v1 =	vand.u32 $0x7F, v1;
	v0 =	vor.u32 v0, v3;
	v3 =	vshrl.u32 v2, $0x1  }
0x36: {  	s17 =	sadd.s32 $0x10, s15;
	vm1 =	veq.s32 v2, $0x80000000;
	v0 =	vor.u32 v1, v0;
	v3 =	vand.u32 $0x7FF, v3  }
0x37: {  	v2 =	vand.u32 $0x1, v2;
	v1 =	vld.msk [tilespmem:s17+$0x0 ss:$0x1], $0xffff;
	v3 =	vsel vm1, $0xFFFFFFFF, v3  }
0x38: {  	v2 =	vsel vm1, $0xFFFFFFFF, v2;
	v63 =	vshll.u32 v3, $0x1  }
0x39: {  	s31 =	sshll.u32 s12, $0x6;
	v5 =	vand.u32 $0xFFFFF000, v2;
	v2 =	vshll.u32 v2, $0x7;
	v4 =	vand.u32 $0xFFFFFF00, v63  }
0x3a: {  	s14 =	sor.u32 $0x80, s14;
	s15 =	sand.u32 $0x40, s31;
	(ifvalue) =	ssetifvalue $0x7FFFFFFF;
	v2 =	vand.u32 $0x80, v2;
	v4 =	vadd.s32 v5, v4  }
0x3b: {  	[tilespmem:s14], [sflag:$0x1] =	stream.indirect_vreg.gather [hbm4b:s2+s10], $0x1, v0, vm0, $0x4038;
	v0 =	vand.u32 $0x7F, v3;
	v3 =	vor.u32 v2, v4;
	[tilespmem:$0x100] =	vst v63  }
0x3c: {  	s16 =	simm.s32 $0x20;
	s15 =	sor.u32 $0x80, s15;
	s17 =	sadd.s32 $0x10, s17;
	v2 =	vshrl.u32 v1, $0x1;
	v0 =	vor.u32 v0, v3  }
.LBB2_3:
0x3d: {  	v3 =	vld.msk [tilespmem:s17+$0x0 ss:$0x1], $0xffff;
	s16 =	sadd.s32 $0x10, s16;
	vm1 =	veq.s32 v1, $0x80000000;
	v2 =	vand.u32 $0x7FF, v2  }
0x3e: {  	v1 =	vand.u32 $0x1, v1;
	p1 =	slt.u32 s16, $0x30;
	v2 =	vsel vm1, $0xFFFFFFFF, v2  }
.Ltmp3:
0x3f: {  	v1 =	vsel vm1, $0xFFFFFFFF, v1;
	v4 =	vshll.u32 v2, $0x1;
	(pc) =	sbr.rel @p1 .LBB2_3-.Ltmp3, $4  }
0x40: {  	s14 =	sadd.s32 $0x10, s14;
	v5 =	vand.u32 $0xFFFFF000, v1;
	v1 =	vshll.u32 v1, $0x7;
	v4 =	vand.u32 $0xFFFFFF00, v4;
	(ifvalue) =	ssetifvalue $0x7FFFFFFF  }
0x41: {  	v4 =	vadd.s32 v5, v4;
	v5 =	vand.u32 $0x80, v1;
	[tilespmem:s14], [sflag:$0x1] =	stream.indirect_vreg.gather [hbm4b:s2+s10], $0x1, v0, vm0, $0x4038;
	[tilespmem:$0x100] =	vst v63  }
0x42: {  	v0 =	vand.u32 $0x7F, v2;
	v4 =	vor.u32 v5, v4  }
0x43: {  	s17 =	sadd.s32 $0x10, s17;
	v2 =	vshrl.u32 v3, $0x1;
	v1 =	vmov v3;
	v0 =	vor.u32 v0, v4  }
.Ltmp4:
0x44: {  	_ = 	snop;
	(pc) =	sbr.rel .LBB2_4-.Ltmp4, $1  }
0x45: {  	_ =	sdelay $0x3  }
.LBB2_6:
0x46: {  	_ =	sfence.sel $0x180000  }
0x47: {  	s2 =	simm.s32 $0x2;
	[bflag:$0x0] =	sbarrier.arrive $0xFFFF  }
0x48: {  	s30 =	simm.s32 $0x3;
	[sflag:s2] =	ssyncpa.u1 $0x1  }
0x49: {  	s31 =	simm.s32 $0x1;
	[sflag:s30] =	ssyncpa.u1 $0x1  }
0x4a: {  	[sflag:s31] =	ssyncpa.u1 $0x1  }
0x4b: {  	p0 =	sne.s32 s0, $0x0;
	_ =	strace $0x9000005C  }
0x4c: {  	s0 =	sadd.s32 @!p0 $0x100000, s1;
	[bflag:$0x2] =	sbarrier.arrive $0xFFFF  }
0x4d: {  	[sflag:s0] =	ssyncadd.tile.s32 @!p0 $0x1;
	_ =	shalt  }
.Lfunc_end2:
_tile_overlayer_lowered:
.L_overlay_start_2:
0x4e: {  	(tag) =	ssettag $0x2  }
0x4f: {  	s0 =	rddreg [dreg:$0x0];
	s2 =	stileid.u32  }
0x50: {  	s1 =	rddreg [dreg:$0x1];
	p0 =	sne.s32 s2, $0x0  }
0x51: {  	s3 =	rddreg [dreg:$0x2];
	[bflag:$0x3] =	sbarrier.arrive $0xFFFF;
	s2 =	simm.s32 @!p0 $0x1C01  }
0x52: {  	[timem:s3], [sflag:s2] =	dma.local @!p0 [hbm:s0], s1  }
0x53: {  	s0 =	simm.s32 @!p0 $0x1  }
0x54: {  	_ =	swait.ge @!p0 [sflag:s0], s1  }
0x55: {  	s1 =	ssub.s32 @!p0 $0x0, s1;
	[sflag:s0] =	ssyncset.done @!p0 $0x0  }
0x56: {  	[sflag:s0] =	ssyncadd.s32 @!p0 s1  }
0x57: {  	[bflag:$0x3] =	sbarrier.arrive $0xFFFF  }
0x58: {  	_ =	shalt  }

// kernel: gather_offload_async_start.3
scs
__scs_entry_jumppad:
0x0: {  	(pc) =	sbr.rel $0x88, $3  }
0x1: {  	(tag) =	ssettag $0x0;
	lr =	simm.s32 $0x1  }
0x2: {  	[smem:$0x3F9E] =	sst lr;
	_ =	strace $0xD0000000  }
0x3: {  	_ = 	snop  }
0x4: {  	_ = 	snop  }
0x5: {  	_ = 	snop  }
0x6: {  	_ = 	snop  }
0x7: {  	_ = 	snop  }
__scs_overlays_trampoline_lowered:
0x8: {  	[smem:$0x3FAD] =	sst s0  }
0x9: {  	[smem:$0x3FAE] =	sst s1  }
0xa: {  	[smem:$0x3FAF] =	sst s2  }
0xb: {  	[smem:$0x3FB0] =	sst s3  }
0xc: {  	[smem:$0x3FB1] =	sst s4  }
0xd: {  	[smem:$0x3FB2] =	sst s5  }
0xe: {  	[smem:$0x3FB3] =	sst s6  }
0xf: {  	[smem:$0x3FB4] =	sst s7  }
0x10: {  	[smem:$0x3FB5] =	sst s8  }
0x11: {  	[smem:$0x3FB6] =	sst s9;
	s0 =	simm.s32 @!p0 $0x0  }
0x12: {  	s1 =	sld [smem:$0x3F9C];
	s0 =	simm.s32 @p0 $0x1  }
0x13: {  	[smem:$0x3FB7] =	sst s0;
	s0 =	simm.s32 @!p1 $0x0  }
0x14: {  	s2 =	sld [smem:$0x3F9B];
	s0 =	simm.s32 @p1 $0x1  }
0x15: {  	[smem:$0x3FB8] =	sst s0;
	s0 =	simm.s32 @!p2 $0x0  }
0x16: {  	s3 =	sld [smem:$0x3FDB];
	s0 =	simm.s32 @p2 $0x1  }
0x17: {  	s4 =	simm.s32 $0x1BF5;
	[smem:$0x3FBA] =	sst s0  }
0x18: {  	s0 =	sld [smem:$0x3F9D];
	_ =	swait.ge [sflag:s4], $0x0  }
0x19: {  	s7 =	sld [smem:$0x3F9E]  }
0x1a: {  	s8 =	sadd.s32 $0xFFFFE003, lr  }
0x1b: {  	s9 =	sadd.s32 $0xFFFFFEF7, lr;
	s5 =	simm.s32 $0xFFFFFFFF;
	p2 =	slt.u32 s8, $0xFFFFF086  }
0x1c: {  	p1 =	slt.u32 s9, $0xF7A;
	s5 =	simm.s32 @!p2 $0x0  }
0x1d: {  	s5 =	simm.s32 @p1 $0x1;
	p0 =	seq.s32 s7, s2  }
0x1e: {  	s7 =	smul.u32 @!p0 $0xF7A, s2;
	p2 =	seq.s32 @!p0 s5, $0x0  }
0x1f: {  	s9 =	smul.u32 $0xF7A, s1;
	s8 =	simm.s32 @!p0 $0x1BF5;
	p2 =	por !p2, p0  }
0x20: {  	[sflag:s8] =	ssyncset.s32 @!p0 $0xFFFFF086;
	s6 =	sadd.s32 @!p0 s3, s7;
	s7 =	simm.s32 @!p0 $0x108  }
0x21: {  	s3 =	sadd.s32 s3, s9;
	s6 =	sadd.s32 @!p0 $0x88, s6;
	s7 =	simm.s32 @p2 $0x1082  }
0x22: {  	[simem:s7], [sflag:s8] =	dma.local @!p0 [hbm:s6], $0xF7A  }
0x23: {  	s9 =	sor.u32 $0xD0000000, s2;
	s6 =	simm.s32 $0x108;
	_ =	swait.ge @!p0 [sflag:s8], $0x0  }
0x24: {  	s3 =	sadd.s32 $0x88, s3;
	s6 =	simm.s32 @!p1 $0x1082;
	[sflag:s4] =	ssyncset.s32 $0xFFFFF086  }
0x25: {  	[simem:s6], [sflag:s4] =	dma.local [hbm:s3], $0xF7A  }
0x26: {  	[smem:$0x3F9E] =	sst s1;
	(tag) =	ssettag s2;
	_ =	strace s9  }
0x27: {  	s1 =	sld [smem:$0x3FAE]  }
0x28: {  	s2 =	sld [smem:$0x3FAF]  }
0x29: {  	s4 =	sld [smem:$0x3FB1]  }
0x2a: {  	p0 =	seq.s32 s5, $0x0;
	s5 =	sld [smem:$0x3FB2]  }
0x2b: {  	s6 =	sld [smem:$0x3FB3]  }
0x2c: {  	s7 =	sld [smem:$0x3FB4]  }
0x2d: {  	s3 =	simm.s32 $0x108;
	s8 =	sld [smem:$0x3FB5]  }
0x2e: {  	s3 =	simm.s32 @!p0 $0x1082;
	s9 =	sld [smem:$0x3FB6]  }
0x2f: {  	lr =	sadd.s32 s0, s3;
	s0 =	sld [smem:$0x3FAD]  }
0x30: {  	s3 =	sld [smem:$0x3FB0]  }
0x31: {  	[smem:$0x3FB9] =	sst s10  }
0x32: {  	s10 =	sld [smem:$0x3FB7];
	_ =	sdelay $0x3  }
0x33: {  	p0 =	seq.s32 s10, $0x1;
	s10 =	sld [smem:$0x3FB9];
	_ =	sdelay $0x3  }
0x34: {  	[smem:$0x3FB9] =	sst s10  }
0x35: {  	s10 =	sld [smem:$0x3FB8];
	_ =	sdelay $0x3  }
0x36: {  	p1 =	seq.s32 s10, $0x1;
	s10 =	sld [smem:$0x3FB9];
	_ =	sdelay $0x3  }
0x37: {  	[smem:$0x3FB9] =	sst s10  }
0x38: {  	s10 =	sld [smem:$0x3FBA]  }
0x39: {  	_ = 	snop;
	(pc) =	sbr.ind lr, $3  }
0x3a: {  	_ = 	snop  }
0x3b: {  	_ = 	snop  }
0x3c: {  	p2 =	seq.s32 s10, $0x1;
	s10 =	sld [smem:$0x3FB9]  }
0x3d: {  	_ =	shalt  }
0x3e: {  	_ =	shalt  }
0x3f: {  	_ =	shalt  }
0x40: {  	_ =	shalt  }
0x41: {  	_ =	shalt  }
0x42: {  	_ =	shalt  }
0x43: {  	_ =	shalt  }
0x44: {  	_ =	shalt  }
0x45: {  	_ =	shalt  }
0x46: {  	_ =	shalt  }
0x47: {  	_ =	shalt  }
0x48: {  	_ =	shalt  }
0x49: {  	_ =	shalt  }
0x4a: {  	_ =	shalt  }
0x4b: {  	_ =	shalt  }
0x4c: {  	_ =	shalt  }
0x4d: {  	_ =	shalt  }
0x4e: {  	_ =	shalt  }
0x4f: {  	_ =	shalt  }
0x50: {  	_ =	shalt  }
0x51: {  	_ =	shalt  }
0x52: {  	_ =	shalt  }
0x53: {  	_ =	shalt  }
0x54: {  	_ =	shalt  }
0x55: {  	_ =	shalt  }
0x56: {  	_ =	shalt  }
0x57: {  	_ =	shalt  }
0x58: {  	_ =	shalt  }
0x59: {  	_ =	shalt  }
0x5a: {  	_ =	shalt  }
0x5b: {  	_ =	shalt  }
0x5c: {  	_ =	shalt  }
0x5d: {  	_ =	shalt  }
0x5e: {  	_ =	shalt  }
0x5f: {  	_ =	shalt  }
0x60: {  	_ =	shalt  }
0x61: {  	_ =	shalt  }
0x62: {  	_ =	shalt  }
0x63: {  	_ =	shalt  }
0x64: {  	_ =	shalt  }
0x65: {  	_ =	shalt  }
0x66: {  	_ =	shalt  }
0x67: {  	_ =	shalt  }
0x68: {  	_ =	shalt  }
0x69: {  	_ =	shalt  }
0x6a: {  	_ =	shalt  }
0x6b: {  	_ =	shalt  }
0x6c: {  	_ =	shalt  }
0x6d: {  	_ =	shalt  }
0x6e: {  	_ =	shalt  }
0x6f: {  	_ =	shalt  }
0x70: {  	_ =	shalt  }
0x71: {  	_ =	shalt  }
0x72: {  	_ =	shalt  }
0x73: {  	_ =	shalt  }
0x74: {  	_ =	shalt  }
0x75: {  	_ =	shalt  }
0x76: {  	_ =	shalt  }
0x77: {  	_ =	shalt  }
0x78: {  	_ =	shalt  }
0x79: {  	_ =	shalt  }
0x7a: {  	_ =	shalt  }
0x7b: {  	_ =	shalt  }
0x7c: {  	_ =	shalt  }
0x7d: {  	_ =	shalt  }
0x7e: {  	_ =	shalt  }
0x7f: {  	_ =	shalt  }
0x80: {  	_ =	shalt  }
0x81: {  	_ =	shalt  }
0x82: {  	_ =	shalt  }
0x83: {  	_ =	shalt  }
0x84: {  	_ =	shalt  }
0x85: {  	_ =	shalt  }
0x86: {  	_ =	shalt  }
0x87: {  	_ =	shalt  }
.Lfunc_end0:
.L_simem_size_0:
called_computation.3_lowered:
.L_overlay_start_0:
0x88: {  	s2 =	sld [smem:$0x3FD9]  }
0x89: {  	s3 =	sld [smem:$0x3FFE];
	_ =	sdelay $0x1  }
0x8a: {  	s1 =	srdreg.scid  }
0x8b: {  	s0 =	sand.u32 $0x1, s1  }
0x8c: {  	s16 =	sshll.u32 s0, $0xA;
	s2 =	sadd.s32 s3, s2  }
0x8d: {  	s2 =	sadd.s32 s2, s16  }
0x8e: {  	[smem:$0x3FC5] =	sst s2  }
0x8f: {  	_ = 	snop  }
0x90: {  	(tm) =	ssettm $0x1  }
0x91: {  	s17 =	sld [smem:$0x3FFB];
	_ =	sdelay $0x3  }
0x92: {  	_ =	strace s17  }
0x93: {  	s2 =	sld [smem:$0x3FFC];
	_ =	sdelay $0x3  }
0x94: {  	_ =	strace s2  }
0x95: {  	s2 =	sld [smem:$0x3FFD];
	_ =	sdelay $0x3  }
0x96: {  	_ =	strace s2  }
0x97: {  	_ =	strace $0x8FFFFFFF  }
0x98: {  	s18 =	sld [smem:$0x3FDB];
	_ =	sdelay $0x1  }
0x99: {  	s19 =	simm.s32 $_scs_section_size  }
0x9a: {  	s4 =	simm.s32 $_size__tile_overlayer_lowered;
	s5 =	simm.s32 $_tile_overlayer_lowered  }
0x9b: {  	s22 =	simm.s32 $0x1BFF;
	s21 =	sshll.u32 s5, $0x1;
	s2 =	sadd.s32 s19, s18  }
0x9c: {  	s6 =	simm.s32 $0x0;
	s20 =	sshll.u32 s4, $0x1;
	s4 =	sadd.s32 s21, s2  }
0x9d: {  	[timem:s6], [sflag:s22] =	dma.local [hbm:s4], s20  }
0x9e: {  	_ =	swait.ge [sflag:s22], s20  }
0x9f: {  	s3 =	ssub.s32 $0x0, s20;
	[sflag:s22] =	ssyncset.done $0x0  }
0xa0: {  	[sflag:s22] =	ssyncadd.s32 s3;
	_ =	sdelay $0x1  }
0xa1: {  	s23 =	simm.s32 $0x1B8B  }
0xa2: {  	_ =	swait.ge [sflag:s23], $0x1  }
0xa3: {  	[sflag:s23] =	ssyncset.done $0x0  }
0xa4: {  	s25 =	simm.s32 $0x1B8E;
	s24 =	sld [smem:$0x3FFE];
	[sflag:s23] =	ssyncadd.s32 $0xFFFFFFFF  }
0xa5: {  	s26 =	simm.s32 $execute0_lowered;
	[smem:$0x3FD2] =	sst s25  }
0xa6: {  	s4 =	sshll.u32 s26, $0x1;
	_ =	strace $0x80000058;
	[dreg:$0x1] =	wrdreg $0xFFFFFFFF  }
0xa7: {  	s28 =	simm.s32 $_size_execute0_lowered;
	s2 =	sadd.s32 s2, s4;
	[dreg:$0x0] =	wrdreg $0x0  }
0xa8: {  	s4 =	sshll.u32 s28, $0x1;
	[dreg:$0x2] =	wrdreg s2  }
0xa9: {  	[dreg:$0x3] =	wrdreg s4  }
0xaa: {  	[dreg:$0x4] =	wrdreg $0xC0  }
0xab: {  	_ =	task [dreg:s6], $0x5FFFF  }
0xac: {  	[dreg:$0x1] =	wrdreg $0xFFFFFFFF  }
0xad: {  	[dreg:$0x0] =	wrdreg $0x60  }
0xae: {  	[dreg:$0x2] =	wrdreg s24  }
0xaf: {  	[dreg:$0x3] =	wrdreg $0xA  }
0xb0: {  	_ =	task.clear_ibuf [dreg:s6], $0x4FFFF;
	_ =	strace $0x90000058  }
0xb1: {  	s29 =	simm.s32 $0xA;
	_ =	strace $0x8000005A  }
0xb2: {  	_ =	swait.ge [sflag:s29], $0x1  }
0xb3: {  	[sflag:s29] =	ssyncadd.s32 $0xFFFFFFFF  }
0xb4: {  	_ =	strace $0x9000005A  }
0xb5: {  	_ =	sfence  }
0xb6: {  	s30 =	sld [smem:$0x0];
	_ =	sdelay $0x2  }
0xb7: {  	s31 =	sshll.u32 s1, $0xD;
	s1 =	sshrl.u32 s1, $0x2  }
0xb8: {  	s3 =	sand.u32 $0x4000, s31;
	s1 =	sadd.s32 s1, s30  }
0xb9: {  	s0 =	sor.u32 s3, s0;
	s1 =	sshll.u32 s1, $0x11  }
0xba: {  	s0 =	sor.u32 s1, s0  }
0xbb: {  	s0 =	sadd.s32 $0x8F2B, s0  }
0xbc: {  	[sflag:s0] =	ssyncadd.remote.s32 $0x1  }
0xbd: {  	_ =	sfence.sel $0xFFFF  }
0xbe: {  	[dreg:$0x0] =	wrdreg $0xFFFFFFFF;
	(pc) =	sbr.abs _section_cstart, $3  }
0xbf: {  	[dreg:$0x1] =	wrdreg $0xFFFFFFFF  }
0xc0: {  	_ =	task.clear_ibuf [dreg:s6], $0x2FFFF;
	_ =	strace $0x9FFFFFFF  }
0xc1: {  	(tm) =	ssettm $0x7FFFFFFF  }
tec
execute0_lowered:
.L_overlay_start_1:
0x0: {  	(tag) =	ssettag $0x1  }
0x1: {  	s0 =	srdreg.scid;
	s5 =	rddreg [dreg:$0x0]  }
0x2: {  	s1 =	stileid.u32;
	s6 =	simm.s32 $0x1;
	s9 =	simm.s32 $0x1  }
0x3: {  	s10 =	simm.s32 $0x3;
	s13 =	simm.s32 $0x0;
	s2 =	sshll.u32 s0, $0x6  }
0x4: {  	s12 =	simm.s32 $0x0;
	s3 =	sshll.u32 s1, $0x7;
	s2 =	sand.u32 $0x40, s2  }
0x5: {  	s0 =	rddreg [dreg:$0x1];
	_ =	strace $0x80000059;
	s2 =	sor.u32 s3, s2  }
0x6: {  	s4 =	sadd.s32 $0xA00, s5;
	[sflag:s6] =	ssyncpa.u1 $0x0;
	s8 =	ssub.s32 $0x1000, s2  }
.Ltmp0:
0x7: {  	s3 =	sadd.s32 $0x200, s5;
	s7 =	sand.u32 $0x7C0, s8;
	(pc) =	sbr.rel .LBB2_1-.Ltmp0, $4  }
0x8: {  	s5 =	sadd.s32 $0x400, s5;
	s11 =	smov.u32 s2;
	p0 =	sne.s32 s7, $0x0  }
0x9: {  	s8 =	sshrl.u32 s8, $0xB;
	s7 =	simm.s32 $0x2;
	s9 =	simm.s32 @!p0 $0x0  }
0xa: {  	[sflag:s7] =	ssyncpa.u1 $0x0;
	p0 =	por $0x0, $0x0;
	s8 =	sadd.s32 s9, s8  }
0xb: {  	vm0 =	vmmov $0xffff;
	[sflag:s10] =	ssyncpa.u1 $0x0;
	s10 =	simm.s32 $0x0;
	s9 =	sadd.s32 $0x1, s8  }
.LBB2_4:
0xc: {  	vm1 =	veq.s32 v1, $0x80000000;
	v2 =	vand.u32 $0x7FF, v2  }
0xd: {  	v63 =	vand.u32 $0x1, v1;
	v2 =	vsel vm1, $0xFFFFFFFF, v2  }
0xe: {  	v1 =	vsel vm1, $0xFFFFFFFF, v63;
	v3 =	vshll.u32 v2, $0x1  }
0xf: {  	v4 =	vand.u32 $0xFFFFF000, v1;
	v1 =	vshll.u32 v1, $0x7;
	v3 =	vand.u32 $0xFFFFFF00, v3  }
0x10: {  	v1 =	vand.u32 $0x80, v1;
	v3 =	vadd.s32 v4, v3  }
0x11: {  	v2 =	vand.u32 $0x7F, v2;
	v1 =	vor.u32 v1, v3  }
0x12: {  	v1 =	vor.u32 v2, v1;
	_ =	sdelay $0x1  }
0x13: {  	(ifvalue) =	ssetifvalue $0x7FFFFFFF;
	s14 =	sadd.s32 $0x10, s14  }
0x14: {  	[tilespmem:s14], [sflag:$0x1] =	stream.indirect_vreg.gather [hbm4b:s3+s10], $0x1, v0, vm0, $0x4038;
	[tilespmem:$0x100] =	vst v63  }
0x15: {  	(ifvalue) =	ssetifvalue $0x7FFFFFFF;
	s14 =	sadd.s32 $0x10, s14  }
0x16: {  	[tilespmem:s14], [sflag:$0x1] =	stream.indirect_vreg.gather [hbm4b:s3+s10], $0x1, v1, vm0, $0x4038;
	[tilespmem:$0x100] =	vst v63  }
0x17: {  	_ =	swait.ge [sflag:s6], $0x40  }
0x18: {  	s30 =	sshrl.u32 s13, $0x3;
	[sflag:s6] =	ssyncset.done $0x0  }
0x19: {  	s31 =	sand.u32 $0x7, s13;
	s14 =	sadd.s32 s5, s30;
	[sflag:s6] =	ssyncadd.s32 $0xFFFFFFC0  }
0x1a: {  	[hbm4b:s14+s31] =	stream.linear.scatter [tilespmem:s15], [sflag:$0x3], $0x40, $0x38;
	[tilespmem:$0x100] =	vst v63  }
.LBB2_5:
0x1b: {  	s15 =	sadd.s32 $0x800, s11  }
0x1c: {  	p2 =	sgt.s32 s15, $0xFFF  }
0x1d: {  	s15 =	smov.u32 @p2 s2;
	p2 =	sne.s32 s12, s9  }
.Ltmp1:
0x1e: {  	p1 =	slt.u32 s12, $0x2;
	(pc) =	sbr.rel @!p2 .LBB2_6-.Ltmp1, $4  }
0x1f: {  	s14 =	simm.s32 @!p1 $0x3  }
0x20: {  	s16 =	sadd.s32 $0x1, s12;
	_ =	swait.ge @!p1 [sflag:s14], $0x40  }
0x21: {  	s13 =	smov.u32 s11;
	p0 =	por !p0, !p0;
	[sflag:s14] =	ssyncset.done @!p1 $0x0  }
0x22: {  	s12 =	smov.u32 s16;
	s11 =	smov.u32 s15;
	[sflag:s14] =	ssyncadd.s32 @!p1 $0xFFFFFFC0  }
.LBB2_1:
0x23: {  	p1 =	sge.u32 s12, s8  }
0x24: {  	s14 =	sxor.u32 @!p1 $0xFFFFFFFF, s12  }
0x25: {  	s31 =	sadd.s32 $0xFFFFFFFF, s12;
	s15 =	sshrl.u32 @!p1 s11, $0x3;
	s14 =	sshll.u32 @!p1 s14, $0x6  }
0x26: {  	s16 =	sand.u32 @!p1 $0x7, s11;
	s15 =	sadd.s32 @!p1 s4, s15;
	s14 =	sand.u32 @!p1 $0x40, s14  }
0x27: {  	[tilespmem:s14], [sflag:$0x2] =	stream.linear.gather @!p1 [hbm4b:s15+s16], $0x40, $0x38;
	[tilespmem:$0x100] =	vst v63  }
0x28: {  	p1 =	sge.u32 s31, s8  }
.Ltmp2:
0x29: {  	_ = 	snop;
	(pc) =	sbr.rel @p1 .LBB2_5-.Ltmp2, $1  }
0x2a: {  	_ =	sdelay $0x3  }
0x2b: {  	s14 =	simm.s32 $0x1  }
0x2c: {  	_ =	swait.ge [sflag:s7], $0x40;
	s14 =	simm.s32 @!p0 $0x0  }
0x2d: {  	[sflag:s7] =	ssyncset.done $0x0;
	s14 =	sshll.u32 s14, $0x6  }
0x2e: {  	[sflag:s7] =	ssyncadd.s32 $0xFFFFFFC0;
	(ifvalue) =	ssetifvalue $0x7FFFFFFF;
	v0 =	vld.msk [tilespmem:s14+$0x0 ss:$0x1], $0xffff;
	_ =	sdelay $0x4  }
0x2f: {  	s15 =	sadd.s32 $0x10, s14;
	v1 =	vshrl.u32 v0, $0x1  }
0x30: {  	v2 =	vld.msk [tilespmem:s15+$0x0 ss:$0x1], $0xffff;
	vm1 =	veq.s32 v0, $0x80000000;
	v1 =	vand.u32 $0x7FF, v1  }
0x31: {  	v0 =	vand.u32 $0x1, v0;
	v1 =	vsel vm1, $0xFFFFFFFF, v1  }
0x32: {  	v0 =	vsel vm1, $0xFFFFFFFF, v0;
	v3 =	vshll.u32 v1, $0x1  }
0x33: {  	v4 =	vand.u32 $0xFFFFF000, v0;
	v0 =	vshll.u32 v0, $0x7;
	v3 =	vand.u32 $0xFFFFFF00, v3  }
0x34: {  	v0 =	vand.u32 $0x80, v0;
	v3 =	vadd.s32 v4, v3  }
0x35: {  	v1 =	vand.u32 $0x7F, v1;
	v0 =	vor.u32 v0, v3;
	v3 =	vshrl.u32 v2, $0x1  }
0x36: {  	s17 =	sadd.s32 $0x10, s15;
	vm1 =	veq.s32 v2, $0x80000000;
	v0 =	vor.u32 v1, v0;
	v3 =	vand.u32 $0x7FF, v3  }
0x37: {  	v2 =	vand.u32 $0x1, v2;
	v1 =	vld.msk [tilespmem:s17+$0x0 ss:$0x1], $0xffff;
	v3 =	vsel vm1, $0xFFFFFFFF, v3  }
0x38: {  	v2 =	vsel vm1, $0xFFFFFFFF, v2;
	v63 =	vshll.u32 v3, $0x1  }
0x39: {  	s31 =	sshll.u32 s12, $0x6;
	v5 =	vand.u32 $0xFFFFF000, v2;
	v2 =	vshll.u32 v2, $0x7;
	v4 =	vand.u32 $0xFFFFFF00, v63  }
0x3a: {  	s14 =	sor.u32 $0x80, s14;
	s15 =	sand.u32 $0x40, s31;
	(ifvalue) =	ssetifvalue $0x7FFFFFFF;
	v2 =	vand.u32 $0x80, v2;
	v4 =	vadd.s32 v5, v4  }
0x3b: {  	[tilespmem:s14], [sflag:$0x1] =	stream.indirect_vreg.gather [hbm4b:s3+s10], $0x1, v0, vm0, $0x4038;
	v0 =	vand.u32 $0x7F, v3;
	v3 =	vor.u32 v2, v4;
	[tilespmem:$0x100] =	vst v63  }
0x3c: {  	s16 =	simm.s32 $0x20;
	s15 =	sor.u32 $0x80, s15;
	s17 =	sadd.s32 $0x10, s17;
	v2 =	vshrl.u32 v1, $0x1;
	v0 =	vor.u32 v0, v3  }
.LBB2_3:
0x3d: {  	v3 =	vld.msk [tilespmem:s17+$0x0 ss:$0x1], $0xffff;
	s16 =	sadd.s32 $0x10, s16;
	vm1 =	veq.s32 v1, $0x80000000;
	v2 =	vand.u32 $0x7FF, v2  }
0x3e: {  	v1 =	vand.u32 $0x1, v1;
	p1 =	slt.u32 s16, $0x30;
	v2 =	vsel vm1, $0xFFFFFFFF, v2  }
.Ltmp3:
0x3f: {  	v1 =	vsel vm1, $0xFFFFFFFF, v1;
	v4 =	vshll.u32 v2, $0x1;
	(pc) =	sbr.rel @p1 .LBB2_3-.Ltmp3, $4  }
0x40: {  	s14 =	sadd.s32 $0x10, s14;
	v5 =	vand.u32 $0xFFFFF000, v1;
	v1 =	vshll.u32 v1, $0x7;
	v4 =	vand.u32 $0xFFFFFF00, v4;
	(ifvalue) =	ssetifvalue $0x7FFFFFFF  }
0x41: {  	v4 =	vadd.s32 v5, v4;
	v5 =	vand.u32 $0x80, v1;
	[tilespmem:s14], [sflag:$0x1] =	stream.indirect_vreg.gather [hbm4b:s3+s10], $0x1, v0, vm0, $0x4038;
	[tilespmem:$0x100] =	vst v63  }
0x42: {  	v0 =	vand.u32 $0x7F, v2;
	v4 =	vor.u32 v5, v4  }
0x43: {  	s17 =	sadd.s32 $0x10, s17;
	v2 =	vshrl.u32 v3, $0x1;
	v1 =	vmov v3;
	v0 =	vor.u32 v0, v4  }
.Ltmp4:
0x44: {  	_ = 	snop;
	(pc) =	sbr.rel .LBB2_4-.Ltmp4, $1  }
0x45: {  	_ =	sdelay $0x3  }
.LBB2_6:
0x46: {  	_ =	sfence.sel $0x180000  }
0x47: {  	s2 =	simm.s32 $0x2;
	[bflag:$0x0] =	sbarrier.arrive $0xFFFF  }
0x48: {  	s30 =	simm.s32 $0x3;
	[sflag:s2] =	ssyncpa.u1 $0x1  }
0x49: {  	s31 =	simm.s32 $0x1;
	[sflag:s30] =	ssyncpa.u1 $0x1  }
0x4a: {  	[sflag:s31] =	ssyncpa.u1 $0x1  }
0x4b: {  	p0 =	sne.s32 s1, $0x0;
	_ =	strace $0x90000059  }
0x4c: {  	s0 =	sadd.s32 @!p0 $0x100000, s0;
	[bflag:$0x2] =	sbarrier.arrive $0xFFFF  }
0x4d: {  	[sflag:s0] =	ssyncadd.tile.s32 @!p0 $0x1;
	_ =	shalt  }
.Lfunc_end2:
_tile_overlayer_lowered:
.L_overlay_start_2:
0x4e: {  	(tag) =	ssettag $0x2  }
0x4f: {  	s0 =	rddreg [dreg:$0x0];
	s2 =	stileid.u32  }
0x50: {  	s1 =	rddreg [dreg:$0x1];
	p0 =	sne.s32 s2, $0x0  }
0x51: {  	s3 =	rddreg [dreg:$0x2];
	[bflag:$0x3] =	sbarrier.arrive $0xFFFF;
	s2 =	simm.s32 @!p0 $0x1C01  }
0x52: {  	[timem:s3], [sflag:s2] =	dma.local @!p0 [hbm:s0], s1  }
0x53: {  	s0 =	simm.s32 @!p0 $0x1  }
0x54: {  	_ =	swait.ge @!p0 [sflag:s0], s1  }
0x55: {  	s1 =	ssub.s32 @!p0 $0x0, s1;
	[sflag:s0] =	ssyncset.done @!p0 $0x0  }
0x56: {  	[sflag:s0] =	ssyncadd.s32 @!p0 s1  }
0x57: {  	[bflag:$0x3] =	sbarrier.arrive $0xFFFF  }
0x58: {  	_ =	shalt  }

// kernel: gather_offload_async_start.4
scs
__scs_entry_jumppad:
0x0: {  	(pc) =	sbr.rel $0x88, $3  }
0x1: {  	(tag) =	ssettag $0x0;
	lr =	simm.s32 $0x1  }
0x2: {  	[smem:$0x3F9E] =	sst lr;
	_ =	strace $0xD0000000  }
0x3: {  	_ = 	snop  }
0x4: {  	_ = 	snop  }
0x5: {  	_ = 	snop  }
0x6: {  	_ = 	snop  }
0x7: {  	_ = 	snop  }
__scs_overlays_trampoline_lowered:
0x8: {  	[smem:$0x3FAD] =	sst s0  }
0x9: {  	[smem:$0x3FAE] =	sst s1  }
0xa: {  	[smem:$0x3FAF] =	sst s2  }
0xb: {  	[smem:$0x3FB0] =	sst s3  }
0xc: {  	[smem:$0x3FB1] =	sst s4  }
0xd: {  	[smem:$0x3FB2] =	sst s5  }
0xe: {  	[smem:$0x3FB3] =	sst s6  }
0xf: {  	[smem:$0x3FB4] =	sst s7  }
0x10: {  	[smem:$0x3FB5] =	sst s8  }
0x11: {  	[smem:$0x3FB6] =	sst s9;
	s0 =	simm.s32 @!p0 $0x0  }
0x12: {  	s1 =	sld [smem:$0x3F9C];
	s0 =	simm.s32 @p0 $0x1  }
0x13: {  	[smem:$0x3FB7] =	sst s0;
	s0 =	simm.s32 @!p1 $0x0  }
0x14: {  	s2 =	sld [smem:$0x3F9B];
	s0 =	simm.s32 @p1 $0x1  }
0x15: {  	[smem:$0x3FB8] =	sst s0;
	s0 =	simm.s32 @!p2 $0x0  }
0x16: {  	s3 =	sld [smem:$0x3FDB];
	s0 =	simm.s32 @p2 $0x1  }
0x17: {  	s4 =	simm.s32 $0x1BF5;
	[smem:$0x3FBA] =	sst s0  }
0x18: {  	s0 =	sld [smem:$0x3F9D];
	_ =	swait.ge [sflag:s4], $0x0  }
0x19: {  	s7 =	sld [smem:$0x3F9E]  }
0x1a: {  	s8 =	sadd.s32 $0xFFFFE003, lr  }
0x1b: {  	s9 =	sadd.s32 $0xFFFFFEF7, lr;
	s5 =	simm.s32 $0xFFFFFFFF;
	p2 =	slt.u32 s8, $0xFFFFF086  }
0x1c: {  	p1 =	slt.u32 s9, $0xF7A;
	s5 =	simm.s32 @!p2 $0x0  }
0x1d: {  	s5 =	simm.s32 @p1 $0x1;
	p0 =	seq.s32 s7, s2  }
0x1e: {  	s7 =	smul.u32 @!p0 $0xF7A, s2;
	p2 =	seq.s32 @!p0 s5, $0x0  }
0x1f: {  	s9 =	smul.u32 $0xF7A, s1;
	s8 =	simm.s32 @!p0 $0x1BF5;
	p2 =	por !p2, p0  }
0x20: {  	[sflag:s8] =	ssyncset.s32 @!p0 $0xFFFFF086;
	s6 =	sadd.s32 @!p0 s3, s7;
	s7 =	simm.s32 @!p0 $0x108  }
0x21: {  	s3 =	sadd.s32 s3, s9;
	s6 =	sadd.s32 @!p0 $0x88, s6;
	s7 =	simm.s32 @p2 $0x1082  }
0x22: {  	[simem:s7], [sflag:s8] =	dma.local @!p0 [hbm:s6], $0xF7A  }
0x23: {  	s9 =	sor.u32 $0xD0000000, s2;
	s6 =	simm.s32 $0x108;
	_ =	swait.ge @!p0 [sflag:s8], $0x0  }
0x24: {  	s3 =	sadd.s32 $0x88, s3;
	s6 =	simm.s32 @!p1 $0x1082;
	[sflag:s4] =	ssyncset.s32 $0xFFFFF086  }
0x25: {  	[simem:s6], [sflag:s4] =	dma.local [hbm:s3], $0xF7A  }
0x26: {  	[smem:$0x3F9E] =	sst s1;
	(tag) =	ssettag s2;
	_ =	strace s9  }
0x27: {  	s1 =	sld [smem:$0x3FAE]  }
0x28: {  	s2 =	sld [smem:$0x3FAF]  }
0x29: {  	s4 =	sld [smem:$0x3FB1]  }
0x2a: {  	p0 =	seq.s32 s5, $0x0;
	s5 =	sld [smem:$0x3FB2]  }
0x2b: {  	s6 =	sld [smem:$0x3FB3]  }
0x2c: {  	s7 =	sld [smem:$0x3FB4]  }
0x2d: {  	s3 =	simm.s32 $0x108;
	s8 =	sld [smem:$0x3FB5]  }
0x2e: {  	s3 =	simm.s32 @!p0 $0x1082;
	s9 =	sld [smem:$0x3FB6]  }
0x2f: {  	lr =	sadd.s32 s0, s3;
	s0 =	sld [smem:$0x3FAD]  }
0x30: {  	s3 =	sld [smem:$0x3FB0]  }
0x31: {  	[smem:$0x3FB9] =	sst s10  }
0x32: {  	s10 =	sld [smem:$0x3FB7];
	_ =	sdelay $0x3  }
0x33: {  	p0 =	seq.s32 s10, $0x1;
	s10 =	sld [smem:$0x3FB9];
	_ =	sdelay $0x3  }
0x34: {  	[smem:$0x3FB9] =	sst s10  }
0x35: {  	s10 =	sld [smem:$0x3FB8];
	_ =	sdelay $0x3  }
0x36: {  	p1 =	seq.s32 s10, $0x1;
	s10 =	sld [smem:$0x3FB9];
	_ =	sdelay $0x3  }
0x37: {  	[smem:$0x3FB9] =	sst s10  }
0x38: {  	s10 =	sld [smem:$0x3FBA]  }
0x39: {  	_ = 	snop;
	(pc) =	sbr.ind lr, $3  }
0x3a: {  	_ = 	snop  }
0x3b: {  	_ = 	snop  }
0x3c: {  	p2 =	seq.s32 s10, $0x1;
	s10 =	sld [smem:$0x3FB9]  }
0x3d: {  	_ =	shalt  }
0x3e: {  	_ =	shalt  }
0x3f: {  	_ =	shalt  }
0x40: {  	_ =	shalt  }
0x41: {  	_ =	shalt  }
0x42: {  	_ =	shalt  }
0x43: {  	_ =	shalt  }
0x44: {  	_ =	shalt  }
0x45: {  	_ =	shalt  }
0x46: {  	_ =	shalt  }
0x47: {  	_ =	shalt  }
0x48: {  	_ =	shalt  }
0x49: {  	_ =	shalt  }
0x4a: {  	_ =	shalt  }
0x4b: {  	_ =	shalt  }
0x4c: {  	_ =	shalt  }
0x4d: {  	_ =	shalt  }
0x4e: {  	_ =	shalt  }
0x4f: {  	_ =	shalt  }
0x50: {  	_ =	shalt  }
0x51: {  	_ =	shalt  }
0x52: {  	_ =	shalt  }
0x53: {  	_ =	shalt  }
0x54: {  	_ =	shalt  }
0x55: {  	_ =	shalt  }
0x56: {  	_ =	shalt  }
0x57: {  	_ =	shalt  }
0x58: {  	_ =	shalt  }
0x59: {  	_ =	shalt  }
0x5a: {  	_ =	shalt  }
0x5b: {  	_ =	shalt  }
0x5c: {  	_ =	shalt  }
0x5d: {  	_ =	shalt  }
0x5e: {  	_ =	shalt  }
0x5f: {  	_ =	shalt  }
0x60: {  	_ =	shalt  }
0x61: {  	_ =	shalt  }
0x62: {  	_ =	shalt  }
0x63: {  	_ =	shalt  }
0x64: {  	_ =	shalt  }
0x65: {  	_ =	shalt  }
0x66: {  	_ =	shalt  }
0x67: {  	_ =	shalt  }
0x68: {  	_ =	shalt  }
0x69: {  	_ =	shalt  }
0x6a: {  	_ =	shalt  }
0x6b: {  	_ =	shalt  }
0x6c: {  	_ =	shalt  }
0x6d: {  	_ =	shalt  }
0x6e: {  	_ =	shalt  }
0x6f: {  	_ =	shalt  }
0x70: {  	_ =	shalt  }
0x71: {  	_ =	shalt  }
0x72: {  	_ =	shalt  }
0x73: {  	_ =	shalt  }
0x74: {  	_ =	shalt  }
0x75: {  	_ =	shalt  }
0x76: {  	_ =	shalt  }
0x77: {  	_ =	shalt  }
0x78: {  	_ =	shalt  }
0x79: {  	_ =	shalt  }
0x7a: {  	_ =	shalt  }
0x7b: {  	_ =	shalt  }
0x7c: {  	_ =	shalt  }
0x7d: {  	_ =	shalt  }
0x7e: {  	_ =	shalt  }
0x7f: {  	_ =	shalt  }
0x80: {  	_ =	shalt  }
0x81: {  	_ =	shalt  }
0x82: {  	_ =	shalt  }
0x83: {  	_ =	shalt  }
0x84: {  	_ =	shalt  }
0x85: {  	_ =	shalt  }
0x86: {  	_ =	shalt  }
0x87: {  	_ =	shalt  }
.Lfunc_end0:
.L_simem_size_0:
called_computation.4_lowered:
.L_overlay_start_0:
0x88: {  	s2 =	sld [smem:$0x3FD9]  }
0x89: {  	s3 =	sld [smem:$0x3FFE];
	_ =	sdelay $0x1  }
0x8a: {  	s1 =	srdreg.scid  }
0x8b: {  	s0 =	sand.u32 $0x1, s1  }
0x8c: {  	s17 =	sshll.u32 s0, $0xA;
	s2 =	sadd.s32 s3, s2  }
0x8d: {  	s2 =	sadd.s32 s2, s17  }
0x8e: {  	[smem:$0x3FC5] =	sst s2  }
0x8f: {  	_ = 	snop  }
0x90: {  	s18 =	sld [smem:$0x3FD0];
	(tm) =	ssettm $0x1  }
0x91: {  	s19 =	sld [smem:$0x3FFB];
	_ =	sdelay $0x3  }
0x92: {  	_ =	strace s19  }
0x93: {  	s2 =	sld [smem:$0x3FFC];
	_ =	sdelay $0x3  }
0x94: {  	_ =	strace s2  }
0x95: {  	s2 =	sld [smem:$0x3FFD];
	_ =	sdelay $0x3  }
0x96: {  	_ =	strace s2  }
0x97: {  	_ =	strace $0x8FFFFFFF  }
0x98: {  	s20 =	sld [smem:$0x3FDB];
	_ =	sdelay $0x1  }
0x99: {  	s4 =	simm.s32 $_scs_section_size  }
0x9a: {  	s5 =	simm.s32 $_size__tile_overlayer_lowered;
	s6 =	simm.s32 $_tile_overlayer_lowered  }
0x9b: {  	s7 =	simm.s32 $0x1BFF;
	s21 =	sshll.u32 s6, $0x1;
	s4 =	sadd.s32 s4, s20  }
0x9c: {  	s22 =	simm.s32 $0x0;
	s5 =	sshll.u32 s5, $0x1;
	s6 =	sadd.s32 s21, s4  }
0x9d: {  	[timem:s22], [sflag:s7] =	dma.local [hbm:s6], s5  }
0x9e: {  	_ =	swait.ge [sflag:s7], s5  }
0x9f: {  	s5 =	ssub.s32 $0x0, s5;
	[sflag:s7] =	ssyncset.done $0x0  }
0xa0: {  	[sflag:s7] =	ssyncadd.s32 s5;
	_ =	sdelay $0x1  }
0xa1: {  	s23 =	simm.s32 $0x1B8B  }
0xa2: {  	_ =	swait.ge [sflag:s23], $0x1  }
0xa3: {  	[sflag:s23] =	ssyncset.done $0x0  }
0xa4: {  	[sflag:s23] =	ssyncadd.s32 $0xFFFFFFFF  }
0xa5: {  	s5 =	sld [smem:$0x0]  }
0xa6: {  	s6 =	sand.u32 $0xFFFFFFFE, s1  }
0xa7: {  	p0 =	sne.s32 s1, s6  }
0xa8: {  	s6 =	sshll.u32 @p0 s6, $0xE  }
0xa9: {  	s6 =	sadd.s32 @p0 $0x11B8D, s6;
	s7 =	sshll.u32 @p0 s5, $0x11  }
0xaa: {  	s6 =	sor.u32 @p0 s7, s6  }
0xab: {  	[sflag:s6] =	ssyncadd.remote.s32 @p0 $0x1;
	_ =	sdelay $0x1  }
0xac: {  	s6 =	simm.s32 @p0 $0x1B8D  }
0xad: {  	_ =	swait.eq @p0 [sflag:s6], $0x1  }
0xae: {  	[sflag:s6] =	ssyncadd.s32 @p0 $0xFFFFFFFF  }
0xaf: {  	s7 =	sshll.u32 @!p0 s1, $0xE  }
0xb0: {  	s7 =	sor.u32 @!p0 $0x4000, s7;
	s6 =	simm.s32 @!p0 $0x1B8D  }
0xb1: {  	s5 =	sshll.u32 @!p0 s5, $0x11;
	s7 =	sadd.s32 @!p0 $0x11B8D, s7;
	_ =	swait.eq @!p0 [sflag:s6], $0x1  }
0xb2: {  	s5 =	sor.u32 @!p0 s5, s7;
	[sflag:s6] =	ssyncadd.s32 @!p0 $0xFFFFFFFF  }
0xb3: {  	s25 =	simm.s32 $0x1B8E;
	s24 =	sld [smem:$0x3FFE];
	[sflag:s5] =	ssyncadd.remote.s32 @!p0 $0x1  }
0xb4: {  	s26 =	simm.s32 $execute0_lowered;
	[smem:$0x3FD2] =	sst s25  }
0xb5: {  	s6 =	sshll.u32 s26, $0x1;
	_ =	strace $0x80000055;
	[dreg:$0x1] =	wrdreg $0xFFFFFFFF  }
0xb6: {  	s28 =	simm.s32 $_size_execute0_lowered;
	s4 =	sadd.s32 s4, s6;
	[dreg:$0x0] =	wrdreg $0x0  }
0xb7: {  	s6 =	sshll.u32 s28, $0x1;
	[dreg:$0x2] =	wrdreg s4  }
0xb8: {  	[dreg:$0x3] =	wrdreg s6  }
0xb9: {  	[dreg:$0x4] =	wrdreg $0xC0  }
0xba: {  	_ =	task [dreg:s22], $0x5FFFF  }
0xbb: {  	[dreg:$0x1] =	wrdreg $0xFFFFFFFF  }
0xbc: {  	[dreg:$0x0] =	wrdreg $0x60  }
0xbd: {  	[dreg:$0x2] =	wrdreg s24  }
0xbe: {  	[dreg:$0x3] =	wrdreg s18  }
0xbf: {  	[dreg:$0x4] =	wrdreg $0x9  }
0xc0: {  	_ =	task.clear_ibuf [dreg:s22], $0x5FFFF;
	_ =	strace $0x90000055  }
0xc1: {  	s29 =	simm.s32 $0x9;
	_ =	strace $0x80000057  }
0xc2: {  	_ =	swait.ge [sflag:s29], $0x1  }
0xc3: {  	[sflag:s29] =	ssyncadd.s32 $0xFFFFFFFF  }
0xc4: {  	_ =	strace $0x90000057  }
0xc5: {  	_ =	sfence  }
0xc6: {  	s30 =	sld [smem:$0x0];
	_ =	sdelay $0x2  }
0xc7: {  	s31 =	sshll.u32 s1, $0xD;
	s1 =	sshrl.u32 s1, $0x2  }
0xc8: {  	s4 =	sand.u32 $0x4000, s31;
	s1 =	sadd.s32 s1, s30  }
0xc9: {  	s0 =	sor.u32 s4, s0;
	s1 =	sshll.u32 s1, $0x11  }
0xca: {  	s0 =	sor.u32 s1, s0  }
0xcb: {  	s0 =	sadd.s32 $0x8F2B, s0  }
0xcc: {  	[sflag:s0] =	ssyncadd.remote.s32 $0x1  }
0xcd: {  	_ =	sfence.sel $0xFFFF  }
0xce: {  	[dreg:$0x0] =	wrdreg $0xFFFFFFFF;
	(pc) =	sbr.abs _section_cstart, $3  }
0xcf: {  	[dreg:$0x1] =	wrdreg $0xFFFFFFFF  }
0xd0: {  	_ =	task.clear_ibuf [dreg:s22], $0x2FFFF;
	_ =	strace $0x9FFFFFFF  }
0xd1: {  	(tm) =	ssettm $0x7FFFFFFF  }
tec
execute0_lowered:
.L_overlay_start_1:
0x0: {  	(tag) =	ssettag $0x1  }
0x1: {  	s1 =	srdreg.scid;
	s5 =	rddreg [dreg:$0x0]  }
0x2: {  	s0 =	stileid.u32;
	s2 =	rddreg [dreg:$0x1];
	s6 =	simm.s32 $0x1  }
0x3: {  	s9 =	simm.s32 $0x1;
	s10 =	simm.s32 $0x3;
	s1 =	sshll.u32 s1, $0x6  }
0x4: {  	s13 =	simm.s32 $0x0;
	s3 =	sshll.u32 s0, $0x7;
	s4 =	sand.u32 $0x40, s1  }
0x5: {  	s12 =	simm.s32 $0x0;
	s1 =	rddreg [dreg:$0x2];
	s3 =	sor.u32 s3, s4  }
0x6: {  	_ =	strace $0x80000056;
	s4 =	sadd.s32 $0x400, s5;
	s8 =	ssub.s32 $0x1000, s3  }
.Ltmp0:
0x7: {  	s5 =	sadd.s32 $0xA00, s5;
	s7 =	sand.u32 $0x7C0, s8;
	(pc) =	sbr.rel .LBB2_1-.Ltmp0, $4  }
0x8: {  	[sflag:s6] =	ssyncpa.u1 $0x0;
	s11 =	smov.u32 s3;
	p0 =	sne.s32 s7, $0x0  }
0x9: {  	s8 =	sshrl.u32 s8, $0xB;
	s7 =	simm.s32 $0x2;
	s9 =	simm.s32 @!p0 $0x0  }
0xa: {  	[sflag:s7] =	ssyncpa.u1 $0x0;
	p0 =	por $0x0, $0x0;
	s8 =	sadd.s32 s9, s8  }
0xb: {  	vm0 =	vmmov $0xffff;
	[sflag:s10] =	ssyncpa.u1 $0x0;
	s10 =	simm.s32 $0x0;
	s9 =	sadd.s32 $0x1, s8  }
.LBB2_4:
0xc: {  	vm1 =	veq.s32 v1, $0x80000000;
	v2 =	vand.u32 $0x7FF, v2  }
0xd: {  	v63 =	vand.u32 $0x1, v1;
	v2 =	vsel vm1, $0xFFFFFFFF, v2  }
0xe: {  	v1 =	vsel vm1, $0xFFFFFFFF, v63;
	v3 =	vshll.u32 v2, $0x1  }
0xf: {  	v4 =	vand.u32 $0xFFFFF000, v1;
	v1 =	vshll.u32 v1, $0x7;
	v3 =	vand.u32 $0xFFFFFF00, v3  }
0x10: {  	v1 =	vand.u32 $0x80, v1;
	v3 =	vadd.s32 v4, v3  }
0x11: {  	v2 =	vand.u32 $0x7F, v2;
	v1 =	vor.u32 v1, v3  }
0x12: {  	v1 =	vor.u32 v2, v1;
	_ =	sdelay $0x1  }
0x13: {  	(ifvalue) =	ssetifvalue $0x7FFFFFFF;
	s14 =	sadd.s32 $0x10, s14  }
0x14: {  	[tilespmem:s14], [sflag:$0x1] =	stream.indirect_vreg.gather [hbm4b:s4+s10], $0x1, v0, vm0, $0x4038;
	[tilespmem:$0x100] =	vst v63  }
0x15: {  	(ifvalue) =	ssetifvalue $0x7FFFFFFF;
	s14 =	sadd.s32 $0x10, s14  }
0x16: {  	[tilespmem:s14], [sflag:$0x1] =	stream.indirect_vreg.gather [hbm4b:s4+s10], $0x1, v1, vm0, $0x4038;
	[tilespmem:$0x100] =	vst v63  }
0x17: {  	_ =	swait.ge [sflag:s6], $0x40  }
0x18: {  	s30 =	sshrl.u32 s13, $0x3;
	[sflag:s6] =	ssyncset.done $0x0  }
0x19: {  	s31 =	sand.u32 $0x7, s13;
	s14 =	sadd.s32 s2, s30;
	[sflag:s6] =	ssyncadd.s32 $0xFFFFFFC0  }
0x1a: {  	[hbm4b:s14+s31] =	stream.linear.scatter [tilespmem:s15], [sflag:$0x3], $0x40, $0x38;
	[tilespmem:$0x100] =	vst v63  }
.LBB2_5:
0x1b: {  	s15 =	sadd.s32 $0x800, s11  }
0x1c: {  	p2 =	sgt.s32 s15, $0xFFF  }
0x1d: {  	s15 =	smov.u32 @p2 s3;
	p2 =	sne.s32 s12, s9  }
.Ltmp1:
0x1e: {  	p1 =	slt.u32 s12, $0x2;
	(pc) =	sbr.rel @!p2 .LBB2_6-.Ltmp1, $4  }
0x1f: {  	s14 =	simm.s32 @!p1 $0x3  }
0x20: {  	s16 =	sadd.s32 $0x1, s12;
	_ =	swait.ge @!p1 [sflag:s14], $0x40  }
0x21: {  	s13 =	smov.u32 s11;
	p0 =	por !p0, !p0;
	[sflag:s14] =	ssyncset.done @!p1 $0x0  }
0x22: {  	s12 =	smov.u32 s16;
	s11 =	smov.u32 s15;
	[sflag:s14] =	ssyncadd.s32 @!p1 $0xFFFFFFC0  }
.LBB2_1:
0x23: {  	p1 =	sge.u32 s12, s8  }
0x24: {  	s14 =	sxor.u32 @!p1 $0xFFFFFFFF, s12  }
0x25: {  	s31 =	sadd.s32 $0xFFFFFFFF, s12;
	s15 =	sshrl.u32 @!p1 s11, $0x3;
	s14 =	sshll.u32 @!p1 s14, $0x6  }
0x26: {  	s16 =	sand.u32 @!p1 $0x7, s11;
	s15 =	sadd.s32 @!p1 s5, s15;
	s14 =	sand.u32 @!p1 $0x40, s14  }
0x27: {  	[tilespmem:s14], [sflag:$0x2] =	stream.linear.gather @!p1 [hbm4b:s15+s16], $0x40, $0x38;
	[tilespmem:$0x100] =	vst v63  }
0x28: {  	p1 =	sge.u32 s31, s8  }
.Ltmp2:
0x29: {  	_ = 	snop;
	(pc) =	sbr.rel @p1 .LBB2_5-.Ltmp2, $1  }
0x2a: {  	_ =	sdelay $0x3  }
0x2b: {  	s14 =	simm.s32 $0x1  }
0x2c: {  	_ =	swait.ge [sflag:s7], $0x40;
	s14 =	simm.s32 @!p0 $0x0  }
0x2d: {  	[sflag:s7] =	ssyncset.done $0x0;
	s14 =	sshll.u32 s14, $0x6  }
0x2e: {  	[sflag:s7] =	ssyncadd.s32 $0xFFFFFFC0;
	(ifvalue) =	ssetifvalue $0x7FFFFFFF;
	v0 =	vld.msk [tilespmem:s14+$0x0 ss:$0x1], $0xffff;
	_ =	sdelay $0x4  }
0x2f: {  	s15 =	sadd.s32 $0x10, s14;
	v1 =	vshrl.u32 v0, $0x1  }
0x30: {  	v2 =	vld.msk [tilespmem:s15+$0x0 ss:$0x1], $0xffff;
	vm1 =	veq.s32 v0, $0x80000000;
	v1 =	vand.u32 $0x7FF, v1  }
0x31: {  	v0 =	vand.u32 $0x1, v0;
	v1 =	vsel vm1, $0xFFFFFFFF, v1  }
0x32: {  	v0 =	vsel vm1, $0xFFFFFFFF, v0;
	v3 =	vshll.u32 v1, $0x1  }
0x33: {  	v4 =	vand.u32 $0xFFFFF000, v0;
	v0 =	vshll.u32 v0, $0x7;
	v3 =	vand.u32 $0xFFFFFF00, v3  }
0x34: {  	v0 =	vand.u32 $0x80, v0;
	v3 =	vadd.s32 v4, v3  }
0x35: {  	v1 =	vand.u32 $0x7F, v1;
	v0 =	vor.u32 v0, v3;
	v3 =	vshrl.u32 v2, $0x1  }
0x36: {  	s17 =	sadd.s32 $0x10, s15;
	vm1 =	veq.s32 v2, $0x80000000;
	v0 =	vor.u32 v1, v0;
	v3 =	vand.u32 $0x7FF, v3  }
0x37: {  	v2 =	vand.u32 $0x1, v2;
	v1 =	vld.msk [tilespmem:s17+$0x0 ss:$0x1], $0xffff;
	v3 =	vsel vm1, $0xFFFFFFFF, v3  }
0x38: {  	v2 =	vsel vm1, $0xFFFFFFFF, v2;
	v63 =	vshll.u32 v3, $0x1  }
0x39: {  	s31 =	sshll.u32 s12, $0x6;
	v5 =	vand.u32 $0xFFFFF000, v2;
	v2 =	vshll.u32 v2, $0x7;
	v4 =	vand.u32 $0xFFFFFF00, v63  }
0x3a: {  	s14 =	sor.u32 $0x80, s14;
	s15 =	sand.u32 $0x40, s31;
	(ifvalue) =	ssetifvalue $0x7FFFFFFF;
	v2 =	vand.u32 $0x80, v2;
	v4 =	vadd.s32 v5, v4  }
0x3b: {  	[tilespmem:s14], [sflag:$0x1] =	stream.indirect_vreg.gather [hbm4b:s4+s10], $0x1, v0, vm0, $0x4038;
	v0 =	vand.u32 $0x7F, v3;
	v3 =	vor.u32 v2, v4;
	[tilespmem:$0x100] =	vst v63  }
0x3c: {  	s16 =	simm.s32 $0x20;
	s15 =	sor.u32 $0x80, s15;
	s17 =	sadd.s32 $0x10, s17;
	v2 =	vshrl.u32 v1, $0x1;
	v0 =	vor.u32 v0, v3  }
.LBB2_3:
0x3d: {  	v3 =	vld.msk [tilespmem:s17+$0x0 ss:$0x1], $0xffff;
	s16 =	sadd.s32 $0x10, s16;
	vm1 =	veq.s32 v1, $0x80000000;
	v2 =	vand.u32 $0x7FF, v2  }
0x3e: {  	v1 =	vand.u32 $0x1, v1;
	p1 =	slt.u32 s16, $0x30;
	v2 =	vsel vm1, $0xFFFFFFFF, v2  }
.Ltmp3:
0x3f: {  	v1 =	vsel vm1, $0xFFFFFFFF, v1;
	v4 =	vshll.u32 v2, $0x1;
	(pc) =	sbr.rel @p1 .LBB2_3-.Ltmp3, $4  }
0x40: {  	s14 =	sadd.s32 $0x10, s14;
	v5 =	vand.u32 $0xFFFFF000, v1;
	v1 =	vshll.u32 v1, $0x7;
	v4 =	vand.u32 $0xFFFFFF00, v4;
	(ifvalue) =	ssetifvalue $0x7FFFFFFF  }
0x41: {  	v4 =	vadd.s32 v5, v4;
	v5 =	vand.u32 $0x80, v1;
	[tilespmem:s14], [sflag:$0x1] =	stream.indirect_vreg.gather [hbm4b:s4+s10], $0x1, v0, vm0, $0x4038;
	[tilespmem:$0x100] =	vst v63  }
0x42: {  	v0 =	vand.u32 $0x7F, v2;
	v4 =	vor.u32 v5, v4  }
0x43: {  	s17 =	sadd.s32 $0x10, s17;
	v2 =	vshrl.u32 v3, $0x1;
	v1 =	vmov v3;
	v0 =	vor.u32 v0, v4  }
.Ltmp4:
0x44: {  	_ = 	snop;
	(pc) =	sbr.rel .LBB2_4-.Ltmp4, $1  }
0x45: {  	_ =	sdelay $0x3  }
.LBB2_6:
0x46: {  	_ =	sfence.sel $0x180000  }
0x47: {  	s2 =	simm.s32 $0x2;
	[bflag:$0x0] =	sbarrier.arrive $0xFFFF  }
0x48: {  	s30 =	simm.s32 $0x3;
	[sflag:s2] =	ssyncpa.u1 $0x1  }
0x49: {  	s31 =	simm.s32 $0x1;
	[sflag:s30] =	ssyncpa.u1 $0x1  }
0x4a: {  	[sflag:s31] =	ssyncpa.u1 $0x1  }
0x4b: {  	p0 =	sne.s32 s0, $0x0;
	_ =	strace $0x90000056  }
0x4c: {  	s0 =	sadd.s32 @!p0 $0x100000, s1;
	[bflag:$0x2] =	sbarrier.arrive $0xFFFF  }
0x4d: {  	[sflag:s0] =	ssyncadd.tile.s32 @!p0 $0x1;
	_ =	shalt  }
.Lfunc_end2:
_tile_overlayer_lowered:
.L_overlay_start_2:
0x4e: {  	(tag) =	ssettag $0x2  }
0x4f: {  	s0 =	rddreg [dreg:$0x0];
	s2 =	stileid.u32  }
0x50: {  	s1 =	rddreg [dreg:$0x1];
	p0 =	sne.s32 s2, $0x0  }
0x51: {  	s3 =	rddreg [dreg:$0x2];
	[bflag:$0x3] =	sbarrier.arrive $0xFFFF;
	s2 =	simm.s32 @!p0 $0x1C01  }
0x52: {  	[timem:s3], [sflag:s2] =	dma.local @!p0 [hbm:s0], s1  }
0x53: {  	s0 =	simm.s32 @!p0 $0x1  }
0x54: {  	_ =	swait.ge @!p0 [sflag:s0], s1  }
0x55: {  	s1 =	ssub.s32 @!p0 $0x0, s1;
	[sflag:s0] =	ssyncset.done @!p0 $0x0  }
0x56: {  	[sflag:s0] =	ssyncadd.s32 @!p0 s1  }
0x57: {  	[bflag:$0x3] =	sbarrier.arrive $0xFFFF  }
0x58: {  	_ =	shalt  }

// kernel: gather_offload_async_start.5
scs
__scs_entry_jumppad:
0x0: {  	(pc) =	sbr.rel $0x88, $3  }
0x1: {  	(tag) =	ssettag $0x0;
	lr =	simm.s32 $0x1  }
0x2: {  	[smem:$0x3F9E] =	sst lr;
	_ =	strace $0xD0000000  }
0x3: {  	_ = 	snop  }
0x4: {  	_ = 	snop  }
0x5: {  	_ = 	snop  }
0x6: {  	_ = 	snop  }
0x7: {  	_ = 	snop  }
__scs_overlays_trampoline_lowered:
0x8: {  	[smem:$0x3FAD] =	sst s0  }
0x9: {  	[smem:$0x3FAE] =	sst s1  }
0xa: {  	[smem:$0x3FAF] =	sst s2  }
0xb: {  	[smem:$0x3FB0] =	sst s3  }
0xc: {  	[smem:$0x3FB1] =	sst s4  }
0xd: {  	[smem:$0x3FB2] =	sst s5  }
0xe: {  	[smem:$0x3FB3] =	sst s6  }
0xf: {  	[smem:$0x3FB4] =	sst s7  }
0x10: {  	[smem:$0x3FB5] =	sst s8  }
0x11: {  	[smem:$0x3FB6] =	sst s9;
	s0 =	simm.s32 @!p0 $0x0  }
0x12: {  	s1 =	sld [smem:$0x3F9C];
	s0 =	simm.s32 @p0 $0x1  }
0x13: {  	[smem:$0x3FB7] =	sst s0;
	s0 =	simm.s32 @!p1 $0x0  }
0x14: {  	s2 =	sld [smem:$0x3F9B];
	s0 =	simm.s32 @p1 $0x1  }
0x15: {  	[smem:$0x3FB8] =	sst s0;
	s0 =	simm.s32 @!p2 $0x0  }
0x16: {  	s3 =	sld [smem:$0x3FDB];
	s0 =	simm.s32 @p2 $0x1  }
0x17: {  	s4 =	simm.s32 $0x1BF5;
	[smem:$0x3FBA] =	sst s0  }
0x18: {  	s0 =	sld [smem:$0x3F9D];
	_ =	swait.ge [sflag:s4], $0x0  }
0x19: {  	s7 =	sld [smem:$0x3F9E]  }
0x1a: {  	s8 =	sadd.s32 $0xFFFFE003, lr  }
0x1b: {  	s9 =	sadd.s32 $0xFFFFFEF7, lr;
	s5 =	simm.s32 $0xFFFFFFFF;
	p2 =	slt.u32 s8, $0xFFFFF086  }
0x1c: {  	p1 =	slt.u32 s9, $0xF7A;
	s5 =	simm.s32 @!p2 $0x0  }
0x1d: {  	s5 =	simm.s32 @p1 $0x1;
	p0 =	seq.s32 s7, s2  }
0x1e: {  	s7 =	smul.u32 @!p0 $0xF7A, s2;
	p2 =	seq.s32 @!p0 s5, $0x0  }
0x1f: {  	s9 =	smul.u32 $0xF7A, s1;
	s8 =	simm.s32 @!p0 $0x1BF5;
	p2 =	por !p2, p0  }
0x20: {  	[sflag:s8] =	ssyncset.s32 @!p0 $0xFFFFF086;
	s6 =	sadd.s32 @!p0 s3, s7;
	s7 =	simm.s32 @!p0 $0x108  }
0x21: {  	s3 =	sadd.s32 s3, s9;
	s6 =	sadd.s32 @!p0 $0x88, s6;
	s7 =	simm.s32 @p2 $0x1082  }
0x22: {  	[simem:s7], [sflag:s8] =	dma.local @!p0 [hbm:s6], $0xF7A  }
0x23: {  	s9 =	sor.u32 $0xD0000000, s2;
	s6 =	simm.s32 $0x108;
	_ =	swait.ge @!p0 [sflag:s8], $0x0  }
0x24: {  	s3 =	sadd.s32 $0x88, s3;
	s6 =	simm.s32 @!p1 $0x1082;
	[sflag:s4] =	ssyncset.s32 $0xFFFFF086  }
0x25: {  	[simem:s6], [sflag:s4] =	dma.local [hbm:s3], $0xF7A  }
0x26: {  	[smem:$0x3F9E] =	sst s1;
	(tag) =	ssettag s2;
	_ =	strace s9  }
0x27: {  	s1 =	sld [smem:$0x3FAE]  }
0x28: {  	s2 =	sld [smem:$0x3FAF]  }
0x29: {  	s4 =	sld [smem:$0x3FB1]  }
0x2a: {  	p0 =	seq.s32 s5, $0x0;
	s5 =	sld [smem:$0x3FB2]  }
0x2b: {  	s6 =	sld [smem:$0x3FB3]  }
0x2c: {  	s7 =	sld [smem:$0x3FB4]  }
0x2d: {  	s3 =	simm.s32 $0x108;
	s8 =	sld [smem:$0x3FB5]  }
0x2e: {  	s3 =	simm.s32 @!p0 $0x1082;
	s9 =	sld [smem:$0x3FB6]  }
0x2f: {  	lr =	sadd.s32 s0, s3;
	s0 =	sld [smem:$0x3FAD]  }
0x30: {  	s3 =	sld [smem:$0x3FB0]  }
0x31: {  	[smem:$0x3FB9] =	sst s10  }
0x32: {  	s10 =	sld [smem:$0x3FB7];
	_ =	sdelay $0x3  }
0x33: {  	p0 =	seq.s32 s10, $0x1;
	s10 =	sld [smem:$0x3FB9];
	_ =	sdelay $0x3  }
0x34: {  	[smem:$0x3FB9] =	sst s10  }
0x35: {  	s10 =	sld [smem:$0x3FB8];
	_ =	sdelay $0x3  }
0x36: {  	p1 =	seq.s32 s10, $0x1;
	s10 =	sld [smem:$0x3FB9];
	_ =	sdelay $0x3  }
0x37: {  	[smem:$0x3FB9] =	sst s10  }
0x38: {  	s10 =	sld [smem:$0x3FBA]  }
0x39: {  	_ = 	snop;
	(pc) =	sbr.ind lr, $3  }
0x3a: {  	_ = 	snop  }
0x3b: {  	_ = 	snop  }
0x3c: {  	p2 =	seq.s32 s10, $0x1;
	s10 =	sld [smem:$0x3FB9]  }
0x3d: {  	_ =	shalt  }
0x3e: {  	_ =	shalt  }
0x3f: {  	_ =	shalt  }
0x40: {  	_ =	shalt  }
0x41: {  	_ =	shalt  }
0x42: {  	_ =	shalt  }
0x43: {  	_ =	shalt  }
0x44: {  	_ =	shalt  }
0x45: {  	_ =	shalt  }
0x46: {  	_ =	shalt  }
0x47: {  	_ =	shalt  }
0x48: {  	_ =	shalt  }
0x49: {  	_ =	shalt  }
0x4a: {  	_ =	shalt  }
0x4b: {  	_ =	shalt  }
0x4c: {  	_ =	shalt  }
0x4d: {  	_ =	shalt  }
0x4e: {  	_ =	shalt  }
0x4f: {  	_ =	shalt  }
0x50: {  	_ =	shalt  }
0x51: {  	_ =	shalt  }
0x52: {  	_ =	shalt  }
0x53: {  	_ =	shalt  }
0x54: {  	_ =	shalt  }
0x55: {  	_ =	shalt  }
0x56: {  	_ =	shalt  }
0x57: {  	_ =	shalt  }
0x58: {  	_ =	shalt  }
0x59: {  	_ =	shalt  }
0x5a: {  	_ =	shalt  }
0x5b: {  	_ =	shalt  }
0x5c: {  	_ =	shalt  }
0x5d: {  	_ =	shalt  }
0x5e: {  	_ =	shalt  }
0x5f: {  	_ =	shalt  }
0x60: {  	_ =	shalt  }
0x61: {  	_ =	shalt  }
0x62: {  	_ =	shalt  }
0x63: {  	_ =	shalt  }
0x64: {  	_ =	shalt  }
0x65: {  	_ =	shalt  }
0x66: {  	_ =	shalt  }
0x67: {  	_ =	shalt  }
0x68: {  	_ =	shalt  }
0x69: {  	_ =	shalt  }
0x6a: {  	_ =	shalt  }
0x6b: {  	_ =	shalt  }
0x6c: {  	_ =	shalt  }
0x6d: {  	_ =	shalt  }
0x6e: {  	_ =	shalt  }
0x6f: {  	_ =	shalt  }
0x70: {  	_ =	shalt  }
0x71: {  	_ =	shalt  }
0x72: {  	_ =	shalt  }
0x73: {  	_ =	shalt  }
0x74: {  	_ =	shalt  }
0x75: {  	_ =	shalt  }
0x76: {  	_ =	shalt  }
0x77: {  	_ =	shalt  }
0x78: {  	_ =	shalt  }
0x79: {  	_ =	shalt  }
0x7a: {  	_ =	shalt  }
0x7b: {  	_ =	shalt  }
0x7c: {  	_ =	shalt  }
0x7d: {  	_ =	shalt  }
0x7e: {  	_ =	shalt  }
0x7f: {  	_ =	shalt  }
0x80: {  	_ =	shalt  }
0x81: {  	_ =	shalt  }
0x82: {  	_ =	shalt  }
0x83: {  	_ =	shalt  }
0x84: {  	_ =	shalt  }
0x85: {  	_ =	shalt  }
0x86: {  	_ =	shalt  }
0x87: {  	_ =	shalt  }
.Lfunc_end0:
.L_simem_size_0:
called_computation.5_lowered:
.L_overlay_start_0:
0x88: {  	s2 =	sld [smem:$0x3FD9]  }
0x89: {  	s3 =	sld [smem:$0x3FFE];
	_ =	sdelay $0x1  }
0x8a: {  	s1 =	srdreg.scid  }
0x8b: {  	s0 =	sand.u32 $0x1, s1  }
0x8c: {  	s16 =	sshll.u32 s0, $0xA;
	s2 =	sadd.s32 s3, s2  }
0x8d: {  	s2 =	sadd.s32 s2, s16  }
0x8e: {  	[smem:$0x3FC5] =	sst s2  }
0x8f: {  	_ = 	snop  }
0x90: {  	(tm) =	ssettm $0x1  }
0x91: {  	s17 =	sld [smem:$0x3FFB];
	_ =	sdelay $0x3  }
0x92: {  	_ =	strace s17  }
0x93: {  	s2 =	sld [smem:$0x3FFC];
	_ =	sdelay $0x3  }
0x94: {  	_ =	strace s2  }
0x95: {  	s2 =	sld [smem:$0x3FFD];
	_ =	sdelay $0x3  }
0x96: {  	_ =	strace s2  }
0x97: {  	_ =	strace $0x8FFFFFFF  }
0x98: {  	s18 =	sld [smem:$0x3FDB];
	_ =	sdelay $0x1  }
0x99: {  	s19 =	simm.s32 $_scs_section_size  }
0x9a: {  	s4 =	simm.s32 $_size__tile_overlayer_lowered;
	s5 =	simm.s32 $_tile_overlayer_lowered  }
0x9b: {  	s22 =	simm.s32 $0x1BFF;
	s21 =	sshll.u32 s5, $0x1;
	s2 =	sadd.s32 s19, s18  }
0x9c: {  	s6 =	simm.s32 $0x0;
	s20 =	sshll.u32 s4, $0x1;
	s4 =	sadd.s32 s21, s2  }
0x9d: {  	[timem:s6], [sflag:s22] =	dma.local [hbm:s4], s20  }
0x9e: {  	_ =	swait.ge [sflag:s22], s20  }
0x9f: {  	s3 =	ssub.s32 $0x0, s20;
	[sflag:s22] =	ssyncset.done $0x0  }
0xa0: {  	[sflag:s22] =	ssyncadd.s32 s3;
	_ =	sdelay $0x1  }
0xa1: {  	s23 =	simm.s32 $0x1B8B  }
0xa2: {  	_ =	swait.ge [sflag:s23], $0x1  }
0xa3: {  	[sflag:s23] =	ssyncset.done $0x0  }
0xa4: {  	s25 =	simm.s32 $0x1B8E;
	s24 =	sld [smem:$0x3FFE];
	[sflag:s23] =	ssyncadd.s32 $0xFFFFFFFF  }
0xa5: {  	s26 =	simm.s32 $execute0_lowered;
	[smem:$0x3FD2] =	sst s25  }
0xa6: {  	s4 =	sshll.u32 s26, $0x1;
	_ =	strace $0x80000052;
	[dreg:$0x1] =	wrdreg $0xFFFFFFFF  }
0xa7: {  	s28 =	simm.s32 $_size_execute0_lowered;
	s2 =	sadd.s32 s2, s4;
	[dreg:$0x0] =	wrdreg $0x0  }
0xa8: {  	s4 =	sshll.u32 s28, $0x1;
	[dreg:$0x2] =	wrdreg s2  }
0xa9: {  	[dreg:$0x3] =	wrdreg s4  }
0xaa: {  	[dreg:$0x4] =	wrdreg $0xC0  }
0xab: {  	_ =	task [dreg:s6], $0x5FFFF  }
0xac: {  	[dreg:$0x1] =	wrdreg $0xFFFFFFFF  }
0xad: {  	[dreg:$0x0] =	wrdreg $0x60  }
0xae: {  	[dreg:$0x2] =	wrdreg s24  }
0xaf: {  	[dreg:$0x3] =	wrdreg $0xA  }
0xb0: {  	_ =	task.clear_ibuf [dreg:s6], $0x4FFFF;
	_ =	strace $0x90000052  }
0xb1: {  	s29 =	simm.s32 $0xA;
	_ =	strace $0x80000054  }
0xb2: {  	_ =	swait.ge [sflag:s29], $0x1  }
0xb3: {  	[sflag:s29] =	ssyncadd.s32 $0xFFFFFFFF  }
0xb4: {  	_ =	strace $0x90000054  }
0xb5: {  	_ =	sfence  }
0xb6: {  	s30 =	sld [smem:$0x0];
	_ =	sdelay $0x2  }
0xb7: {  	s31 =	sshll.u32 s1, $0xD;
	s1 =	sshrl.u32 s1, $0x2  }
0xb8: {  	s3 =	sand.u32 $0x4000, s31;
	s1 =	sadd.s32 s1, s30  }
0xb9: {  	s0 =	sor.u32 s3, s0;
	s1 =	sshll.u32 s1, $0x11  }
0xba: {  	s0 =	sor.u32 s1, s0  }
0xbb: {  	s0 =	sadd.s32 $0x8F2B, s0  }
0xbc: {  	[sflag:s0] =	ssyncadd.remote.s32 $0x1  }
0xbd: {  	_ =	sfence.sel $0xFFFF  }
0xbe: {  	[dreg:$0x0] =	wrdreg $0xFFFFFFFF;
	(pc) =	sbr.abs _section_cstart, $3  }
0xbf: {  	[dreg:$0x1] =	wrdreg $0xFFFFFFFF  }
0xc0: {  	_ =	task.clear_ibuf [dreg:s6], $0x2FFFF;
	_ =	strace $0x9FFFFFFF  }
0xc1: {  	(tm) =	ssettm $0x7FFFFFFF  }
tec
execute0_lowered:
.L_overlay_start_1:
0x0: {  	(tag) =	ssettag $0x1  }
0x1: {  	s0 =	srdreg.scid;
	s5 =	rddreg [dreg:$0x0]  }
0x2: {  	s1 =	stileid.u32;
	s6 =	simm.s32 $0x1;
	s9 =	simm.s32 $0x1  }
0x3: {  	s10 =	simm.s32 $0x3;
	s13 =	simm.s32 $0x0;
	s2 =	sshll.u32 s0, $0x6  }
0x4: {  	s12 =	simm.s32 $0x0;
	s3 =	sshll.u32 s1, $0x7;
	s2 =	sand.u32 $0x40, s2  }
0x5: {  	s0 =	rddreg [dreg:$0x1];
	_ =	strace $0x80000053;
	s2 =	sor.u32 s3, s2  }
0x6: {  	s4 =	sadd.s32 $0xA00, s5;
	[sflag:s6] =	ssyncpa.u1 $0x0;
	s8 =	ssub.s32 $0x1000, s2  }
.Ltmp0:
0x7: {  	s3 =	sadd.s32 $0x600, s5;
	s7 =	sand.u32 $0x7C0, s8;
	(pc) =	sbr.rel .LBB2_1-.Ltmp0, $4  }
0x8: {  	s5 =	sadd.s32 $0x800, s5;
	s11 =	smov.u32 s2;
	p0 =	sne.s32 s7, $0x0  }
0x9: {  	s8 =	sshrl.u32 s8, $0xB;
	s7 =	simm.s32 $0x2;
	s9 =	simm.s32 @!p0 $0x0  }
0xa: {  	[sflag:s7] =	ssyncpa.u1 $0x0;
	p0 =	por $0x0, $0x0;
	s8 =	sadd.s32 s9, s8  }
0xb: {  	vm0 =	vmmov $0xffff;
	[sflag:s10] =	ssyncpa.u1 $0x0;
	s10 =	simm.s32 $0x0;
	s9 =	sadd.s32 $0x1, s8  }
.LBB2_4:
0xc: {  	vm1 =	veq.s32 v1, $0x80000000;
	v2 =	vand.u32 $0x7FF, v2  }
0xd: {  	v63 =	vand.u32 $0x1, v1;
	v2 =	vsel vm1, $0xFFFFFFFF, v2  }
0xe: {  	v1 =	vsel vm1, $0xFFFFFFFF, v63;
	v3 =	vshll.u32 v2, $0x1  }
0xf: {  	v4 =	vand.u32 $0xFFFFF000, v1;
	v1 =	vshll.u32 v1, $0x7;
	v3 =	vand.u32 $0xFFFFFF00, v3  }
0x10: {  	v1 =	vand.u32 $0x80, v1;
	v3 =	vadd.s32 v4, v3  }
0x11: {  	v2 =	vand.u32 $0x7F, v2;
	v1 =	vor.u32 v1, v3  }
0x12: {  	v1 =	vor.u32 v2, v1;
	_ =	sdelay $0x1  }
0x13: {  	(ifvalue) =	ssetifvalue $0x7FFFFFFF;
	s14 =	sadd.s32 $0x10, s14  }
0x14: {  	[tilespmem:s14], [sflag:$0x1] =	stream.indirect_vreg.gather [hbm4b:s3+s10], $0x1, v0, vm0, $0x4038;
	[tilespmem:$0x100] =	vst v63  }
0x15: {  	(ifvalue) =	ssetifvalue $0x7FFFFFFF;
	s14 =	sadd.s32 $0x10, s14  }
0x16: {  	[tilespmem:s14], [sflag:$0x1] =	stream.indirect_vreg.gather [hbm4b:s3+s10], $0x1, v1, vm0, $0x4038;
	[tilespmem:$0x100] =	vst v63  }
0x17: {  	_ =	swait.ge [sflag:s6], $0x40  }
0x18: {  	s30 =	sshrl.u32 s13, $0x3;
	[sflag:s6] =	ssyncset.done $0x0  }
0x19: {  	s31 =	sand.u32 $0x7, s13;
	s14 =	sadd.s32 s5, s30;
	[sflag:s6] =	ssyncadd.s32 $0xFFFFFFC0  }
0x1a: {  	[hbm4b:s14+s31] =	stream.linear.scatter [tilespmem:s15], [sflag:$0x3], $0x40, $0x38;
	[tilespmem:$0x100] =	vst v63  }
.LBB2_5:
0x1b: {  	s15 =	sadd.s32 $0x800, s11  }
0x1c: {  	p2 =	sgt.s32 s15, $0xFFF  }
0x1d: {  	s15 =	smov.u32 @p2 s2;
	p2 =	sne.s32 s12, s9  }
.Ltmp1:
0x1e: {  	p1 =	slt.u32 s12, $0x2;
	(pc) =	sbr.rel @!p2 .LBB2_6-.Ltmp1, $4  }
0x1f: {  	s14 =	simm.s32 @!p1 $0x3  }
0x20: {  	s16 =	sadd.s32 $0x1, s12;
	_ =	swait.ge @!p1 [sflag:s14], $0x40  }
0x21: {  	s13 =	smov.u32 s11;
	p0 =	por !p0, !p0;
	[sflag:s14] =	ssyncset.done @!p1 $0x0  }
0x22: {  	s12 =	smov.u32 s16;
	s11 =	smov.u32 s15;
	[sflag:s14] =	ssyncadd.s32 @!p1 $0xFFFFFFC0  }
.LBB2_1:
0x23: {  	p1 =	sge.u32 s12, s8  }
0x24: {  	s14 =	sxor.u32 @!p1 $0xFFFFFFFF, s12  }
0x25: {  	s31 =	sadd.s32 $0xFFFFFFFF, s12;
	s15 =	sshrl.u32 @!p1 s11, $0x3;
	s14 =	sshll.u32 @!p1 s14, $0x6  }
0x26: {  	s16 =	sand.u32 @!p1 $0x7, s11;
	s15 =	sadd.s32 @!p1 s4, s15;
	s14 =	sand.u32 @!p1 $0x40, s14  }
0x27: {  	[tilespmem:s14], [sflag:$0x2] =	stream.linear.gather @!p1 [hbm4b:s15+s16], $0x40, $0x38;
	[tilespmem:$0x100] =	vst v63  }
0x28: {  	p1 =	sge.u32 s31, s8  }
.Ltmp2:
0x29: {  	_ = 	snop;
	(pc) =	sbr.rel @p1 .LBB2_5-.Ltmp2, $1  }
0x2a: {  	_ =	sdelay $0x3  }
0x2b: {  	s14 =	simm.s32 $0x1  }
0x2c: {  	_ =	swait.ge [sflag:s7], $0x40;
	s14 =	simm.s32 @!p0 $0x0  }
0x2d: {  	[sflag:s7] =	ssyncset.done $0x0;
	s14 =	sshll.u32 s14, $0x6  }
0x2e: {  	[sflag:s7] =	ssyncadd.s32 $0xFFFFFFC0;
	(ifvalue) =	ssetifvalue $0x7FFFFFFF;
	v0 =	vld.msk [tilespmem:s14+$0x0 ss:$0x1], $0xffff;
	_ =	sdelay $0x4  }
0x2f: {  	s15 =	sadd.s32 $0x10, s14;
	v1 =	vshrl.u32 v0, $0x1  }
0x30: {  	v2 =	vld.msk [tilespmem:s15+$0x0 ss:$0x1], $0xffff;
	vm1 =	veq.s32 v0, $0x80000000;
	v1 =	vand.u32 $0x7FF, v1  }
0x31: {  	v0 =	vand.u32 $0x1, v0;
	v1 =	vsel vm1, $0xFFFFFFFF, v1  }
0x32: {  	v0 =	vsel vm1, $0xFFFFFFFF, v0;
	v3 =	vshll.u32 v1, $0x1  }
0x33: {  	v4 =	vand.u32 $0xFFFFF000, v0;
	v0 =	vshll.u32 v0, $0x7;
	v3 =	vand.u32 $0xFFFFFF00, v3  }
0x34: {  	v0 =	vand.u32 $0x80, v0;
	v3 =	vadd.s32 v4, v3  }
0x35: {  	v1 =	vand.u32 $0x7F, v1;
	v0 =	vor.u32 v0, v3;
	v3 =	vshrl.u32 v2, $0x1  }
0x36: {  	s17 =	sadd.s32 $0x10, s15;
	vm1 =	veq.s32 v2, $0x80000000;
	v0 =	vor.u32 v1, v0;
	v3 =	vand.u32 $0x7FF, v3  }
0x37: {  	v2 =	vand.u32 $0x1, v2;
	v1 =	vld.msk [tilespmem:s17+$0x0 ss:$0x1], $0xffff;
	v3 =	vsel vm1, $0xFFFFFFFF, v3  }
0x38: {  	v2 =	vsel vm1, $0xFFFFFFFF, v2;
	v63 =	vshll.u32 v3, $0x1  }
0x39: {  	s31 =	sshll.u32 s12, $0x6;
	v5 =	vand.u32 $0xFFFFF000, v2;
	v2 =	vshll.u32 v2, $0x7;
	v4 =	vand.u32 $0xFFFFFF00, v63  }
0x3a: {  	s14 =	sor.u32 $0x80, s14;
	s15 =	sand.u32 $0x40, s31;
	(ifvalue) =	ssetifvalue $0x7FFFFFFF;
	v2 =	vand.u32 $0x80, v2;
	v4 =	vadd.s32 v5, v4  }
0x3b: {  	[tilespmem:s14], [sflag:$0x1] =	stream.indirect_vreg.gather [hbm4b:s3+s10], $0x1, v0, vm0, $0x4038;
	v0 =	vand.u32 $0x7F, v3;
	v3 =	vor.u32 v2, v4;
	[tilespmem:$0x100] =	vst v63  }
0x3c: {  	s16 =	simm.s32 $0x20;
	s15 =	sor.u32 $0x80, s15;
	s17 =	sadd.s32 $0x10, s17;
	v2 =	vshrl.u32 v1, $0x1;
	v0 =	vor.u32 v0, v3  }
.LBB2_3:
0x3d: {  	v3 =	vld.msk [tilespmem:s17+$0x0 ss:$0x1], $0xffff;
	s16 =	sadd.s32 $0x10, s16;
	vm1 =	veq.s32 v1, $0x80000000;
	v2 =	vand.u32 $0x7FF, v2  }
0x3e: {  	v1 =	vand.u32 $0x1, v1;
	p1 =	slt.u32 s16, $0x30;
	v2 =	vsel vm1, $0xFFFFFFFF, v2  }
.Ltmp3:
0x3f: {  	v1 =	vsel vm1, $0xFFFFFFFF, v1;
	v4 =	vshll.u32 v2, $0x1;
	(pc) =	sbr.rel @p1 .LBB2_3-.Ltmp3, $4  }
0x40: {  	s14 =	sadd.s32 $0x10, s14;
	v5 =	vand.u32 $0xFFFFF000, v1;
	v1 =	vshll.u32 v1, $0x7;
	v4 =	vand.u32 $0xFFFFFF00, v4;
	(ifvalue) =	ssetifvalue $0x7FFFFFFF  }
0x41: {  	v4 =	vadd.s32 v5, v4;
	v5 =	vand.u32 $0x80, v1;
	[tilespmem:s14], [sflag:$0x1] =	stream.indirect_vreg.gather [hbm4b:s3+s10], $0x1, v0, vm0, $0x4038;
	[tilespmem:$0x100] =	vst v63  }
0x42: {  	v0 =	vand.u32 $0x7F, v2;
	v4 =	vor.u32 v5, v4  }
0x43: {  	s17 =	sadd.s32 $0x10, s17;
	v2 =	vshrl.u32 v3, $0x1;
	v1 =	vmov v3;
	v0 =	vor.u32 v0, v4  }
.Ltmp4:
0x44: {  	_ = 	snop;
	(pc) =	sbr.rel .LBB2_4-.Ltmp4, $1  }
0x45: {  	_ =	sdelay $0x3  }
.LBB2_6:
0x46: {  	_ =	sfence.sel $0x180000  }
0x47: {  	s2 =	simm.s32 $0x2;
	[bflag:$0x0] =	sbarrier.arrive $0xFFFF  }
0x48: {  	s30 =	simm.s32 $0x3;
	[sflag:s2] =	ssyncpa.u1 $0x1  }
0x49: {  	s31 =	simm.s32 $0x1;
	[sflag:s30] =	ssyncpa.u1 $0x1  }
0x4a: {  	[sflag:s31] =	ssyncpa.u1 $0x1  }
0x4b: {  	p0 =	sne.s32 s1, $0x0;
	_ =	strace $0x90000053  }
0x4c: {  	s0 =	sadd.s32 @!p0 $0x100000, s0;
	[bflag:$0x2] =	sbarrier.arrive $0xFFFF  }
0x4d: {  	[sflag:s0] =	ssyncadd.tile.s32 @!p0 $0x1;
	_ =	shalt  }
.Lfunc_end2:
_tile_overlayer_lowered:
.L_overlay_start_2:
0x4e: {  	(tag) =	ssettag $0x2  }
0x4f: {  	s0 =	rddreg [dreg:$0x0];
	s2 =	stileid.u32  }
0x50: {  	s1 =	rddreg [dreg:$0x1];
	p0 =	sne.s32 s2, $0x0  }
0x51: {  	s3 =	rddreg [dreg:$0x2];
	[bflag:$0x3] =	sbarrier.arrive $0xFFFF;
	s2 =	simm.s32 @!p0 $0x1C01  }
0x52: {  	[timem:s3], [sflag:s2] =	dma.local @!p0 [hbm:s0], s1  }
0x53: {  	s0 =	simm.s32 @!p0 $0x1  }
0x54: {  	_ =	swait.ge @!p0 [sflag:s0], s1  }
0x55: {  	s1 =	ssub.s32 @!p0 $0x0, s1;
	[sflag:s0] =	ssyncset.done @!p0 $0x0  }
0x56: {  	[sflag:s0] =	ssyncadd.s32 @!p0 s1  }
0x57: {  	[bflag:$0x3] =	sbarrier.arrive $0xFFFF  }
0x58: {  	_ =	shalt  }

// kernel: gather_offload_async_start.6
scs
__scs_entry_jumppad:
0x0: {  	(pc) =	sbr.rel $0x88, $3  }
0x1: {  	(tag) =	ssettag $0x0;
	lr =	simm.s32 $0x1  }
0x2: {  	[smem:$0x3F9E] =	sst lr;
	_ =	strace $0xD0000000  }
0x3: {  	_ = 	snop  }
0x4: {  	_ = 	snop  }
0x5: {  	_ = 	snop  }
0x6: {  	_ = 	snop  }
0x7: {  	_ = 	snop  }
__scs_overlays_trampoline_lowered:
0x8: {  	[smem:$0x3FAD] =	sst s0  }
0x9: {  	[smem:$0x3FAE] =	sst s1  }
0xa: {  	[smem:$0x3FAF] =	sst s2  }
0xb: {  	[smem:$0x3FB0] =	sst s3  }
0xc: {  	[smem:$0x3FB1] =	sst s4  }
0xd: {  	[smem:$0x3FB2] =	sst s5  }
0xe: {  	[smem:$0x3FB3] =	sst s6  }
0xf: {  	[smem:$0x3FB4] =	sst s7  }
0x10: {  	[smem:$0x3FB5] =	sst s8  }
0x11: {  	[smem:$0x3FB6] =	sst s9;
	s0 =	simm.s32 @!p0 $0x0  }
0x12: {  	s1 =	sld [smem:$0x3F9C];
	s0 =	simm.s32 @p0 $0x1  }
0x13: {  	[smem:$0x3FB7] =	sst s0;
	s0 =	simm.s32 @!p1 $0x0  }
0x14: {  	s2 =	sld [smem:$0x3F9B];
	s0 =	simm.s32 @p1 $0x1  }
0x15: {  	[smem:$0x3FB8] =	sst s0;
	s0 =	simm.s32 @!p2 $0x0  }
0x16: {  	s3 =	sld [smem:$0x3FDB];
	s0 =	simm.s32 @p2 $0x1  }
0x17: {  	s4 =	simm.s32 $0x1BF5;
	[smem:$0x3FBA] =	sst s0  }
0x18: {  	s0 =	sld [smem:$0x3F9D];
	_ =	swait.ge [sflag:s4], $0x0  }
0x19: {  	s7 =	sld [smem:$0x3F9E]  }
0x1a: {  	s8 =	sadd.s32 $0xFFFFE003, lr  }
0x1b: {  	s9 =	sadd.s32 $0xFFFFFEF7, lr;
	s5 =	simm.s32 $0xFFFFFFFF;
	p2 =	slt.u32 s8, $0xFFFFF086  }
0x1c: {  	p1 =	slt.u32 s9, $0xF7A;
	s5 =	simm.s32 @!p2 $0x0  }
0x1d: {  	s5 =	simm.s32 @p1 $0x1;
	p0 =	seq.s32 s7, s2  }
0x1e: {  	s7 =	smul.u32 @!p0 $0xF7A, s2;
	p2 =	seq.s32 @!p0 s5, $0x0  }
0x1f: {  	s9 =	smul.u32 $0xF7A, s1;
	s8 =	simm.s32 @!p0 $0x1BF5;
	p2 =	por !p2, p0  }
0x20: {  	[sflag:s8] =	ssyncset.s32 @!p0 $0xFFFFF086;
	s6 =	sadd.s32 @!p0 s3, s7;
	s7 =	simm.s32 @!p0 $0x108  }
0x21: {  	s3 =	sadd.s32 s3, s9;
	s6 =	sadd.s32 @!p0 $0x88, s6;
	s7 =	simm.s32 @p2 $0x1082  }
0x22: {  	[simem:s7], [sflag:s8] =	dma.local @!p0 [hbm:s6], $0xF7A  }
0x23: {  	s9 =	sor.u32 $0xD0000000, s2;
	s6 =	simm.s32 $0x108;
	_ =	swait.ge @!p0 [sflag:s8], $0x0  }
0x24: {  	s3 =	sadd.s32 $0x88, s3;
	s6 =	simm.s32 @!p1 $0x1082;
	[sflag:s4] =	ssyncset.s32 $0xFFFFF086  }
0x25: {  	[simem:s6], [sflag:s4] =	dma.local [hbm:s3], $0xF7A  }
0x26: {  	[smem:$0x3F9E] =	sst s1;
	(tag) =	ssettag s2;
	_ =	strace s9  }
0x27: {  	s1 =	sld [smem:$0x3FAE]  }
0x28: {  	s2 =	sld [smem:$0x3FAF]  }
0x29: {  	s4 =	sld [smem:$0x3FB1]  }
0x2a: {  	p0 =	seq.s32 s5, $0x0;
	s5 =	sld [smem:$0x3FB2]  }
0x2b: {  	s6 =	sld [smem:$0x3FB3]  }
0x2c: {  	s7 =	sld [smem:$0x3FB4]  }
0x2d: {  	s3 =	simm.s32 $0x108;
	s8 =	sld [smem:$0x3FB5]  }
0x2e: {  	s3 =	simm.s32 @!p0 $0x1082;
	s9 =	sld [smem:$0x3FB6]  }
0x2f: {  	lr =	sadd.s32 s0, s3;
	s0 =	sld [smem:$0x3FAD]  }
0x30: {  	s3 =	sld [smem:$0x3FB0]  }
0x31: {  	[smem:$0x3FB9] =	sst s10  }
0x32: {  	s10 =	sld [smem:$0x3FB7];
	_ =	sdelay $0x3  }
0x33: {  	p0 =	seq.s32 s10, $0x1;
	s10 =	sld [smem:$0x3FB9];
	_ =	sdelay $0x3  }
0x34: {  	[smem:$0x3FB9] =	sst s10  }
0x35: {  	s10 =	sld [smem:$0x3FB8];
	_ =	sdelay $0x3  }
0x36: {  	p1 =	seq.s32 s10, $0x1;
	s10 =	sld [smem:$0x3FB9];
	_ =	sdelay $0x3  }
0x37: {  	[smem:$0x3FB9] =	sst s10  }
0x38: {  	s10 =	sld [smem:$0x3FBA]  }
0x39: {  	_ = 	snop;
	(pc) =	sbr.ind lr, $3  }
0x3a: {  	_ = 	snop  }
0x3b: {  	_ = 	snop  }
0x3c: {  	p2 =	seq.s32 s10, $0x1;
	s10 =	sld [smem:$0x3FB9]  }
0x3d: {  	_ =	shalt  }
0x3e: {  	_ =	shalt  }
0x3f: {  	_ =	shalt  }
0x40: {  	_ =	shalt  }
0x41: {  	_ =	shalt  }
0x42: {  	_ =	shalt  }
0x43: {  	_ =	shalt  }
0x44: {  	_ =	shalt  }
0x45: {  	_ =	shalt  }
0x46: {  	_ =	shalt  }
0x47: {  	_ =	shalt  }
0x48: {  	_ =	shalt  }
0x49: {  	_ =	shalt  }
0x4a: {  	_ =	shalt  }
0x4b: {  	_ =	shalt  }
0x4c: {  	_ =	shalt  }
0x4d: {  	_ =	shalt  }
0x4e: {  	_ =	shalt  }
0x4f: {  	_ =	shalt  }
0x50: {  	_ =	shalt  }
0x51: {  	_ =	shalt  }
0x52: {  	_ =	shalt  }
0x53: {  	_ =	shalt  }
0x54: {  	_ =	shalt  }
0x55: {  	_ =	shalt  }
0x56: {  	_ =	shalt  }
0x57: {  	_ =	shalt  }
0x58: {  	_ =	shalt  }
0x59: {  	_ =	shalt  }
0x5a: {  	_ =	shalt  }
0x5b: {  	_ =	shalt  }
0x5c: {  	_ =	shalt  }
0x5d: {  	_ =	shalt  }
0x5e: {  	_ =	shalt  }
0x5f: {  	_ =	shalt  }
0x60: {  	_ =	shalt  }
0x61: {  	_ =	shalt  }
0x62: {  	_ =	shalt  }
0x63: {  	_ =	shalt  }
0x64: {  	_ =	shalt  }
0x65: {  	_ =	shalt  }
0x66: {  	_ =	shalt  }
0x67: {  	_ =	shalt  }
0x68: {  	_ =	shalt  }
0x69: {  	_ =	shalt  }
0x6a: {  	_ =	shalt  }
0x6b: {  	_ =	shalt  }
0x6c: {  	_ =	shalt  }
0x6d: {  	_ =	shalt  }
0x6e: {  	_ =	shalt  }
0x6f: {  	_ =	shalt  }
0x70: {  	_ =	shalt  }
0x71: {  	_ =	shalt  }
0x72: {  	_ =	shalt  }
0x73: {  	_ =	shalt  }
0x74: {  	_ =	shalt  }
0x75: {  	_ =	shalt  }
0x76: {  	_ =	shalt  }
0x77: {  	_ =	shalt  }
0x78: {  	_ =	shalt  }
0x79: {  	_ =	shalt  }
0x7a: {  	_ =	shalt  }
0x7b: {  	_ =	shalt  }
0x7c: {  	_ =	shalt  }
0x7d: {  	_ =	shalt  }
0x7e: {  	_ =	shalt  }
0x7f: {  	_ =	shalt  }
0x80: {  	_ =	shalt  }
0x81: {  	_ =	shalt  }
0x82: {  	_ =	shalt  }
0x83: {  	_ =	shalt  }
0x84: {  	_ =	shalt  }
0x85: {  	_ =	shalt  }
0x86: {  	_ =	shalt  }
0x87: {  	_ =	shalt  }
.Lfunc_end0:
.L_simem_size_0:
called_computation.6_lowered:
.L_overlay_start_0:
0x88: {  	s2 =	sld [smem:$0x3FD9]  }
0x89: {  	s3 =	sld [smem:$0x3FFE];
	_ =	sdelay $0x1  }
0x8a: {  	s1 =	srdreg.scid  }
0x8b: {  	s0 =	sand.u32 $0x1, s1  }
0x8c: {  	s17 =	sshll.u32 s0, $0xA;
	s2 =	sadd.s32 s3, s2  }
0x8d: {  	s2 =	sadd.s32 s2, s17  }
0x8e: {  	[smem:$0x3FC5] =	sst s2  }
0x8f: {  	_ = 	snop  }
0x90: {  	s2 =	sld [smem:$0x3FD0];
	(tm) =	ssettm $0x1  }
0x91: {  	s18 =	sld [smem:$0x3FFB];
	_ =	sdelay $0x3  }
0x92: {  	_ =	strace s18  }
0x93: {  	s3 =	sld [smem:$0x3FFC];
	_ =	sdelay $0x3  }
0x94: {  	_ =	strace s3  }
0x95: {  	s3 =	sld [smem:$0x3FFD];
	_ =	sdelay $0x3  }
0x96: {  	_ =	strace s3  }
0x97: {  	_ =	strace $0x8FFFFFFF  }
0x98: {  	s19 =	sld [smem:$0x3FDB];
	_ =	sdelay $0x1  }
0x99: {  	s4 =	simm.s32 $_scs_section_size  }
0x9a: {  	s5 =	simm.s32 $_size__tile_overlayer_lowered;
	s6 =	simm.s32 $_tile_overlayer_lowered  }
0x9b: {  	s22 =	simm.s32 $0x1BFF;
	s21 =	sshll.u32 s6, $0x1;
	s3 =	sadd.s32 s4, s19  }
0x9c: {  	s7 =	simm.s32 $0x0;
	s20 =	sshll.u32 s5, $0x1;
	s5 =	sadd.s32 s21, s3  }
0x9d: {  	[timem:s7], [sflag:s22] =	dma.local [hbm:s5], s20  }
0x9e: {  	_ =	swait.ge [sflag:s22], s20  }
0x9f: {  	s4 =	ssub.s32 $0x0, s20;
	[sflag:s22] =	ssyncset.done $0x0  }
0xa0: {  	[sflag:s22] =	ssyncadd.s32 s4;
	_ =	sdelay $0x1  }
0xa1: {  	s23 =	simm.s32 $0x1B8B  }
0xa2: {  	_ =	swait.ge [sflag:s23], $0x1  }
0xa3: {  	[sflag:s23] =	ssyncset.done $0x0  }
0xa4: {  	s25 =	simm.s32 $0x1B8E;
	s24 =	sld [smem:$0x3FFE];
	[sflag:s23] =	ssyncadd.s32 $0xFFFFFFFF  }
0xa5: {  	s26 =	simm.s32 $execute0_lowered;
	[smem:$0x3FD2] =	sst s25  }
0xa6: {  	s5 =	sshll.u32 s26, $0x1;
	_ =	strace $0x8000004F;
	[dreg:$0x1] =	wrdreg $0xFFFFFFFF  }
0xa7: {  	s28 =	simm.s32 $_size_execute0_lowered;
	s3 =	sadd.s32 s3, s5;
	[dreg:$0x0] =	wrdreg $0x0  }
0xa8: {  	s5 =	sshll.u32 s28, $0x1;
	[dreg:$0x2] =	wrdreg s3  }
0xa9: {  	[dreg:$0x3] =	wrdreg s5  }
0xaa: {  	[dreg:$0x4] =	wrdreg $0xC0  }
0xab: {  	_ =	task [dreg:s7], $0x5FFFF  }
0xac: {  	[dreg:$0x1] =	wrdreg $0xFFFFFFFF  }
0xad: {  	[dreg:$0x0] =	wrdreg $0x60  }
0xae: {  	[dreg:$0x2] =	wrdreg s24  }
0xaf: {  	[dreg:$0x3] =	wrdreg s2  }
0xb0: {  	[dreg:$0x4] =	wrdreg $0x9  }
0xb1: {  	_ =	task.clear_ibuf [dreg:s7], $0x5FFFF;
	_ =	strace $0x9000004F  }
0xb2: {  	s29 =	simm.s32 $0x9;
	_ =	strace $0x80000051  }
0xb3: {  	_ =	swait.ge [sflag:s29], $0x1  }
0xb4: {  	[sflag:s29] =	ssyncadd.s32 $0xFFFFFFFF  }
0xb5: {  	_ =	strace $0x90000051  }
0xb6: {  	_ =	sfence  }
0xb7: {  	s30 =	sld [smem:$0x0];
	_ =	sdelay $0x2  }
0xb8: {  	s31 =	sshll.u32 s1, $0xD;
	s1 =	sshrl.u32 s1, $0x2  }
0xb9: {  	s3 =	sand.u32 $0x4000, s31;
	s1 =	sadd.s32 s1, s30  }
0xba: {  	s0 =	sor.u32 s3, s0;
	s1 =	sshll.u32 s1, $0x11  }
0xbb: {  	s0 =	sor.u32 s1, s0  }
0xbc: {  	s0 =	sadd.s32 $0x8F2B, s0  }
0xbd: {  	[sflag:s0] =	ssyncadd.remote.s32 $0x1  }
0xbe: {  	_ =	sfence.sel $0xFFFF  }
0xbf: {  	[dreg:$0x0] =	wrdreg $0xFFFFFFFF;
	(pc) =	sbr.abs _section_cstart, $3  }
0xc0: {  	[dreg:$0x1] =	wrdreg $0xFFFFFFFF  }
0xc1: {  	_ =	task.clear_ibuf [dreg:s7], $0x2FFFF;
	_ =	strace $0x9FFFFFFF  }
0xc2: {  	(tm) =	ssettm $0x7FFFFFFF  }
0xc3: {  	_ =	shalt  }
tec
execute0_lowered:
.L_overlay_start_1:
0x0: {  	(tag) =	ssettag $0x1  }
0x1: {  	s1 =	srdreg.scid;
	s5 =	rddreg [dreg:$0x0]  }
0x2: {  	s0 =	stileid.u32;
	s2 =	rddreg [dreg:$0x1];
	s6 =	simm.s32 $0x1  }
0x3: {  	s9 =	simm.s32 $0x1;
	s10 =	simm.s32 $0x3;
	s1 =	sshll.u32 s1, $0x6  }
0x4: {  	s13 =	simm.s32 $0x0;
	s3 =	sshll.u32 s0, $0x7;
	s4 =	sand.u32 $0x40, s1  }
0x5: {  	s12 =	simm.s32 $0x0;
	s1 =	rddreg [dreg:$0x2];
	s3 =	sor.u32 s3, s4  }
0x6: {  	_ =	strace $0x80000050;
	s4 =	sadd.s32 $0x800, s5;
	s8 =	ssub.s32 $0x1000, s3  }
.Ltmp0:
0x7: {  	s5 =	sadd.s32 $0xA00, s5;
	s7 =	sand.u32 $0x7C0, s8;
	(pc) =	sbr.rel .LBB2_1-.Ltmp0, $4  }
0x8: {  	[sflag:s6] =	ssyncpa.u1 $0x0;
	s11 =	smov.u32 s3;
	p0 =	sne.s32 s7, $0x0  }
0x9: {  	s8 =	sshrl.u32 s8, $0xB;
	s7 =	simm.s32 $0x2;
	s9 =	simm.s32 @!p0 $0x0  }
0xa: {  	[sflag:s7] =	ssyncpa.u1 $0x0;
	p0 =	por $0x0, $0x0;
	s8 =	sadd.s32 s9, s8  }
0xb: {  	vm0 =	vmmov $0xffff;
	[sflag:s10] =	ssyncpa.u1 $0x0;
	s10 =	simm.s32 $0x0;
	s9 =	sadd.s32 $0x1, s8  }
.LBB2_4:
0xc: {  	vm1 =	veq.s32 v1, $0x80000000;
	v2 =	vand.u32 $0x7FF, v2  }
0xd: {  	v63 =	vand.u32 $0x1, v1;
	v2 =	vsel vm1, $0xFFFFFFFF, v2  }
0xe: {  	v1 =	vsel vm1, $0xFFFFFFFF, v63;
	v3 =	vshll.u32 v2, $0x1  }
0xf: {  	v4 =	vand.u32 $0xFFFFF000, v1;
	v1 =	vshll.u32 v1, $0x7;
	v3 =	vand.u32 $0xFFFFFF00, v3  }
0x10: {  	v1 =	vand.u32 $0x80, v1;
	v3 =	vadd.s32 v4, v3  }
0x11: {  	v2 =	vand.u32 $0x7F, v2;
	v1 =	vor.u32 v1, v3  }
0x12: {  	v1 =	vor.u32 v2, v1;
	_ =	sdelay $0x1  }
0x13: {  	(ifvalue) =	ssetifvalue $0x7FFFFFFF;
	s14 =	sadd.s32 $0x10, s14  }
0x14: {  	[tilespmem:s14], [sflag:$0x1] =	stream.indirect_vreg.gather [hbm4b:s4+s10], $0x1, v0, vm0, $0x4038;
	[tilespmem:$0x100] =	vst v63  }
0x15: {  	(ifvalue) =	ssetifvalue $0x7FFFFFFF;
	s14 =	sadd.s32 $0x10, s14  }
0x16: {  	[tilespmem:s14], [sflag:$0x1] =	stream.indirect_vreg.gather [hbm4b:s4+s10], $0x1, v1, vm0, $0x4038;
	[tilespmem:$0x100] =	vst v63  }
0x17: {  	_ =	swait.ge [sflag:s6], $0x40  }
0x18: {  	s30 =	sshrl.u32 s13, $0x3;
	[sflag:s6] =	ssyncset.done $0x0  }
0x19: {  	s31 =	sand.u32 $0x7, s13;
	s14 =	sadd.s32 s2, s30;
	[sflag:s6] =	ssyncadd.s32 $0xFFFFFFC0  }
0x1a: {  	[hbm4b:s14+s31] =	stream.linear.scatter [tilespmem:s15], [sflag:$0x3], $0x40, $0x38;
	[tilespmem:$0x100] =	vst v63  }
.LBB2_5:
0x1b: {  	s15 =	sadd.s32 $0x800, s11  }
0x1c: {  	p2 =	sgt.s32 s15, $0xFFF  }
0x1d: {  	s15 =	smov.u32 @p2 s3;
	p2 =	sne.s32 s12, s9  }
.Ltmp1:
0x1e: {  	p1 =	slt.u32 s12, $0x2;
	(pc) =	sbr.rel @!p2 .LBB2_6-.Ltmp1, $4  }
0x1f: {  	s14 =	simm.s32 @!p1 $0x3  }
0x20: {  	s16 =	sadd.s32 $0x1, s12;
	_ =	swait.ge @!p1 [sflag:s14], $0x40  }
0x21: {  	s13 =	smov.u32 s11;
	p0 =	por !p0, !p0;
	[sflag:s14] =	ssyncset.done @!p1 $0x0  }
0x22: {  	s12 =	smov.u32 s16;
	s11 =	smov.u32 s15;
	[sflag:s14] =	ssyncadd.s32 @!p1 $0xFFFFFFC0  }
.LBB2_1:
0x23: {  	p1 =	sge.u32 s12, s8  }
0x24: {  	s14 =	sxor.u32 @!p1 $0xFFFFFFFF, s12  }
0x25: {  	s31 =	sadd.s32 $0xFFFFFFFF, s12;
	s15 =	sshrl.u32 @!p1 s11, $0x3;
	s14 =	sshll.u32 @!p1 s14, $0x6  }
0x26: {  	s16 =	sand.u32 @!p1 $0x7, s11;
	s15 =	sadd.s32 @!p1 s5, s15;
	s14 =	sand.u32 @!p1 $0x40, s14  }
0x27: {  	[tilespmem:s14], [sflag:$0x2] =	stream.linear.gather @!p1 [hbm4b:s15+s16], $0x40, $0x38;
	[tilespmem:$0x100] =	vst v63  }
0x28: {  	p1 =	sge.u32 s31, s8  }
.Ltmp2:
0x29: {  	_ = 	snop;
	(pc) =	sbr.rel @p1 .LBB2_5-.Ltmp2, $1  }
0x2a: {  	_ =	sdelay $0x3  }
0x2b: {  	s14 =	simm.s32 $0x1  }
0x2c: {  	_ =	swait.ge [sflag:s7], $0x40;
	s14 =	simm.s32 @!p0 $0x0  }
0x2d: {  	[sflag:s7] =	ssyncset.done $0x0;
	s14 =	sshll.u32 s14, $0x6  }
0x2e: {  	[sflag:s7] =	ssyncadd.s32 $0xFFFFFFC0;
	(ifvalue) =	ssetifvalue $0x7FFFFFFF;
	v0 =	vld.msk [tilespmem:s14+$0x0 ss:$0x1], $0xffff;
	_ =	sdelay $0x4  }
0x2f: {  	s15 =	sadd.s32 $0x10, s14;
	v1 =	vshrl.u32 v0, $0x1  }
0x30: {  	v2 =	vld.msk [tilespmem:s15+$0x0 ss:$0x1], $0xffff;
	vm1 =	veq.s32 v0, $0x80000000;
	v1 =	vand.u32 $0x7FF, v1  }
0x31: {  	v0 =	vand.u32 $0x1, v0;
	v1 =	vsel vm1, $0xFFFFFFFF, v1  }
0x32: {  	v0 =	vsel vm1, $0xFFFFFFFF, v0;
	v3 =	vshll.u32 v1, $0x1  }
0x33: {  	v4 =	vand.u32 $0xFFFFF000, v0;
	v0 =	vshll.u32 v0, $0x7;
	v3 =	vand.u32 $0xFFFFFF00, v3  }
0x34: {  	v0 =	vand.u32 $0x80, v0;
	v3 =	vadd.s32 v4, v3  }
0x35: {  	v1 =	vand.u32 $0x7F, v1;
	v0 =	vor.u32 v0, v3;
	v3 =	vshrl.u32 v2, $0x1  }
0x36: {  	s17 =	sadd.s32 $0x10, s15;
	vm1 =	veq.s32 v2, $0x80000000;
	v0 =	vor.u32 v1, v0;
	v3 =	vand.u32 $0x7FF, v3  }
0x37: {  	v2 =	vand.u32 $0x1, v2;
	v1 =	vld.msk [tilespmem:s17+$0x0 ss:$0x1], $0xffff;
	v3 =	vsel vm1, $0xFFFFFFFF, v3  }
0x38: {  	v2 =	vsel vm1, $0xFFFFFFFF, v2;
	v63 =	vshll.u32 v3, $0x1  }
0x39: {  	s31 =	sshll.u32 s12, $0x6;
	v5 =	vand.u32 $0xFFFFF000, v2;
	v2 =	vshll.u32 v2, $0x7;
	v4 =	vand.u32 $0xFFFFFF00, v63  }
0x3a: {  	s14 =	sor.u32 $0x80, s14;
	s15 =	sand.u32 $0x40, s31;
	(ifvalue) =	ssetifvalue $0x7FFFFFFF;
	v2 =	vand.u32 $0x80, v2;
	v4 =	vadd.s32 v5, v4  }
0x3b: {  	[tilespmem:s14], [sflag:$0x1] =	stream.indirect_vreg.gather [hbm4b:s4+s10], $0x1, v0, vm0, $0x4038;
	v0 =	vand.u32 $0x7F, v3;
	v3 =	vor.u32 v2, v4;
	[tilespmem:$0x100] =	vst v63  }
0x3c: {  	s16 =	simm.s32 $0x20;
	s15 =	sor.u32 $0x80, s15;
	s17 =	sadd.s32 $0x10, s17;
	v2 =	vshrl.u32 v1, $0x1;
	v0 =	vor.u32 v0, v3  }
.LBB2_3:
0x3d: {  	v3 =	vld.msk [tilespmem:s17+$0x0 ss:$0x1], $0xffff;
	s16 =	sadd.s32 $0x10, s16;
	vm1 =	veq.s32 v1, $0x80000000;
	v2 =	vand.u32 $0x7FF, v2  }
0x3e: {  	v1 =	vand.u32 $0x1, v1;
	p1 =	slt.u32 s16, $0x30;
	v2 =	vsel vm1, $0xFFFFFFFF, v2  }
.Ltmp3:
0x3f: {  	v1 =	vsel vm1, $0xFFFFFFFF, v1;
	v4 =	vshll.u32 v2, $0x1;
	(pc) =	sbr.rel @p1 .LBB2_3-.Ltmp3, $4  }
0x40: {  	s14 =	sadd.s32 $0x10, s14;
	v5 =	vand.u32 $0xFFFFF000, v1;
	v1 =	vshll.u32 v1, $0x7;
	v4 =	vand.u32 $0xFFFFFF00, v4;
	(ifvalue) =	ssetifvalue $0x7FFFFFFF  }
0x41: {  	v4 =	vadd.s32 v5, v4;
	v5 =	vand.u32 $0x80, v1;
	[tilespmem:s14], [sflag:$0x1] =	stream.indirect_vreg.gather [hbm4b:s4+s10], $0x1, v0, vm0, $0x4038;
	[tilespmem:$0x100] =	vst v63  }
0x42: {  	v0 =	vand.u32 $0x7F, v2;
	v4 =	vor.u32 v5, v4  }
0x43: {  	s17 =	sadd.s32 $0x10, s17;
	v2 =	vshrl.u32 v3, $0x1;
	v1 =	vmov v3;
	v0 =	vor.u32 v0, v4  }
.Ltmp4:
0x44: {  	_ = 	snop;
	(pc) =	sbr.rel .LBB2_4-.Ltmp4, $1  }
0x45: {  	_ =	sdelay $0x3  }
.LBB2_6:
0x46: {  	_ =	sfence.sel $0x180000  }
0x47: {  	s2 =	simm.s32 $0x2;
	[bflag:$0x0] =	sbarrier.arrive $0xFFFF  }
0x48: {  	s30 =	simm.s32 $0x3;
	[sflag:s2] =	ssyncpa.u1 $0x1  }
0x49: {  	s31 =	simm.s32 $0x1;
	[sflag:s30] =	ssyncpa.u1 $0x1  }
0x4a: {  	[sflag:s31] =	ssyncpa.u1 $0x1  }
0x4b: {  	p0 =	sne.s32 s0, $0x0;
	_ =	strace $0x90000050  }
0x4c: {  	s0 =	sadd.s32 @!p0 $0x100000, s1;
	[bflag:$0x2] =	sbarrier.arrive $0xFFFF  }
0x4d: {  	[sflag:s0] =	ssyncadd.tile.s32 @!p0 $0x1;
	_ =	shalt  }
.Lfunc_end2:
_tile_overlayer_lowered:
.L_overlay_start_2:
0x4e: {  	(tag) =	ssettag $0x2  }
0x4f: {  	s0 =	rddreg [dreg:$0x0];
	s2 =	stileid.u32  }
0x50: {  	s1 =	rddreg [dreg:$0x1];
	p0 =	sne.s32 s2, $0x0  }
0x51: {  	s3 =	rddreg [dreg:$0x2];
	[bflag:$0x3] =	sbarrier.arrive $0xFFFF;
	s2 =	simm.s32 @!p0 $0x1C01  }
0x52: {  	[timem:s3], [sflag:s2] =	dma.local @!p0 [hbm:s0], s1  }
0x53: {  	s0 =	simm.s32 @!p0 $0x1  }
0x54: {  	_ =	swait.ge @!p0 [sflag:s0], s1  }
0x55: {  	s1 =	ssub.s32 @!p0 $0x0, s1;
	[sflag:s0] =	ssyncset.done @!p0 $0x0  }
0x56: {  	[sflag:s0] =	ssyncadd.s32 @!p0 s1  }
0x57: {  	[bflag:$0x3] =	sbarrier.arrive $0xFFFF  }
0x58: {  	_ =	shalt  }

// kernel: gather_offload_async_start.7
scs
__scs_entry_jumppad:
0x0: {  	(pc) =	sbr.rel $0x88, $3  }
0x1: {  	(tag) =	ssettag $0x0;
	lr =	simm.s32 $0x1  }
0x2: {  	[smem:$0x3F9E] =	sst lr;
	_ =	strace $0xD0000000  }
0x3: {  	_ = 	snop  }
0x4: {  	_ = 	snop  }
0x5: {  	_ = 	snop  }
0x6: {  	_ = 	snop  }
0x7: {  	_ = 	snop  }
__scs_overlays_trampoline_lowered:
0x8: {  	[smem:$0x3FAD] =	sst s0  }
0x9: {  	[smem:$0x3FAE] =	sst s1  }
0xa: {  	[smem:$0x3FAF] =	sst s2  }
0xb: {  	[smem:$0x3FB0] =	sst s3  }
0xc: {  	[smem:$0x3FB1] =	sst s4  }
0xd: {  	[smem:$0x3FB2] =	sst s5  }
0xe: {  	[smem:$0x3FB3] =	sst s6  }
0xf: {  	[smem:$0x3FB4] =	sst s7  }
0x10: {  	[smem:$0x3FB5] =	sst s8  }
0x11: {  	[smem:$0x3FB6] =	sst s9;
	s0 =	simm.s32 @!p0 $0x0  }
0x12: {  	s1 =	sld [smem:$0x3F9C];
	s0 =	simm.s32 @p0 $0x1  }
0x13: {  	[smem:$0x3FB7] =	sst s0;
	s0 =	simm.s32 @!p1 $0x0  }
0x14: {  	s2 =	sld [smem:$0x3F9B];
	s0 =	simm.s32 @p1 $0x1  }
0x15: {  	[smem:$0x3FB8] =	sst s0;
	s0 =	simm.s32 @!p2 $0x0  }
0x16: {  	s3 =	sld [smem:$0x3FDB];
	s0 =	simm.s32 @p2 $0x1  }
0x17: {  	s4 =	simm.s32 $0x1BF5;
	[smem:$0x3FBA] =	sst s0  }
0x18: {  	s0 =	sld [smem:$0x3F9D];
	_ =	swait.ge [sflag:s4], $0x0  }
0x19: {  	s7 =	sld [smem:$0x3F9E]  }
0x1a: {  	s8 =	sadd.s32 $0xFFFFE003, lr  }
0x1b: {  	s9 =	sadd.s32 $0xFFFFFEF7, lr;
	s5 =	simm.s32 $0xFFFFFFFF;
	p2 =	slt.u32 s8, $0xFFFFF086  }
0x1c: {  	p1 =	slt.u32 s9, $0xF7A;
	s5 =	simm.s32 @!p2 $0x0  }
0x1d: {  	s5 =	simm.s32 @p1 $0x1;
	p0 =	seq.s32 s7, s2  }
0x1e: {  	s7 =	smul.u32 @!p0 $0xF7A, s2;
	p2 =	seq.s32 @!p0 s5, $0x0  }
0x1f: {  	s9 =	smul.u32 $0xF7A, s1;
	s8 =	simm.s32 @!p0 $0x1BF5;
	p2 =	por !p2, p0  }
0x20: {  	[sflag:s8] =	ssyncset.s32 @!p0 $0xFFFFF086;
	s6 =	sadd.s32 @!p0 s3, s7;
	s7 =	simm.s32 @!p0 $0x108  }
0x21: {  	s3 =	sadd.s32 s3, s9;
	s6 =	sadd.s32 @!p0 $0x88, s6;
	s7 =	simm.s32 @p2 $0x1082  }
0x22: {  	[simem:s7], [sflag:s8] =	dma.local @!p0 [hbm:s6], $0xF7A  }
0x23: {  	s9 =	sor.u32 $0xD0000000, s2;
	s6 =	simm.s32 $0x108;
	_ =	swait.ge @!p0 [sflag:s8], $0x0  }
0x24: {  	s3 =	sadd.s32 $0x88, s3;
	s6 =	simm.s32 @!p1 $0x1082;
	[sflag:s4] =	ssyncset.s32 $0xFFFFF086  }
0x25: {  	[simem:s6], [sflag:s4] =	dma.local [hbm:s3], $0xF7A  }
0x26: {  	[smem:$0x3F9E] =	sst s1;
	(tag) =	ssettag s2;
	_ =	strace s9  }
0x27: {  	s1 =	sld [smem:$0x3FAE]  }
0x28: {  	s2 =	sld [smem:$0x3FAF]  }
0x29: {  	s4 =	sld [smem:$0x3FB1]  }
0x2a: {  	p0 =	seq.s32 s5, $0x0;
	s5 =	sld [smem:$0x3FB2]  }
0x2b: {  	s6 =	sld [smem:$0x3FB3]  }
0x2c: {  	s7 =	sld [smem:$0x3FB4]  }
0x2d: {  	s3 =	simm.s32 $0x108;
	s8 =	sld [smem:$0x3FB5]  }
0x2e: {  	s3 =	simm.s32 @!p0 $0x1082;
	s9 =	sld [smem:$0x3FB6]  }
0x2f: {  	lr =	sadd.s32 s0, s3;
	s0 =	sld [smem:$0x3FAD]  }
0x30: {  	s3 =	sld [smem:$0x3FB0]  }
0x31: {  	[smem:$0x3FB9] =	sst s10  }
0x32: {  	s10 =	sld [smem:$0x3FB7];
	_ =	sdelay $0x3  }
0x33: {  	p0 =	seq.s32 s10, $0x1;
	s10 =	sld [smem:$0x3FB9];
	_ =	sdelay $0x3  }
0x34: {  	[smem:$0x3FB9] =	sst s10  }
0x35: {  	s10 =	sld [smem:$0x3FB8];
	_ =	sdelay $0x3  }
0x36: {  	p1 =	seq.s32 s10, $0x1;
	s10 =	sld [smem:$0x3FB9];
	_ =	sdelay $0x3  }
0x37: {  	[smem:$0x3FB9] =	sst s10  }
0x38: {  	s10 =	sld [smem:$0x3FBA]  }
0x39: {  	_ = 	snop;
	(pc) =	sbr.ind lr, $3  }
0x3a: {  	_ = 	snop  }
0x3b: {  	_ = 	snop  }
0x3c: {  	p2 =	seq.s32 s10, $0x1;
	s10 =	sld [smem:$0x3FB9]  }
0x3d: {  	_ =	shalt  }
0x3e: {  	_ =	shalt  }
0x3f: {  	_ =	shalt  }
0x40: {  	_ =	shalt  }
0x41: {  	_ =	shalt  }
0x42: {  	_ =	shalt  }
0x43: {  	_ =	shalt  }
0x44: {  	_ =	shalt  }
0x45: {  	_ =	shalt  }
0x46: {  	_ =	shalt  }
0x47: {  	_ =	shalt  }
0x48: {  	_ =	shalt  }
0x49: {  	_ =	shalt  }
0x4a: {  	_ =	shalt  }
0x4b: {  	_ =	shalt  }
0x4c: {  	_ =	shalt  }
0x4d: {  	_ =	shalt  }
0x4e: {  	_ =	shalt  }
0x4f: {  	_ =	shalt  }
0x50: {  	_ =	shalt  }
0x51: {  	_ =	shalt  }
0x52: {  	_ =	shalt  }
0x53: {  	_ =	shalt  }
0x54: {  	_ =	shalt  }
0x55: {  	_ =	shalt  }
0x56: {  	_ =	shalt  }
0x57: {  	_ =	shalt  }
0x58: {  	_ =	shalt  }
0x59: {  	_ =	shalt  }
0x5a: {  	_ =	shalt  }
0x5b: {  	_ =	shalt  }
0x5c: {  	_ =	shalt  }
0x5d: {  	_ =	shalt  }
0x5e: {  	_ =	shalt  }
0x5f: {  	_ =	shalt  }
0x60: {  	_ =	shalt  }
0x61: {  	_ =	shalt  }
0x62: {  	_ =	shalt  }
0x63: {  	_ =	shalt  }
0x64: {  	_ =	shalt  }
0x65: {  	_ =	shalt  }
0x66: {  	_ =	shalt  }
0x67: {  	_ =	shalt  }
0x68: {  	_ =	shalt  }
0x69: {  	_ =	shalt  }
0x6a: {  	_ =	shalt  }
0x6b: {  	_ =	shalt  }
0x6c: {  	_ =	shalt  }
0x6d: {  	_ =	shalt  }
0x6e: {  	_ =	shalt  }
0x6f: {  	_ =	shalt  }
0x70: {  	_ =	shalt  }
0x71: {  	_ =	shalt  }
0x72: {  	_ =	shalt  }
0x73: {  	_ =	shalt  }
0x74: {  	_ =	shalt  }
0x75: {  	_ =	shalt  }
0x76: {  	_ =	shalt  }
0x77: {  	_ =	shalt  }
0x78: {  	_ =	shalt  }
0x79: {  	_ =	shalt  }
0x7a: {  	_ =	shalt  }
0x7b: {  	_ =	shalt  }
0x7c: {  	_ =	shalt  }
0x7d: {  	_ =	shalt  }
0x7e: {  	_ =	shalt  }
0x7f: {  	_ =	shalt  }
0x80: {  	_ =	shalt  }
0x81: {  	_ =	shalt  }
0x82: {  	_ =	shalt  }
0x83: {  	_ =	shalt  }
0x84: {  	_ =	shalt  }
0x85: {  	_ =	shalt  }
0x86: {  	_ =	shalt  }
0x87: {  	_ =	shalt  }
.Lfunc_end0:
.L_simem_size_0:
called_computation.7_lowered:
.L_overlay_start_0:
0x88: {  	s2 =	sld [smem:$0x3FD9]  }
0x89: {  	s3 =	sld [smem:$0x3FFE];
	_ =	sdelay $0x1  }
0x8a: {  	s1 =	srdreg.scid  }
0x8b: {  	s0 =	sand.u32 $0x1, s1  }
0x8c: {  	s17 =	sshll.u32 s0, $0xA;
	s2 =	sadd.s32 s3, s2  }
0x8d: {  	s2 =	sadd.s32 s2, s17  }
0x8e: {  	[smem:$0x3FC5] =	sst s2  }
0x8f: {  	_ = 	snop  }
0x90: {  	s2 =	sld [smem:$0x3FD0];
	(tm) =	ssettm $0x1  }
0x91: {  	s18 =	sld [smem:$0x3FFB];
	_ =	sdelay $0x3  }
0x92: {  	_ =	strace s18  }
0x93: {  	s3 =	sld [smem:$0x3FFC];
	_ =	sdelay $0x3  }
0x94: {  	_ =	strace s3  }
0x95: {  	s3 =	sld [smem:$0x3FFD];
	_ =	sdelay $0x3  }
0x96: {  	_ =	strace s3  }
0x97: {  	_ =	strace $0x8FFFFFFF  }
0x98: {  	s19 =	sld [smem:$0x3FDB];
	_ =	sdelay $0x1  }
0x99: {  	s4 =	simm.s32 $_scs_section_size  }
0x9a: {  	s5 =	simm.s32 $_size__tile_overlayer_lowered;
	s6 =	simm.s32 $_tile_overlayer_lowered  }
0x9b: {  	s22 =	simm.s32 $0x1BFF;
	s21 =	sshll.u32 s6, $0x1;
	s3 =	sadd.s32 s4, s19  }
0x9c: {  	s7 =	simm.s32 $0x0;
	s20 =	sshll.u32 s5, $0x1;
	s5 =	sadd.s32 s21, s3  }
0x9d: {  	[timem:s7], [sflag:s22] =	dma.local [hbm:s5], s20  }
0x9e: {  	_ =	swait.ge [sflag:s22], s20  }
0x9f: {  	s4 =	ssub.s32 $0x0, s20;
	[sflag:s22] =	ssyncset.done $0x0  }
0xa0: {  	[sflag:s22] =	ssyncadd.s32 s4;
	_ =	sdelay $0x1  }
0xa1: {  	s23 =	simm.s32 $0x1B8B  }
0xa2: {  	_ =	swait.ge [sflag:s23], $0x1  }
0xa3: {  	[sflag:s23] =	ssyncset.done $0x0  }
0xa4: {  	s25 =	simm.s32 $0x1B8E;
	s24 =	sld [smem:$0x3FFE];
	[sflag:s23] =	ssyncadd.s32 $0xFFFFFFFF  }
0xa5: {  	s26 =	simm.s32 $execute0_lowered;
	[smem:$0x3FD2] =	sst s25  }
0xa6: {  	s5 =	sshll.u32 s26, $0x1;
	_ =	strace $0x8000004C;
	[dreg:$0x1] =	wrdreg $0xFFFFFFFF  }
0xa7: {  	s28 =	simm.s32 $_size_execute0_lowered;
	s3 =	sadd.s32 s3, s5;
	[dreg:$0x0] =	wrdreg $0x0  }
0xa8: {  	s5 =	sshll.u32 s28, $0x1;
	[dreg:$0x2] =	wrdreg s3  }
0xa9: {  	[dreg:$0x3] =	wrdreg s5  }
0xaa: {  	[dreg:$0x4] =	wrdreg $0xC0  }
0xab: {  	_ =	task [dreg:s7], $0x5FFFF  }
0xac: {  	[dreg:$0x1] =	wrdreg $0xFFFFFFFF  }
0xad: {  	[dreg:$0x0] =	wrdreg $0x60  }
0xae: {  	[dreg:$0x2] =	wrdreg s2  }
0xaf: {  	[dreg:$0x3] =	wrdreg s24  }
0xb0: {  	[dreg:$0x4] =	wrdreg $0x9  }
0xb1: {  	_ =	task.clear_ibuf [dreg:s7], $0x5FFFF;
	_ =	strace $0x9000004C  }
0xb2: {  	s29 =	simm.s32 $0x9;
	_ =	strace $0x8000004E  }
0xb3: {  	_ =	swait.ge [sflag:s29], $0x1  }
0xb4: {  	[sflag:s29] =	ssyncadd.s32 $0xFFFFFFFF  }
0xb5: {  	_ =	strace $0x9000004E  }
0xb6: {  	_ =	sfence  }
0xb7: {  	s30 =	sld [smem:$0x0];
	_ =	sdelay $0x2  }
0xb8: {  	s31 =	sshll.u32 s1, $0xD;
	s1 =	sshrl.u32 s1, $0x2  }
0xb9: {  	s3 =	sand.u32 $0x4000, s31;
	s1 =	sadd.s32 s1, s30  }
0xba: {  	s0 =	sor.u32 s3, s0;
	s1 =	sshll.u32 s1, $0x11  }
0xbb: {  	s0 =	sor.u32 s1, s0  }
0xbc: {  	s0 =	sadd.s32 $0x8F2B, s0  }
0xbd: {  	[sflag:s0] =	ssyncadd.remote.s32 $0x1  }
0xbe: {  	_ =	sfence.sel $0xFFFF  }
0xbf: {  	[dreg:$0x0] =	wrdreg $0xFFFFFFFF;
	(pc) =	sbr.abs _section_cstart, $3  }
0xc0: {  	[dreg:$0x1] =	wrdreg $0xFFFFFFFF  }
0xc1: {  	_ =	task.clear_ibuf [dreg:s7], $0x2FFFF;
	_ =	strace $0x9FFFFFFF  }
0xc2: {  	(tm) =	ssettm $0x7FFFFFFF  }
0xc3: {  	_ =	shalt  }
tec
execute0_lowered:
.L_overlay_start_1:
0x0: {  	(tag) =	ssettag $0x1  }
0x1: {  	s1 =	srdreg.scid;
	s2 =	rddreg [dreg:$0x0]  }
0x2: {  	s0 =	stileid.u32;
	s5 =	rddreg [dreg:$0x1];
	s6 =	simm.s32 $0x1  }
0x3: {  	s9 =	simm.s32 $0x1;
	s10 =	simm.s32 $0x3;
	s1 =	sshll.u32 s1, $0x6  }
0x4: {  	s13 =	simm.s32 $0x0;
	s3 =	sshll.u32 s0, $0x7;
	s4 =	sand.u32 $0x40, s1  }
0x5: {  	s12 =	simm.s32 $0x0;
	s1 =	rddreg [dreg:$0x2];
	s3 =	sor.u32 s3, s4  }
0x6: {  	_ =	strace $0x8000004D;
	s4 =	sadd.s32 $0xA00, s5;
	s8 =	ssub.s32 $0x1000, s3  }
.Ltmp0:
0x7: {  	s5 =	sadd.s32 $0xC00, s5;
	s7 =	sand.u32 $0x7C0, s8;
	(pc) =	sbr.rel .LBB2_1-.Ltmp0, $4  }
0x8: {  	[sflag:s6] =	ssyncpa.u1 $0x0;
	s11 =	smov.u32 s3;
	p0 =	sne.s32 s7, $0x0  }
0x9: {  	s8 =	sshrl.u32 s8, $0xB;
	s7 =	simm.s32 $0x2;
	s9 =	simm.s32 @!p0 $0x0  }
0xa: {  	[sflag:s7] =	ssyncpa.u1 $0x0;
	p0 =	por $0x0, $0x0;
	s8 =	sadd.s32 s9, s8  }
0xb: {  	vm0 =	vmmov $0xffff;
	[sflag:s10] =	ssyncpa.u1 $0x0;
	s10 =	simm.s32 $0x0;
	s9 =	sadd.s32 $0x1, s8  }
.LBB2_4:
0xc: {  	vm1 =	veq.s32 v1, $0x80000000;
	v2 =	vand.u32 $0x7FF, v2  }
0xd: {  	v63 =	vand.u32 $0x1, v1;
	v2 =	vsel vm1, $0xFFFFFFFF, v2  }
0xe: {  	v1 =	vsel vm1, $0xFFFFFFFF, v63;
	v3 =	vshll.u32 v2, $0x1  }
0xf: {  	v4 =	vand.u32 $0xFFFFF000, v1;
	v1 =	vshll.u32 v1, $0x7;
	v3 =	vand.u32 $0xFFFFFF00, v3  }
0x10: {  	v1 =	vand.u32 $0x80, v1;
	v3 =	vadd.s32 v4, v3  }
0x11: {  	v2 =	vand.u32 $0x7F, v2;
	v1 =	vor.u32 v1, v3  }
0x12: {  	v1 =	vor.u32 v2, v1;
	_ =	sdelay $0x1  }
0x13: {  	(ifvalue) =	ssetifvalue $0x7FFFFFFF;
	s14 =	sadd.s32 $0x10, s14  }
0x14: {  	[tilespmem:s14], [sflag:$0x1] =	stream.indirect_vreg.gather [hbm4b:s2+s10], $0x1, v0, vm0, $0x4038;
	[tilespmem:$0x100] =	vst v63  }
0x15: {  	(ifvalue) =	ssetifvalue $0x7FFFFFFF;
	s14 =	sadd.s32 $0x10, s14  }
0x16: {  	[tilespmem:s14], [sflag:$0x1] =	stream.indirect_vreg.gather [hbm4b:s2+s10], $0x1, v1, vm0, $0x4038;
	[tilespmem:$0x100] =	vst v63  }
0x17: {  	_ =	swait.ge [sflag:s6], $0x40  }
0x18: {  	s30 =	sshrl.u32 s13, $0x3;
	[sflag:s6] =	ssyncset.done $0x0  }
0x19: {  	s31 =	sand.u32 $0x7, s13;
	s14 =	sadd.s32 s5, s30;
	[sflag:s6] =	ssyncadd.s32 $0xFFFFFFC0  }
0x1a: {  	[hbm4b:s14+s31] =	stream.linear.scatter [tilespmem:s15], [sflag:$0x3], $0x40, $0x38;
	[tilespmem:$0x100] =	vst v63  }
.LBB2_5:
0x1b: {  	s15 =	sadd.s32 $0x800, s11  }
0x1c: {  	p2 =	sgt.s32 s15, $0xFFF  }
0x1d: {  	s15 =	smov.u32 @p2 s3;
	p2 =	sne.s32 s12, s9  }
.Ltmp1:
0x1e: {  	p1 =	slt.u32 s12, $0x2;
	(pc) =	sbr.rel @!p2 .LBB2_6-.Ltmp1, $4  }
0x1f: {  	s14 =	simm.s32 @!p1 $0x3  }
0x20: {  	s16 =	sadd.s32 $0x1, s12;
	_ =	swait.ge @!p1 [sflag:s14], $0x40  }
0x21: {  	s13 =	smov.u32 s11;
	p0 =	por !p0, !p0;
	[sflag:s14] =	ssyncset.done @!p1 $0x0  }
0x22: {  	s12 =	smov.u32 s16;
	s11 =	smov.u32 s15;
	[sflag:s14] =	ssyncadd.s32 @!p1 $0xFFFFFFC0  }
.LBB2_1:
0x23: {  	p1 =	sge.u32 s12, s8  }
0x24: {  	s14 =	sxor.u32 @!p1 $0xFFFFFFFF, s12  }
0x25: {  	s31 =	sadd.s32 $0xFFFFFFFF, s12;
	s15 =	sshrl.u32 @!p1 s11, $0x3;
	s14 =	sshll.u32 @!p1 s14, $0x6  }
0x26: {  	s16 =	sand.u32 @!p1 $0x7, s11;
	s15 =	sadd.s32 @!p1 s4, s15;
	s14 =	sand.u32 @!p1 $0x40, s14  }
0x27: {  	[tilespmem:s14], [sflag:$0x2] =	stream.linear.gather @!p1 [hbm4b:s15+s16], $0x40, $0x38;
	[tilespmem:$0x100] =	vst v63  }
0x28: {  	p1 =	sge.u32 s31, s8  }
.Ltmp2:
0x29: {  	_ = 	snop;
	(pc) =	sbr.rel @p1 .LBB2_5-.Ltmp2, $1  }
0x2a: {  	_ =	sdelay $0x3  }
0x2b: {  	s14 =	simm.s32 $0x1  }
0x2c: {  	_ =	swait.ge [sflag:s7], $0x40;
	s14 =	simm.s32 @!p0 $0x0  }
0x2d: {  	[sflag:s7] =	ssyncset.done $0x0;
	s14 =	sshll.u32 s14, $0x6  }
0x2e: {  	[sflag:s7] =	ssyncadd.s32 $0xFFFFFFC0;
	(ifvalue) =	ssetifvalue $0x7FFFFFFF;
	v0 =	vld.msk [tilespmem:s14+$0x0 ss:$0x1], $0xffff;
	_ =	sdelay $0x4  }
0x2f: {  	s15 =	sadd.s32 $0x10, s14;
	v1 =	vshrl.u32 v0, $0x1  }
0x30: {  	v2 =	vld.msk [tilespmem:s15+$0x0 ss:$0x1], $0xffff;
	vm1 =	veq.s32 v0, $0x80000000;
	v1 =	vand.u32 $0x7FF, v1  }
0x31: {  	v0 =	vand.u32 $0x1, v0;
	v1 =	vsel vm1, $0xFFFFFFFF, v1  }
0x32: {  	v0 =	vsel vm1, $0xFFFFFFFF, v0;
	v3 =	vshll.u32 v1, $0x1  }
0x33: {  	v4 =	vand.u32 $0xFFFFF000, v0;
	v0 =	vshll.u32 v0, $0x7;
	v3 =	vand.u32 $0xFFFFFF00, v3  }
0x34: {  	v0 =	vand.u32 $0x80, v0;
	v3 =	vadd.s32 v4, v3  }
0x35: {  	v1 =	vand.u32 $0x7F, v1;
	v0 =	vor.u32 v0, v3;
	v3 =	vshrl.u32 v2, $0x1  }
0x36: {  	s17 =	sadd.s32 $0x10, s15;
	vm1 =	veq.s32 v2, $0x80000000;
	v0 =	vor.u32 v1, v0;
	v3 =	vand.u32 $0x7FF, v3  }
0x37: {  	v2 =	vand.u32 $0x1, v2;
	v1 =	vld.msk [tilespmem:s17+$0x0 ss:$0x1], $0xffff;
	v3 =	vsel vm1, $0xFFFFFFFF, v3  }
0x38: {  	v2 =	vsel vm1, $0xFFFFFFFF, v2;
	v63 =	vshll.u32 v3, $0x1  }
0x39: {  	s31 =	sshll.u32 s12, $0x6;
	v5 =	vand.u32 $0xFFFFF000, v2;
	v2 =	vshll.u32 v2, $0x7;
	v4 =	vand.u32 $0xFFFFFF00, v63  }
0x3a: {  	s14 =	sor.u32 $0x80, s14;
	s15 =	sand.u32 $0x40, s31;
	(ifvalue) =	ssetifvalue $0x7FFFFFFF;
	v2 =	vand.u32 $0x80, v2;
	v4 =	vadd.s32 v5, v4  }
0x3b: {  	[tilespmem:s14], [sflag:$0x1] =	stream.indirect_vreg.gather [hbm4b:s2+s10], $0x1, v0, vm0, $0x4038;
	v0 =	vand.u32 $0x7F, v3;
	v3 =	vor.u32 v2, v4;
	[tilespmem:$0x100] =	vst v63  }
0x3c: {  	s16 =	simm.s32 $0x20;
	s15 =	sor.u32 $0x80, s15;
	s17 =	sadd.s32 $0x10, s17;
	v2 =	vshrl.u32 v1, $0x1;
	v0 =	vor.u32 v0, v3  }
.LBB2_3:
0x3d: {  	v3 =	vld.msk [tilespmem:s17+$0x0 ss:$0x1], $0xffff;
	s16 =	sadd.s32 $0x10, s16;
	vm1 =	veq.s32 v1, $0x80000000;
	v2 =	vand.u32 $0x7FF, v2  }
0x3e: {  	v1 =	vand.u32 $0x1, v1;
	p1 =	slt.u32 s16, $0x30;
	v2 =	vsel vm1, $0xFFFFFFFF, v2  }
.Ltmp3:
0x3f: {  	v1 =	vsel vm1, $0xFFFFFFFF, v1;
	v4 =	vshll.u32 v2, $0x1;
	(pc) =	sbr.rel @p1 .LBB2_3-.Ltmp3, $4  }
0x40: {  	s14 =	sadd.s32 $0x10, s14;
	v5 =	vand.u32 $0xFFFFF000, v1;
	v1 =	vshll.u32 v1, $0x7;
	v4 =	vand.u32 $0xFFFFFF00, v4;
	(ifvalue) =	ssetifvalue $0x7FFFFFFF  }
0x41: {  	v4 =	vadd.s32 v5, v4;
	v5 =	vand.u32 $0x80, v1;
	[tilespmem:s14], [sflag:$0x1] =	stream.indirect_vreg.gather [hbm4b:s2+s10], $0x1, v0, vm0, $0x4038;
	[tilespmem:$0x100] =	vst v63  }
0x42: {  	v0 =	vand.u32 $0x7F, v2;
	v4 =	vor.u32 v5, v4  }
0x43: {  	s17 =	sadd.s32 $0x10, s17;
	v2 =	vshrl.u32 v3, $0x1;
	v1 =	vmov v3;
	v0 =	vor.u32 v0, v4  }
.Ltmp4:
0x44: {  	_ = 	snop;
	(pc) =	sbr.rel .LBB2_4-.Ltmp4, $1  }
0x45: {  	_ =	sdelay $0x3  }
.LBB2_6:
0x46: {  	_ =	sfence.sel $0x180000  }
0x47: {  	s2 =	simm.s32 $0x2;
	[bflag:$0x0] =	sbarrier.arrive $0xFFFF  }
0x48: {  	s30 =	simm.s32 $0x3;
	[sflag:s2] =	ssyncpa.u1 $0x1  }
0x49: {  	s31 =	simm.s32 $0x1;
	[sflag:s30] =	ssyncpa.u1 $0x1  }
0x4a: {  	[sflag:s31] =	ssyncpa.u1 $0x1  }
0x4b: {  	p0 =	sne.s32 s0, $0x0;
	_ =	strace $0x9000004D  }
0x4c: {  	s0 =	sadd.s32 @!p0 $0x100000, s1;
	[bflag:$0x2] =	sbarrier.arrive $0xFFFF  }
0x4d: {  	[sflag:s0] =	ssyncadd.tile.s32 @!p0 $0x1;
	_ =	shalt  }
.Lfunc_end2:
_tile_overlayer_lowered:
.L_overlay_start_2:
0x4e: {  	(tag) =	ssettag $0x2  }
0x4f: {  	s0 =	rddreg [dreg:$0x0];
	s2 =	stileid.u32  }
0x50: {  	s1 =	rddreg [dreg:$0x1];
	p0 =	sne.s32 s2, $0x0  }
0x51: {  	s3 =	rddreg [dreg:$0x2];
	[bflag:$0x3] =	sbarrier.arrive $0xFFFF;
	s2 =	simm.s32 @!p0 $0x1C01  }
0x52: {  	[timem:s3], [sflag:s2] =	dma.local @!p0 [hbm:s0], s1  }
0x53: {  	s0 =	simm.s32 @!p0 $0x1  }
0x54: {  	_ =	swait.ge @!p0 [sflag:s0], s1  }
0x55: {  	s1 =	ssub.s32 @!p0 $0x0, s1;
	[sflag:s0] =	ssyncset.done @!p0 $0x0  }
0x56: {  	[sflag:s0] =	ssyncadd.s32 @!p0 s1  }
0x57: {  	[bflag:$0x3] =	sbarrier.arrive $0xFFFF  }
0x58: {  	_ =	shalt  }

// kernel: gather_offload_async_start.8
scs
__scs_entry_jumppad:
0x0: {  	(pc) =	sbr.rel $0x88, $3  }
0x1: {  	(tag) =	ssettag $0x0;
	lr =	simm.s32 $0x1  }
0x2: {  	[smem:$0x3F9E] =	sst lr;
	_ =	strace $0xD0000000  }
0x3: {  	_ = 	snop  }
0x4: {  	_ = 	snop  }
0x5: {  	_ = 	snop  }
0x6: {  	_ = 	snop  }
0x7: {  	_ = 	snop  }
__scs_overlays_trampoline_lowered:
0x8: {  	[smem:$0x3FAD] =	sst s0  }
0x9: {  	[smem:$0x3FAE] =	sst s1  }
0xa: {  	[smem:$0x3FAF] =	sst s2  }
0xb: {  	[smem:$0x3FB0] =	sst s3  }
0xc: {  	[smem:$0x3FB1] =	sst s4  }
0xd: {  	[smem:$0x3FB2] =	sst s5  }
0xe: {  	[smem:$0x3FB3] =	sst s6  }
0xf: {  	[smem:$0x3FB4] =	sst s7  }
0x10: {  	[smem:$0x3FB5] =	sst s8  }
0x11: {  	[smem:$0x3FB6] =	sst s9;
	s0 =	simm.s32 @!p0 $0x0  }
0x12: {  	s1 =	sld [smem:$0x3F9C];
	s0 =	simm.s32 @p0 $0x1  }
0x13: {  	[smem:$0x3FB7] =	sst s0;
	s0 =	simm.s32 @!p1 $0x0  }
0x14: {  	s2 =	sld [smem:$0x3F9B];
	s0 =	simm.s32 @p1 $0x1  }
0x15: {  	[smem:$0x3FB8] =	sst s0;
	s0 =	simm.s32 @!p2 $0x0  }
0x16: {  	s3 =	sld [smem:$0x3FDB];
	s0 =	simm.s32 @p2 $0x1  }
0x17: {  	s4 =	simm.s32 $0x1BF5;
	[smem:$0x3FBA] =	sst s0  }
0x18: {  	s0 =	sld [smem:$0x3F9D];
	_ =	swait.ge [sflag:s4], $0x0  }
0x19: {  	s7 =	sld [smem:$0x3F9E]  }
0x1a: {  	s8 =	sadd.s32 $0xFFFFE003, lr  }
0x1b: {  	s9 =	sadd.s32 $0xFFFFFEF7, lr;
	s5 =	simm.s32 $0xFFFFFFFF;
	p2 =	slt.u32 s8, $0xFFFFF086  }
0x1c: {  	p1 =	slt.u32 s9, $0xF7A;
	s5 =	simm.s32 @!p2 $0x0  }
0x1d: {  	s5 =	simm.s32 @p1 $0x1;
	p0 =	seq.s32 s7, s2  }
0x1e: {  	s7 =	smul.u32 @!p0 $0xF7A, s2;
	p2 =	seq.s32 @!p0 s5, $0x0  }
0x1f: {  	s9 =	smul.u32 $0xF7A, s1;
	s8 =	simm.s32 @!p0 $0x1BF5;
	p2 =	por !p2, p0  }
0x20: {  	[sflag:s8] =	ssyncset.s32 @!p0 $0xFFFFF086;
	s6 =	sadd.s32 @!p0 s3, s7;
	s7 =	simm.s32 @!p0 $0x108  }
0x21: {  	s3 =	sadd.s32 s3, s9;
	s6 =	sadd.s32 @!p0 $0x88, s6;
	s7 =	simm.s32 @p2 $0x1082  }
0x22: {  	[simem:s7], [sflag:s8] =	dma.local @!p0 [hbm:s6], $0xF7A  }
0x23: {  	s9 =	sor.u32 $0xD0000000, s2;
	s6 =	simm.s32 $0x108;
	_ =	swait.ge @!p0 [sflag:s8], $0x0  }
0x24: {  	s3 =	sadd.s32 $0x88, s3;
	s6 =	simm.s32 @!p1 $0x1082;
	[sflag:s4] =	ssyncset.s32 $0xFFFFF086  }
0x25: {  	[simem:s6], [sflag:s4] =	dma.local [hbm:s3], $0xF7A  }
0x26: {  	[smem:$0x3F9E] =	sst s1;
	(tag) =	ssettag s2;
	_ =	strace s9  }
0x27: {  	s1 =	sld [smem:$0x3FAE]  }
0x28: {  	s2 =	sld [smem:$0x3FAF]  }
0x29: {  	s4 =	sld [smem:$0x3FB1]  }
0x2a: {  	p0 =	seq.s32 s5, $0x0;
	s5 =	sld [smem:$0x3FB2]  }
0x2b: {  	s6 =	sld [smem:$0x3FB3]  }
0x2c: {  	s7 =	sld [smem:$0x3FB4]  }
0x2d: {  	s3 =	simm.s32 $0x108;
	s8 =	sld [smem:$0x3FB5]  }
0x2e: {  	s3 =	simm.s32 @!p0 $0x1082;
	s9 =	sld [smem:$0x3FB6]  }
0x2f: {  	lr =	sadd.s32 s0, s3;
	s0 =	sld [smem:$0x3FAD]  }
0x30: {  	s3 =	sld [smem:$0x3FB0]  }
0x31: {  	[smem:$0x3FB9] =	sst s10  }
0x32: {  	s10 =	sld [smem:$0x3FB7];
	_ =	sdelay $0x3  }
0x33: {  	p0 =	seq.s32 s10, $0x1;
	s10 =	sld [smem:$0x3FB9];
	_ =	sdelay $0x3  }
0x34: {  	[smem:$0x3FB9] =	sst s10  }
0x35: {  	s10 =	sld [smem:$0x3FB8];
	_ =	sdelay $0x3  }
0x36: {  	p1 =	seq.s32 s10, $0x1;
	s10 =	sld [smem:$0x3FB9];
	_ =	sdelay $0x3  }
0x37: {  	[smem:$0x3FB9] =	sst s10  }
0x38: {  	s10 =	sld [smem:$0x3FBA]  }
0x39: {  	_ = 	snop;
	(pc) =	sbr.ind lr, $3  }
0x3a: {  	_ = 	snop  }
0x3b: {  	_ = 	snop  }
0x3c: {  	p2 =	seq.s32 s10, $0x1;
	s10 =	sld [smem:$0x3FB9]  }
0x3d: {  	_ =	shalt  }
0x3e: {  	_ =	shalt  }
0x3f: {  	_ =	shalt  }
0x40: {  	_ =	shalt  }
0x41: {  	_ =	shalt  }
0x42: {  	_ =	shalt  }
0x43: {  	_ =	shalt  }
0x44: {  	_ =	shalt  }
0x45: {  	_ =	shalt  }
0x46: {  	_ =	shalt  }
0x47: {  	_ =	shalt  }
0x48: {  	_ =	shalt  }
0x49: {  	_ =	shalt  }
0x4a: {  	_ =	shalt  }
0x4b: {  	_ =	shalt  }
0x4c: {  	_ =	shalt  }
0x4d: {  	_ =	shalt  }
0x4e: {  	_ =	shalt  }
0x4f: {  	_ =	shalt  }
0x50: {  	_ =	shalt  }
0x51: {  	_ =	shalt  }
0x52: {  	_ =	shalt  }
0x53: {  	_ =	shalt  }
0x54: {  	_ =	shalt  }
0x55: {  	_ =	shalt  }
0x56: {  	_ =	shalt  }
0x57: {  	_ =	shalt  }
0x58: {  	_ =	shalt  }
0x59: {  	_ =	shalt  }
0x5a: {  	_ =	shalt  }
0x5b: {  	_ =	shalt  }
0x5c: {  	_ =	shalt  }
0x5d: {  	_ =	shalt  }
0x5e: {  	_ =	shalt  }
0x5f: {  	_ =	shalt  }
0x60: {  	_ =	shalt  }
0x61: {  	_ =	shalt  }
0x62: {  	_ =	shalt  }
0x63: {  	_ =	shalt  }
0x64: {  	_ =	shalt  }
0x65: {  	_ =	shalt  }
0x66: {  	_ =	shalt  }
0x67: {  	_ =	shalt  }
0x68: {  	_ =	shalt  }
0x69: {  	_ =	shalt  }
0x6a: {  	_ =	shalt  }
0x6b: {  	_ =	shalt  }
0x6c: {  	_ =	shalt  }
0x6d: {  	_ =	shalt  }
0x6e: {  	_ =	shalt  }
0x6f: {  	_ =	shalt  }
0x70: {  	_ =	shalt  }
0x71: {  	_ =	shalt  }
0x72: {  	_ =	shalt  }
0x73: {  	_ =	shalt  }
0x74: {  	_ =	shalt  }
0x75: {  	_ =	shalt  }
0x76: {  	_ =	shalt  }
0x77: {  	_ =	shalt  }
0x78: {  	_ =	shalt  }
0x79: {  	_ =	shalt  }
0x7a: {  	_ =	shalt  }
0x7b: {  	_ =	shalt  }
0x7c: {  	_ =	shalt  }
0x7d: {  	_ =	shalt  }
0x7e: {  	_ =	shalt  }
0x7f: {  	_ =	shalt  }
0x80: {  	_ =	shalt  }
0x81: {  	_ =	shalt  }
0x82: {  	_ =	shalt  }
0x83: {  	_ =	shalt  }
0x84: {  	_ =	shalt  }
0x85: {  	_ =	shalt  }
0x86: {  	_ =	shalt  }
0x87: {  	_ =	shalt  }
.Lfunc_end0:
.L_simem_size_0:
called_computation.8_lowered:
.L_overlay_start_0:
0x88: {  	s0 =	sld [smem:$0x3FD9]  }
0x89: {  	s1 =	sld [smem:$0x3FFE];
	_ =	sdelay $0x3  }
0x8a: {  	s0 =	sadd.s32 s1, s0  }
0x8b: {  	[smem:$0x3FC5] =	sst s0  }
0x8c: {  	_ = 	snop  }
0x8d: {  	s0 =	sld [smem:$0x3FD0];
	(tm) =	ssettm $0x1  }
0x8e: {  	s16 =	sld [smem:$0x3FFB];
	_ =	sdelay $0x3  }
0x8f: {  	_ =	strace s16  }
0x90: {  	s1 =	sld [smem:$0x3FFC];
	_ =	sdelay $0x3  }
0x91: {  	_ =	strace s1  }
0x92: {  	s1 =	sld [smem:$0x3FFD];
	_ =	sdelay $0x3  }
0x93: {  	_ =	strace s1  }
0x94: {  	_ =	strace $0x8FFFFFFF  }
0x95: {  	s17 =	sld [smem:$0x3FDB];
	_ =	sdelay $0x1  }
0x96: {  	s2 =	simm.s32 $_scs_section_size  }
0x97: {  	s3 =	simm.s32 $_size__tile_overlayer_lowered;
	s4 =	simm.s32 $_tile_overlayer_lowered  }
0x98: {  	s20 =	simm.s32 $0x1BFF;
	s19 =	sshll.u32 s4, $0x1;
	s1 =	sadd.s32 s2, s17  }
0x99: {  	s5 =	simm.s32 $0x0;
	s18 =	sshll.u32 s3, $0x1;
	s3 =	sadd.s32 s19, s1  }
0x9a: {  	[timem:s5], [sflag:s20] =	dma.local [hbm:s3], s18  }
0x9b: {  	_ =	swait.ge [sflag:s20], s18  }
0x9c: {  	s2 =	ssub.s32 $0x0, s18;
	[sflag:s20] =	ssyncset.done $0x0  }
0x9d: {  	[sflag:s20] =	ssyncadd.s32 s2;
	_ =	sdelay $0x1  }
0x9e: {  	s21 =	simm.s32 $0x1B8B  }
0x9f: {  	_ =	swait.ge [sflag:s21], $0x1  }
0xa0: {  	[sflag:s21] =	ssyncset.done $0x0  }
0xa1: {  	s23 =	simm.s32 $0x1B8E;
	s22 =	sld [smem:$0x3FFE];
	[sflag:s21] =	ssyncadd.s32 $0xFFFFFFFF  }
0xa2: {  	s24 =	simm.s32 $execute0_lowered;
	[smem:$0x3FD2] =	sst s23  }
0xa3: {  	s3 =	sshll.u32 s24, $0x1;
	_ =	strace $0x8000005E;
	[dreg:$0x1] =	wrdreg $0xFFFFFFFF  }
0xa4: {  	s25 =	simm.s32 $_size_execute0_lowered;
	s1 =	sadd.s32 s1, s3;
	[dreg:$0x0] =	wrdreg $0x0  }
0xa5: {  	s3 =	sshll.u32 s25, $0x1;
	[dreg:$0x2] =	wrdreg s1  }
0xa6: {  	[dreg:$0x3] =	wrdreg s3  }
0xa7: {  	[dreg:$0x4] =	wrdreg $0xC0  }
0xa8: {  	_ =	task [dreg:s5], $0x5FFFF  }
0xa9: {  	[dreg:$0x1] =	wrdreg $0xFFFFFFFF  }
0xaa: {  	[dreg:$0x0] =	wrdreg $0x60  }
0xab: {  	[dreg:$0x2] =	wrdreg s0  }
0xac: {  	[dreg:$0x3] =	wrdreg s22  }
0xad: {  	[dreg:$0x4] =	wrdreg $0x9  }
0xae: {  	_ =	task.clear_ibuf [dreg:s5], $0x5FFFF;
	_ =	strace $0x9000005E  }
0xaf: {  	s26 =	simm.s32 $0x9;
	_ =	strace $0x80000060  }
0xb0: {  	_ =	swait.ge [sflag:s26], $0x1  }
0xb1: {  	[sflag:s26] =	ssyncadd.s32 $0xFFFFFFFF  }
0xb2: {  	_ =	strace $0x90000060  }
0xb3: {  	_ =	sfence  }
0xb4: {  	s28 =	sld [smem:$0x0];
	_ =	sdelay $0x1  }
0xb5: {  	s29 =	srdreg.scid  }
0xb6: {  	s30 =	sshll.u32 s29, $0xD;
	s31 =	sshrl.u32 s29, $0x2  }
0xb7: {  	s2 =	sand.u32 $0x4000, s30;
	s1 =	sand.u32 $0x1, s29;
	s0 =	sadd.s32 s31, s28  }
0xb8: {  	s1 =	sor.u32 s2, s1;
	s0 =	sshll.u32 s0, $0x11  }
0xb9: {  	s0 =	sor.u32 s0, s1  }
0xba: {  	s0 =	sadd.s32 $0x8F2B, s0  }
0xbb: {  	[sflag:s0] =	ssyncadd.remote.s32 $0x1  }
0xbc: {  	_ =	sfence.sel $0xFFFF  }
0xbd: {  	[dreg:$0x0] =	wrdreg $0xFFFFFFFF;
	(pc) =	sbr.abs _section_cstart, $3  }
0xbe: {  	[dreg:$0x1] =	wrdreg $0xFFFFFFFF  }
0xbf: {  	_ =	task.clear_ibuf [dreg:s5], $0x2FFFF;
	_ =	strace $0x9FFFFFFF  }
0xc0: {  	(tm) =	ssettm $0x7FFFFFFF  }
0xc1: {  	_ =	shalt  }
tec
execute0_lowered:
.L_overlay_start_1:
0x0: {  	(tag) =	ssettag $0x1  }
0x1: {  	s2 =	rddreg [dreg:$0x0]  }
0x2: {  	s8 =	rddreg [dreg:$0x1]  }
0x3: {  	s0 =	rddreg [dreg:$0x2]  }
0x4: {  	s1 =	stileid.u32;
	_ =	strace $0x8000005F;
	s5 =	simm.s32 $0x1  }
0x5: {  	s6 =	simm.s32 $0x500;
	s9 =	simm.s32 $0x1;
	s10 =	simm.s32 $0x3  }
0x6: {  	s13 =	simm.s32 $0x0;
	s12 =	simm.s32 $0x0;
	s4 =	smul.u32 $0x50, s1  }
0x7: {  	s3 =	sadd.s32 $0x600, s8;
	p0 =	slt.u32 s1, $0xA;
	[sflag:s5] =	ssyncpa.u1 $0x0  }
.Ltmp0:
0x8: {  	s6 =	simm.s32 @!p0 $0x0;
	s7 =	ssub.s32 $0x7D0, s4;
	(pc) =	sbr.rel .LBB2_1-.Ltmp0, $4  }
0x9: {  	s9 =	simm.s32 @!p0 $0x0;
	p0 =	sne.s32 s7, s6;
	s7 =	simm.s32 $0x1  }
0xa: {  	s8 =	sadd.s32 $0x800, s8;
	s6 =	simm.s32 $0x2;
	s7 =	simm.s32 @!p0 $0x0  }
0xb: {  	s11 =	smov.u32 s4;
	[sflag:s6] =	ssyncpa.u1 $0x0;
	s7 =	sadd.s32 s9, s7  }
0xc: {  	vm0 =	vmmov $0xffff;
	[sflag:s10] =	ssyncpa.u1 $0x0;
	s10 =	simm.s32 $0x0;
	s9 =	sadd.s32 $0x1, s7  }
.LBB2_4:
0xd: {  	v5 =	vld.msk [tilespmem:s18+$0x0 ss:$0x1], $0xffff  }
0xe: {  	v6 =	vand.u32 $0x1, v1;
	v7 =	vshrl.u32 v1, $0x1  }
0xf: {  	v3 =	vor.u32 v4, v3;
	vm1 =	veq.s32 v1, $0x80000000;
	v53 =	vand.u32 $0x7FF, v7  }
0x10: {  	v2 =	vor.u32 v2, v3;
	v54 =	vsel vm1, $0xFFFFFFFF, v6;
	v1 =	vsel vm1, $0xFFFFFFFF, v53  }
0x11: {  	v6 =	vshll.u32 v54, $0x7;
	v3 =	vand.u32 $0xFFFFF000, v54;
	v55 =	vand.u32 $0x7F, v1  }
0x12: {  	v1 =	vshll.u32 v1, $0x1;
	v6 =	vand.u32 $0x80, v6;
	v56 =	vshrl.u32 v5, $0x1  }
0x13: {  	v1 =	vand.u32 $0xFFFFFF00, v1;
	vm1 =	veq.s32 v5, $0x80000000;
	v57 =	vand.u32 $0x7FF, v56  }
0x14: {  	v1 =	vadd.s32 v3, v1;
	v5 =	vand.u32 $0x1, v5;
	v3 =	vsel vm1, $0xFFFFFFFF, v57  }
0x15: {  	v1 =	vor.u32 v6, v1;
	v5 =	vsel vm1, $0xFFFFFFFF, v5;
	v58 =	vshll.u32 v3, $0x1  }
0x16: {  	v59 =	vshll.u32 v5, $0x7;
	v5 =	vand.u32 $0xFFFFF000, v5;
	v6 =	vand.u32 $0xFFFFFF00, v58  }
0x17: {  	v1 =	vor.u32 v55, v1;
	v61 =	vand.u32 $0x80, v59;
	v60 =	vadd.s32 v5, v6  }
0x18: {  	[tilespmem:s16], [sflag:$0x1] =	stream.indirect_vreg.gather [hbm4b:s2+s10], $0x1, v0, vm0, $0x4038;
	v62 =	vand.u32 $0x7F, v3;
	v63 =	vor.u32 v61, v60;
	[tilespmem:$0x140] =	vst v63  }
0x19: {  	(ifvalue) =	ssetifvalue $0x7FFFFFFF;
	v0 =	vor.u32 v62, v63  }
0x1a: {  	[tilespmem:s15], [sflag:$0x1] =	stream.indirect_vreg.gather [hbm4b:s2+s10], $0x1, v2, vm0, $0x4038;
	[tilespmem:$0x140] =	vst v63  }
0x1b: {  	s29 =	sadd.s32 $0x10, s15;
	(ifvalue) =	ssetifvalue $0x7FFFFFFF  }
0x1c: {  	[tilespmem:s29], [sflag:$0x1] =	stream.indirect_vreg.gather [hbm4b:s2+s10], $0x1, v1, vm0, $0x4038;
	[tilespmem:$0x140] =	vst v63  }
0x1d: {  	s15 =	sadd.s32 $0x10, s29;
	(ifvalue) =	ssetifvalue $0x7FFFFFFF  }
0x1e: {  	[tilespmem:s15], [sflag:$0x1] =	stream.indirect_vreg.gather [hbm4b:s2+s10], $0x1, v0, vm0, $0x4038;
	[tilespmem:$0x140] =	vst v63  }
0x1f: {  	_ =	swait.ge [sflag:s5], $0x50  }
0x20: {  	s30 =	sshrl.u32 s13, $0x3;
	[sflag:s5] =	ssyncset.done $0x0  }
0x21: {  	s31 =	sand.u32 $0x7, s13;
	s15 =	sadd.s32 s8, s30;
	[sflag:s5] =	ssyncadd.s32 $0xFFFFFFB0  }
0x22: {  	[hbm4b:s15+s31] =	stream.linear.scatter [tilespmem:s14], [sflag:$0x3], $0x50, $0x38;
	[tilespmem:$0x140] =	vst v63  }
.LBB2_5:
0x23: {  	s15 =	sadd.s32 $0x500, s11  }
0x24: {  	p1 =	sgt.s32 s15, $0x7CF  }
0x25: {  	s15 =	smov.u32 @p1 s4;
	p1 =	sne.s32 s12, s9  }
.Ltmp1:
0x26: {  	p0 =	slt.u32 s12, $0x2;
	(pc) =	sbr.rel @!p1 .LBB2_6-.Ltmp1, $4  }
0x27: {  	s14 =	simm.s32 @!p0 $0x3  }
0x28: {  	_ =	swait.ge @!p0 [sflag:s14], $0x50  }
0x29: {  	s16 =	sadd.s32 $0x1, s12;
	s13 =	smov.u32 s11;
	[sflag:s14] =	ssyncset.done @!p0 $0x0  }
0x2a: {  	s12 =	smov.u32 s16;
	s11 =	smov.u32 s15;
	[sflag:s14] =	ssyncadd.s32 @!p0 $0xFFFFFFB0  }
.LBB2_1:
0x2b: {  	p0 =	sge.u32 s12, s7  }
0x2c: {  	s14 =	sxor.u32 @!p0 $0x1, s12  }
0x2d: {  	s14 =	smul.u32 @!p0 $0x140, s14  }
0x2e: {  	s31 =	sadd.s32 $0xFFFFFFFF, s12;
	s15 =	sshrl.u32 @!p0 s11, $0x3  }
0x2f: {  	s16 =	sand.u32 @!p0 $0x7, s11;
	s15 =	sadd.s32 @!p0 s3, s15;
	s14 =	sshra.s32 @!p0 s14, $0x2  }
0x30: {  	[tilespmem:s14], [sflag:$0x2] =	stream.linear.gather @!p0 [hbm4b:s15+s16], $0x50, $0x38;
	[tilespmem:$0x140] =	vst v63  }
0x31: {  	p0 =	sge.u32 s31, s7  }
.Ltmp2:
0x32: {  	_ = 	snop;
	(pc) =	sbr.rel @p0 .LBB2_5-.Ltmp2, $1  }
0x33: {  	_ =	sdelay $0x3  }
0x34: {  	s14 =	sand.u32 $0x1, s12  }
0x35: {  	_ =	swait.ge [sflag:s6], $0x50;
	p0 =	seq.s32 s14, $0x1;
	s14 =	simm.s32 $0x50  }
0x36: {  	[sflag:s6] =	ssyncset.done $0x0;
	s14 =	simm.s32 @!p0 $0x0  }
0x37: {  	[sflag:s6] =	ssyncadd.s32 $0xFFFFFFB0;
	(ifvalue) =	ssetifvalue $0x7FFFFFFF;
	v0 =	vld.msk [tilespmem:s14+$0x0 ss:$0x1], $0xffff;
	_ =	sdelay $0x4  }
0x38: {  	s15 =	sadd.s32 $0x10, s14;
	v2 =	vshrl.u32 v0, $0x1  }
0x39: {  	v1 =	vld.msk [tilespmem:s15+$0x0 ss:$0x1], $0xffff;
	vm1 =	veq.s32 v0, $0x80000000;
	v2 =	vand.u32 $0x7FF, v2  }
0x3a: {  	v0 =	vand.u32 $0x1, v0;
	v2 =	vsel vm1, $0xFFFFFFFF, v2  }
0x3b: {  	v0 =	vsel vm1, $0xFFFFFFFF, v0;
	v3 =	vshll.u32 v2, $0x1  }
0x3c: {  	v4 =	vand.u32 $0xFFFFF000, v0;
	v0 =	vshll.u32 v0, $0x7;
	v3 =	vand.u32 $0xFFFFFF00, v3  }
0x3d: {  	v0 =	vand.u32 $0x80, v0;
	v3 =	vadd.s32 v4, v3  }
0x3e: {  	v2 =	vand.u32 $0x7F, v2;
	v4 =	vshrl.u32 v1, $0x1;
	v0 =	vor.u32 v0, v3  }
0x3f: {  	vm1 =	veq.s32 v1, $0x80000000;
	v4 =	vand.u32 $0x7FF, v4;
	v0 =	vor.u32 v2, v0  }
0x40: {  	s15 =	sadd.s32 $0x10, s15;
	v1 =	vand.u32 $0x1, v1;
	v3 =	vsel vm1, $0xFFFFFFFF, v4  }
0x41: {  	s14 =	sor.u32 $0xA0, s14;
	v2 =	vsel vm1, $0xFFFFFFFF, v1;
	v1 =	vld.msk [tilespmem:s15+$0x0 ss:$0x1], $0xffff;
	v4 =	vshll.u32 v3, $0x1  }
0x42: {  	s17 =	simm.s32 $0x30;
	s16 =	smov.u32 s14;
	v5 =	vshll.u32 v2, $0x7;
	v6 =	vand.u32 $0xFFFFF000, v2;
	v4 =	vand.u32 $0xFFFFFF00, v4  }
0x43: {  	s18 =	sadd.s32 $0x10, s15;
	(ifvalue) =	ssetifvalue $0x7FFFFFFF;
	s15 =	sadd.s32 $0x10, s14;
	v2 =	vand.u32 $0x7F, v3;
	v3 =	vadd.s32 v6, v4;
	v4 =	vand.u32 $0x80, v5  }
.LBB2_3:
0x44: {  	[tilespmem:s16], [sflag:$0x1] =	stream.indirect_vreg.gather [hbm4b:s2+s10], $0x1, v0, vm0, $0x4038;
	[tilespmem:$0x140] =	vst v63  }
0x45: {  	s17 =	sadd.s32 $0x10, s17  }
0x46: {  	v5 =	vand.u32 $0x1, v1;
	v6 =	vshrl.u32 v1, $0x1;
	v3 =	vor.u32 v4, v3;
	v0 =	vmovc v1;
	v1 =	vld.msk [tilespmem:s18+$0x0 ss:$0x1], $0xffff;
	p0 =	slt.u32 s17, $0x40  }
.Ltmp3:
0x47: {  	s16 =	smov.u32 s15;
	vm1 =	veq.s32 v0, $0x80000000;
	v4 =	vand.u32 $0x7FF, v6;
	v0 =	vor.u32 v2, v3;
	(pc) =	sbr.rel @p0 .LBB2_3-.Ltmp3, $4  }
0x48: {  	v3 =	vsel vm1, $0xFFFFFFFF, v5;
	v4 =	vsel vm1, $0xFFFFFFFF, v4  }
0x49: {  	v2 =	vand.u32 $0x7F, v4;
	v4 =	vshll.u32 v4, $0x1;
	v5 =	vshll.u32 v3, $0x7  }
0x4a: {  	v3 =	vand.u32 $0xFFFFF000, v3;
	v4 =	vand.u32 $0xFFFFFF00, v4  }
0x4b: {  	s18 =	sadd.s32 $0x10, s18;
	s15 =	sadd.s32 $0x10, s15;
	v3 =	vadd.s32 v3, v4;
	v4 =	vand.u32 $0x80, v5;
	(ifvalue) =	ssetifvalue $0x7FFFFFFF  }
.Ltmp4:
0x4c: {  	_ = 	snop;
	(pc) =	sbr.rel .LBB2_4-.Ltmp4, $1  }
0x4d: {  	_ =	sdelay $0x3  }
.LBB2_6:
0x4e: {  	_ =	sfence.sel $0x180000  }
0x4f: {  	s2 =	simm.s32 $0x2;
	[bflag:$0x0] =	sbarrier.arrive $0xFFFF  }
0x50: {  	s30 =	simm.s32 $0x3;
	[sflag:s2] =	ssyncpa.u1 $0x1  }
0x51: {  	s31 =	simm.s32 $0x1;
	[sflag:s30] =	ssyncpa.u1 $0x1  }
0x52: {  	[sflag:s31] =	ssyncpa.u1 $0x1  }
0x53: {  	p0 =	sne.s32 s1, $0x0;
	_ =	strace $0x9000005F  }
0x54: {  	s0 =	sadd.s32 @!p0 $0x100000, s0;
	[bflag:$0x2] =	sbarrier.arrive $0xFFFF  }
0x55: {  	[sflag:s0] =	ssyncadd.tile.s32 @!p0 $0x1;
	_ =	shalt  }
.Lfunc_end2:
_tile_overlayer_lowered:
.L_overlay_start_2:
0x56: {  	(tag) =	ssettag $0x2  }
0x57: {  	s0 =	rddreg [dreg:$0x0];
	s2 =	stileid.u32  }
0x58: {  	s1 =	rddreg [dreg:$0x1];
	p0 =	sne.s32 s2, $0x0  }
0x59: {  	s3 =	rddreg [dreg:$0x2];
	[bflag:$0x3] =	sbarrier.arrive $0xFFFF;
	s2 =	simm.s32 @!p0 $0x1C01  }
0x5a: {  	[timem:s3], [sflag:s2] =	dma.local @!p0 [hbm:s0], s1  }
0x5b: {  	s0 =	simm.s32 @!p0 $0x1  }
0x5c: {  	_ =	swait.ge @!p0 [sflag:s0], s1  }
0x5d: {  	s1 =	ssub.s32 @!p0 $0x0, s1;
	[sflag:s0] =	ssyncset.done @!p0 $0x0  }
0x5e: {  	[sflag:s0] =	ssyncadd.s32 @!p0 s1  }
0x5f: {  	[bflag:$0x3] =	sbarrier.arrive $0xFFFF  }
0x60: {  	_ =	shalt  }

// kernel: gather_offload_async_start.9
scs
__scs_entry_jumppad:
0x0: {  	(pc) =	sbr.rel $0x88, $3  }
0x1: {  	(tag) =	ssettag $0x0;
	lr =	simm.s32 $0x1  }
0x2: {  	[smem:$0x3F9E] =	sst lr;
	_ =	strace $0xD0000000  }
0x3: {  	_ = 	snop  }
0x4: {  	_ = 	snop  }
0x5: {  	_ = 	snop  }
0x6: {  	_ = 	snop  }
0x7: {  	_ = 	snop  }
__scs_overlays_trampoline_lowered:
0x8: {  	[smem:$0x3FAD] =	sst s0  }
0x9: {  	[smem:$0x3FAE] =	sst s1  }
0xa: {  	[smem:$0x3FAF] =	sst s2  }
0xb: {  	[smem:$0x3FB0] =	sst s3  }
0xc: {  	[smem:$0x3FB1] =	sst s4  }
0xd: {  	[smem:$0x3FB2] =	sst s5  }
0xe: {  	[smem:$0x3FB3] =	sst s6  }
0xf: {  	[smem:$0x3FB4] =	sst s7  }
0x10: {  	[smem:$0x3FB5] =	sst s8  }
0x11: {  	[smem:$0x3FB6] =	sst s9;
	s0 =	simm.s32 @!p0 $0x0  }
0x12: {  	s1 =	sld [smem:$0x3F9C];
	s0 =	simm.s32 @p0 $0x1  }
0x13: {  	[smem:$0x3FB7] =	sst s0;
	s0 =	simm.s32 @!p1 $0x0  }
0x14: {  	s2 =	sld [smem:$0x3F9B];
	s0 =	simm.s32 @p1 $0x1  }
0x15: {  	[smem:$0x3FB8] =	sst s0;
	s0 =	simm.s32 @!p2 $0x0  }
0x16: {  	s3 =	sld [smem:$0x3FDB];
	s0 =	simm.s32 @p2 $0x1  }
0x17: {  	s4 =	simm.s32 $0x1BF5;
	[smem:$0x3FBA] =	sst s0  }
0x18: {  	s0 =	sld [smem:$0x3F9D];
	_ =	swait.ge [sflag:s4], $0x0  }
0x19: {  	s7 =	sld [smem:$0x3F9E]  }
0x1a: {  	s8 =	sadd.s32 $0xFFFFE003, lr  }
0x1b: {  	s9 =	sadd.s32 $0xFFFFFEF7, lr;
	s5 =	simm.s32 $0xFFFFFFFF;
	p2 =	slt.u32 s8, $0xFFFFF086  }
0x1c: {  	p1 =	slt.u32 s9, $0xF7A;
	s5 =	simm.s32 @!p2 $0x0  }
0x1d: {  	s5 =	simm.s32 @p1 $0x1;
	p0 =	seq.s32 s7, s2  }
0x1e: {  	s7 =	smul.u32 @!p0 $0xF7A, s2;
	p2 =	seq.s32 @!p0 s5, $0x0  }
0x1f: {  	s9 =	smul.u32 $0xF7A, s1;
	s8 =	simm.s32 @!p0 $0x1BF5;
	p2 =	por !p2, p0  }
0x20: {  	[sflag:s8] =	ssyncset.s32 @!p0 $0xFFFFF086;
	s6 =	sadd.s32 @!p0 s3, s7;
	s7 =	simm.s32 @!p0 $0x108  }
0x21: {  	s3 =	sadd.s32 s3, s9;
	s6 =	sadd.s32 @!p0 $0x88, s6;
	s7 =	simm.s32 @p2 $0x1082  }
0x22: {  	[simem:s7], [sflag:s8] =	dma.local @!p0 [hbm:s6], $0xF7A  }
0x23: {  	s9 =	sor.u32 $0xD0000000, s2;
	s6 =	simm.s32 $0x108;
	_ =	swait.ge @!p0 [sflag:s8], $0x0  }
0x24: {  	s3 =	sadd.s32 $0x88, s3;
	s6 =	simm.s32 @!p1 $0x1082;
	[sflag:s4] =	ssyncset.s32 $0xFFFFF086  }
0x25: {  	[simem:s6], [sflag:s4] =	dma.local [hbm:s3], $0xF7A  }
0x26: {  	[smem:$0x3F9E] =	sst s1;
	(tag) =	ssettag s2;
	_ =	strace s9  }
0x27: {  	s1 =	sld [smem:$0x3FAE]  }
0x28: {  	s2 =	sld [smem:$0x3FAF]  }
0x29: {  	s4 =	sld [smem:$0x3FB1]  }
0x2a: {  	p0 =	seq.s32 s5, $0x0;
	s5 =	sld [smem:$0x3FB2]  }
0x2b: {  	s6 =	sld [smem:$0x3FB3]  }
0x2c: {  	s7 =	sld [smem:$0x3FB4]  }
0x2d: {  	s3 =	simm.s32 $0x108;
	s8 =	sld [smem:$0x3FB5]  }
0x2e: {  	s3 =	simm.s32 @!p0 $0x1082;
	s9 =	sld [smem:$0x3FB6]  }
0x2f: {  	lr =	sadd.s32 s0, s3;
	s0 =	sld [smem:$0x3FAD]  }
0x30: {  	s3 =	sld [smem:$0x3FB0]  }
0x31: {  	[smem:$0x3FB9] =	sst s10  }
0x32: {  	s10 =	sld [smem:$0x3FB7];
	_ =	sdelay $0x3  }
0x33: {  	p0 =	seq.s32 s10, $0x1;
	s10 =	sld [smem:$0x3FB9];
	_ =	sdelay $0x3  }
0x34: {  	[smem:$0x3FB9] =	sst s10  }
0x35: {  	s10 =	sld [smem:$0x3FB8];
	_ =	sdelay $0x3  }
0x36: {  	p1 =	seq.s32 s10, $0x1;
	s10 =	sld [smem:$0x3FB9];
	_ =	sdelay $0x3  }
0x37: {  	[smem:$0x3FB9] =	sst s10  }
0x38: {  	s10 =	sld [smem:$0x3FBA]  }
0x39: {  	_ = 	snop;
	(pc) =	sbr.ind lr, $3  }
0x3a: {  	_ = 	snop  }
0x3b: {  	_ = 	snop  }
0x3c: {  	p2 =	seq.s32 s10, $0x1;
	s10 =	sld [smem:$0x3FB9]  }
0x3d: {  	_ =	shalt  }
0x3e: {  	_ =	shalt  }
0x3f: {  	_ =	shalt  }
0x40: {  	_ =	shalt  }
0x41: {  	_ =	shalt  }
0x42: {  	_ =	shalt  }
0x43: {  	_ =	shalt  }
0x44: {  	_ =	shalt  }
0x45: {  	_ =	shalt  }
0x46: {  	_ =	shalt  }
0x47: {  	_ =	shalt  }
0x48: {  	_ =	shalt  }
0x49: {  	_ =	shalt  }
0x4a: {  	_ =	shalt  }
0x4b: {  	_ =	shalt  }
0x4c: {  	_ =	shalt  }
0x4d: {  	_ =	shalt  }
0x4e: {  	_ =	shalt  }
0x4f: {  	_ =	shalt  }
0x50: {  	_ =	shalt  }
0x51: {  	_ =	shalt  }
0x52: {  	_ =	shalt  }
0x53: {  	_ =	shalt  }
0x54: {  	_ =	shalt  }
0x55: {  	_ =	shalt  }
0x56: {  	_ =	shalt  }
0x57: {  	_ =	shalt  }
0x58: {  	_ =	shalt  }
0x59: {  	_ =	shalt  }
0x5a: {  	_ =	shalt  }
0x5b: {  	_ =	shalt  }
0x5c: {  	_ =	shalt  }
0x5d: {  	_ =	shalt  }
0x5e: {  	_ =	shalt  }
0x5f: {  	_ =	shalt  }
0x60: {  	_ =	shalt  }
0x61: {  	_ =	shalt  }
0x62: {  	_ =	shalt  }
0x63: {  	_ =	shalt  }
0x64: {  	_ =	shalt  }
0x65: {  	_ =	shalt  }
0x66: {  	_ =	shalt  }
0x67: {  	_ =	shalt  }
0x68: {  	_ =	shalt  }
0x69: {  	_ =	shalt  }
0x6a: {  	_ =	shalt  }
0x6b: {  	_ =	shalt  }
0x6c: {  	_ =	shalt  }
0x6d: {  	_ =	shalt  }
0x6e: {  	_ =	shalt  }
0x6f: {  	_ =	shalt  }
0x70: {  	_ =	shalt  }
0x71: {  	_ =	shalt  }
0x72: {  	_ =	shalt  }
0x73: {  	_ =	shalt  }
0x74: {  	_ =	shalt  }
0x75: {  	_ =	shalt  }
0x76: {  	_ =	shalt  }
0x77: {  	_ =	shalt  }
0x78: {  	_ =	shalt  }
0x79: {  	_ =	shalt  }
0x7a: {  	_ =	shalt  }
0x7b: {  	_ =	shalt  }
0x7c: {  	_ =	shalt  }
0x7d: {  	_ =	shalt  }
0x7e: {  	_ =	shalt  }
0x7f: {  	_ =	shalt  }
0x80: {  	_ =	shalt  }
0x81: {  	_ =	shalt  }
0x82: {  	_ =	shalt  }
0x83: {  	_ =	shalt  }
0x84: {  	_ =	shalt  }
0x85: {  	_ =	shalt  }
0x86: {  	_ =	shalt  }
0x87: {  	_ =	shalt  }
.Lfunc_end0:
.L_simem_size_0:
called_computation.9_lowered:
.L_overlay_start_0:
0x88: {  	s0 =	sld [smem:$0x3FD9]  }
0x89: {  	s1 =	sld [smem:$0x3FFE];
	_ =	sdelay $0x3  }
0x8a: {  	s0 =	sadd.s32 s1, s0  }
0x8b: {  	[smem:$0x3FC5] =	sst s0  }
0x8c: {  	_ = 	snop  }
0x8d: {  	s0 =	sld [smem:$0x3FD0];
	(tm) =	ssettm $0x1  }
0x8e: {  	s16 =	sld [smem:$0x3FFB];
	_ =	sdelay $0x3  }
0x8f: {  	_ =	strace s16  }
0x90: {  	s1 =	sld [smem:$0x3FFC];
	_ =	sdelay $0x3  }
0x91: {  	_ =	strace s1  }
0x92: {  	s1 =	sld [smem:$0x3FFD];
	_ =	sdelay $0x3  }
0x93: {  	_ =	strace s1  }
0x94: {  	_ =	strace $0x8FFFFFFF  }
0x95: {  	s17 =	sld [smem:$0x3FDB];
	_ =	sdelay $0x1  }
0x96: {  	s2 =	simm.s32 $_scs_section_size  }
0x97: {  	s3 =	simm.s32 $_size__tile_overlayer_lowered;
	s4 =	simm.s32 $_tile_overlayer_lowered  }
0x98: {  	s20 =	simm.s32 $0x1BFF;
	s19 =	sshll.u32 s4, $0x1;
	s1 =	sadd.s32 s2, s17  }
0x99: {  	s5 =	simm.s32 $0x0;
	s18 =	sshll.u32 s3, $0x1;
	s3 =	sadd.s32 s19, s1  }
0x9a: {  	[timem:s5], [sflag:s20] =	dma.local [hbm:s3], s18  }
0x9b: {  	_ =	swait.ge [sflag:s20], s18  }
0x9c: {  	s2 =	ssub.s32 $0x0, s18;
	[sflag:s20] =	ssyncset.done $0x0  }
0x9d: {  	[sflag:s20] =	ssyncadd.s32 s2;
	_ =	sdelay $0x1  }
0x9e: {  	s21 =	simm.s32 $0x1B8B  }
0x9f: {  	_ =	swait.ge [sflag:s21], $0x1  }
0xa0: {  	[sflag:s21] =	ssyncset.done $0x0  }
0xa1: {  	s23 =	simm.s32 $0x1B8E;
	s22 =	sld [smem:$0x3FFE];
	[sflag:s21] =	ssyncadd.s32 $0xFFFFFFFF  }
0xa2: {  	s24 =	simm.s32 $execute0_lowered;
	[smem:$0x3FD2] =	sst s23  }
0xa3: {  	s3 =	sshll.u32 s24, $0x1;
	_ =	strace $0x80000061;
	[dreg:$0x1] =	wrdreg $0xFFFFFFFF  }
0xa4: {  	s25 =	simm.s32 $_size_execute0_lowered;
	s1 =	sadd.s32 s1, s3;
	[dreg:$0x0] =	wrdreg $0x0  }
0xa5: {  	s3 =	sshll.u32 s25, $0x1;
	[dreg:$0x2] =	wrdreg s1  }
0xa6: {  	[dreg:$0x3] =	wrdreg s3  }
0xa7: {  	[dreg:$0x4] =	wrdreg $0xC0  }
0xa8: {  	_ =	task [dreg:s5], $0x5FFFF  }
0xa9: {  	[dreg:$0x1] =	wrdreg $0xFFFFFFFF  }
0xaa: {  	[dreg:$0x0] =	wrdreg $0x60  }
0xab: {  	[dreg:$0x2] =	wrdreg s22  }
0xac: {  	[dreg:$0x3] =	wrdreg s0  }
0xad: {  	[dreg:$0x4] =	wrdreg $0x9  }
0xae: {  	_ =	task.clear_ibuf [dreg:s5], $0x5FFFF;
	_ =	strace $0x90000061  }
0xaf: {  	s26 =	simm.s32 $0x9;
	_ =	strace $0x80000063  }
0xb0: {  	_ =	swait.ge [sflag:s26], $0x1  }
0xb1: {  	[sflag:s26] =	ssyncadd.s32 $0xFFFFFFFF  }
0xb2: {  	_ =	strace $0x90000063  }
0xb3: {  	_ =	sfence  }
0xb4: {  	s28 =	sld [smem:$0x0];
	_ =	sdelay $0x1  }
0xb5: {  	s29 =	srdreg.scid  }
0xb6: {  	s30 =	sshll.u32 s29, $0xD;
	s31 =	sshrl.u32 s29, $0x2  }
0xb7: {  	s2 =	sand.u32 $0x4000, s30;
	s1 =	sand.u32 $0x1, s29;
	s0 =	sadd.s32 s31, s28  }
0xb8: {  	s1 =	sor.u32 s2, s1;
	s0 =	sshll.u32 s0, $0x11  }
0xb9: {  	s0 =	sor.u32 s0, s1  }
0xba: {  	s0 =	sadd.s32 $0x8F2B, s0  }
0xbb: {  	[sflag:s0] =	ssyncadd.remote.s32 $0x1  }
0xbc: {  	_ =	sfence.sel $0xFFFF  }
0xbd: {  	[dreg:$0x0] =	wrdreg $0xFFFFFFFF;
	(pc) =	sbr.abs _section_cstart, $3  }
0xbe: {  	[dreg:$0x1] =	wrdreg $0xFFFFFFFF  }
0xbf: {  	_ =	task.clear_ibuf [dreg:s5], $0x2FFFF;
	_ =	strace $0x9FFFFFFF  }
0xc0: {  	(tm) =	ssettm $0x7FFFFFFF  }
0xc1: {  	_ =	shalt  }
tec
execute0_lowered:
.L_overlay_start_1:
0x0: {  	(tag) =	ssettag $0x1  }
0x1: {  	s8 =	rddreg [dreg:$0x0]  }
0x2: {  	s2 =	rddreg [dreg:$0x1]  }
0x3: {  	s0 =	rddreg [dreg:$0x2]  }
0x4: {  	s1 =	stileid.u32;
	_ =	strace $0x80000062;
	s5 =	simm.s32 $0x1  }
0x5: {  	s6 =	simm.s32 $0x500;
	s9 =	simm.s32 $0x1;
	s10 =	simm.s32 $0x3  }
0x6: {  	s13 =	simm.s32 $0x0;
	s12 =	simm.s32 $0x0;
	s4 =	smul.u32 $0x50, s1  }
0x7: {  	s3 =	sadd.s32 $0x400, s8;
	p0 =	slt.u32 s1, $0xA;
	[sflag:s5] =	ssyncpa.u1 $0x0  }
.Ltmp0:
0x8: {  	s6 =	simm.s32 @!p0 $0x0;
	s7 =	ssub.s32 $0x7D0, s4;
	(pc) =	sbr.rel .LBB2_1-.Ltmp0, $4  }
0x9: {  	s9 =	simm.s32 @!p0 $0x0;
	p0 =	sne.s32 s7, s6;
	s7 =	simm.s32 $0x1  }
0xa: {  	s8 =	sadd.s32 $0x600, s8;
	s6 =	simm.s32 $0x2;
	s7 =	simm.s32 @!p0 $0x0  }
0xb: {  	s11 =	smov.u32 s4;
	[sflag:s6] =	ssyncpa.u1 $0x0;
	s7 =	sadd.s32 s9, s7  }
0xc: {  	vm0 =	vmmov $0xffff;
	[sflag:s10] =	ssyncpa.u1 $0x0;
	s10 =	simm.s32 $0x0;
	s9 =	sadd.s32 $0x1, s7  }
.LBB2_4:
0xd: {  	v5 =	vld.msk [tilespmem:s18+$0x0 ss:$0x1], $0xffff  }
0xe: {  	v6 =	vand.u32 $0x1, v1;
	v7 =	vshrl.u32 v1, $0x1  }
0xf: {  	v3 =	vor.u32 v4, v3;
	vm1 =	veq.s32 v1, $0x80000000;
	v53 =	vand.u32 $0x7FF, v7  }
0x10: {  	v2 =	vor.u32 v2, v3;
	v54 =	vsel vm1, $0xFFFFFFFF, v6;
	v1 =	vsel vm1, $0xFFFFFFFF, v53  }
0x11: {  	v6 =	vshll.u32 v54, $0x7;
	v3 =	vand.u32 $0xFFFFF000, v54;
	v55 =	vand.u32 $0x7F, v1  }
0x12: {  	v1 =	vshll.u32 v1, $0x1;
	v6 =	vand.u32 $0x80, v6;
	v56 =	vshrl.u32 v5, $0x1  }
0x13: {  	v1 =	vand.u32 $0xFFFFFF00, v1;
	vm1 =	veq.s32 v5, $0x80000000;
	v57 =	vand.u32 $0x7FF, v56  }
0x14: {  	v1 =	vadd.s32 v3, v1;
	v5 =	vand.u32 $0x1, v5;
	v3 =	vsel vm1, $0xFFFFFFFF, v57  }
0x15: {  	v1 =	vor.u32 v6, v1;
	v5 =	vsel vm1, $0xFFFFFFFF, v5;
	v58 =	vshll.u32 v3, $0x1  }
0x16: {  	v59 =	vshll.u32 v5, $0x7;
	v5 =	vand.u32 $0xFFFFF000, v5;
	v6 =	vand.u32 $0xFFFFFF00, v58  }
0x17: {  	v1 =	vor.u32 v55, v1;
	v61 =	vand.u32 $0x80, v59;
	v60 =	vadd.s32 v5, v6  }
0x18: {  	[tilespmem:s16], [sflag:$0x1] =	stream.indirect_vreg.gather [hbm4b:s3+s10], $0x1, v0, vm0, $0x4038;
	v62 =	vand.u32 $0x7F, v3;
	v63 =	vor.u32 v61, v60;
	[tilespmem:$0x140] =	vst v63  }
0x19: {  	(ifvalue) =	ssetifvalue $0x7FFFFFFF;
	v0 =	vor.u32 v62, v63  }
0x1a: {  	[tilespmem:s15], [sflag:$0x1] =	stream.indirect_vreg.gather [hbm4b:s3+s10], $0x1, v2, vm0, $0x4038;
	[tilespmem:$0x140] =	vst v63  }
0x1b: {  	s29 =	sadd.s32 $0x10, s15;
	(ifvalue) =	ssetifvalue $0x7FFFFFFF  }
0x1c: {  	[tilespmem:s29], [sflag:$0x1] =	stream.indirect_vreg.gather [hbm4b:s3+s10], $0x1, v1, vm0, $0x4038;
	[tilespmem:$0x140] =	vst v63  }
0x1d: {  	s15 =	sadd.s32 $0x10, s29;
	(ifvalue) =	ssetifvalue $0x7FFFFFFF  }
0x1e: {  	[tilespmem:s15], [sflag:$0x1] =	stream.indirect_vreg.gather [hbm4b:s3+s10], $0x1, v0, vm0, $0x4038;
	[tilespmem:$0x140] =	vst v63  }
0x1f: {  	_ =	swait.ge [sflag:s5], $0x50  }
0x20: {  	s30 =	sshrl.u32 s13, $0x3;
	[sflag:s5] =	ssyncset.done $0x0  }
0x21: {  	s31 =	sand.u32 $0x7, s13;
	s15 =	sadd.s32 s2, s30;
	[sflag:s5] =	ssyncadd.s32 $0xFFFFFFB0  }
0x22: {  	[hbm4b:s15+s31] =	stream.linear.scatter [tilespmem:s14], [sflag:$0x3], $0x50, $0x38;
	[tilespmem:$0x140] =	vst v63  }
.LBB2_5:
0x23: {  	s15 =	sadd.s32 $0x500, s11  }
0x24: {  	p1 =	sgt.s32 s15, $0x7CF  }
0x25: {  	s15 =	smov.u32 @p1 s4;
	p1 =	sne.s32 s12, s9  }
.Ltmp1:
0x26: {  	p0 =	slt.u32 s12, $0x2;
	(pc) =	sbr.rel @!p1 .LBB2_6-.Ltmp1, $4  }
0x27: {  	s14 =	simm.s32 @!p0 $0x3  }
0x28: {  	_ =	swait.ge @!p0 [sflag:s14], $0x50  }
0x29: {  	s16 =	sadd.s32 $0x1, s12;
	s13 =	smov.u32 s11;
	[sflag:s14] =	ssyncset.done @!p0 $0x0  }
0x2a: {  	s12 =	smov.u32 s16;
	s11 =	smov.u32 s15;
	[sflag:s14] =	ssyncadd.s32 @!p0 $0xFFFFFFB0  }
.LBB2_1:
0x2b: {  	p0 =	sge.u32 s12, s7  }
0x2c: {  	s14 =	sxor.u32 @!p0 $0x1, s12  }
0x2d: {  	s14 =	smul.u32 @!p0 $0x140, s14  }
0x2e: {  	s31 =	sadd.s32 $0xFFFFFFFF, s12;
	s15 =	sshrl.u32 @!p0 s11, $0x3  }
0x2f: {  	s16 =	sand.u32 @!p0 $0x7, s11;
	s15 =	sadd.s32 @!p0 s8, s15;
	s14 =	sshra.s32 @!p0 s14, $0x2  }
0x30: {  	[tilespmem:s14], [sflag:$0x2] =	stream.linear.gather @!p0 [hbm4b:s15+s16], $0x50, $0x38;
	[tilespmem:$0x140] =	vst v63  }
0x31: {  	p0 =	sge.u32 s31, s7  }
.Ltmp2:
0x32: {  	_ = 	snop;
	(pc) =	sbr.rel @p0 .LBB2_5-.Ltmp2, $1  }
0x33: {  	_ =	sdelay $0x3  }
0x34: {  	s14 =	sand.u32 $0x1, s12  }
0x35: {  	_ =	swait.ge [sflag:s6], $0x50;
	p0 =	seq.s32 s14, $0x1;
	s14 =	simm.s32 $0x50  }
0x36: {  	[sflag:s6] =	ssyncset.done $0x0;
	s14 =	simm.s32 @!p0 $0x0  }
0x37: {  	[sflag:s6] =	ssyncadd.s32 $0xFFFFFFB0;
	(ifvalue) =	ssetifvalue $0x7FFFFFFF;
	v0 =	vld.msk [tilespmem:s14+$0x0 ss:$0x1], $0xffff;
	_ =	sdelay $0x4  }
0x38: {  	s15 =	sadd.s32 $0x10, s14;
	v2 =	vshrl.u32 v0, $0x1  }
0x39: {  	v1 =	vld.msk [tilespmem:s15+$0x0 ss:$0x1], $0xffff;
	vm1 =	veq.s32 v0, $0x80000000;
	v2 =	vand.u32 $0x7FF, v2  }
0x3a: {  	v0 =	vand.u32 $0x1, v0;
	v2 =	vsel vm1, $0xFFFFFFFF, v2  }
0x3b: {  	v0 =	vsel vm1, $0xFFFFFFFF, v0;
	v3 =	vshll.u32 v2, $0x1  }
0x3c: {  	v4 =	vand.u32 $0xFFFFF000, v0;
	v0 =	vshll.u32 v0, $0x7;
	v3 =	vand.u32 $0xFFFFFF00, v3  }
0x3d: {  	v0 =	vand.u32 $0x80, v0;
	v3 =	vadd.s32 v4, v3  }
0x3e: {  	v2 =	vand.u32 $0x7F, v2;
	v4 =	vshrl.u32 v1, $0x1;
	v0 =	vor.u32 v0, v3  }
0x3f: {  	vm1 =	veq.s32 v1, $0x80000000;
	v4 =	vand.u32 $0x7FF, v4;
	v0 =	vor.u32 v2, v0  }
0x40: {  	s15 =	sadd.s32 $0x10, s15;
	v1 =	vand.u32 $0x1, v1;
	v3 =	vsel vm1, $0xFFFFFFFF, v4  }
0x41: {  	s14 =	sor.u32 $0xA0, s14;
	v2 =	vsel vm1, $0xFFFFFFFF, v1;
	v1 =	vld.msk [tilespmem:s15+$0x0 ss:$0x1], $0xffff;
	v4 =	vshll.u32 v3, $0x1  }
0x42: {  	s17 =	simm.s32 $0x30;
	s16 =	smov.u32 s14;
	v5 =	vshll.u32 v2, $0x7;
	v6 =	vand.u32 $0xFFFFF000, v2;
	v4 =	vand.u32 $0xFFFFFF00, v4  }
0x43: {  	s18 =	sadd.s32 $0x10, s15;
	(ifvalue) =	ssetifvalue $0x7FFFFFFF;
	s15 =	sadd.s32 $0x10, s14;
	v2 =	vand.u32 $0x7F, v3;
	v3 =	vadd.s32 v6, v4;
	v4 =	vand.u32 $0x80, v5  }
.LBB2_3:
0x44: {  	[tilespmem:s16], [sflag:$0x1] =	stream.indirect_vreg.gather [hbm4b:s3+s10], $0x1, v0, vm0, $0x4038;
	[tilespmem:$0x140] =	vst v63  }
0x45: {  	s17 =	sadd.s32 $0x10, s17  }
0x46: {  	v5 =	vand.u32 $0x1, v1;
	v6 =	vshrl.u32 v1, $0x1;
	v3 =	vor.u32 v4, v3;
	v0 =	vmovc v1;
	v1 =	vld.msk [tilespmem:s18+$0x0 ss:$0x1], $0xffff;
	p0 =	slt.u32 s17, $0x40  }
.Ltmp3:
0x47: {  	s16 =	smov.u32 s15;
	vm1 =	veq.s32 v0, $0x80000000;
	v4 =	vand.u32 $0x7FF, v6;
	v0 =	vor.u32 v2, v3;
	(pc) =	sbr.rel @p0 .LBB2_3-.Ltmp3, $4  }
0x48: {  	v3 =	vsel vm1, $0xFFFFFFFF, v5;
	v4 =	vsel vm1, $0xFFFFFFFF, v4  }
0x49: {  	v2 =	vand.u32 $0x7F, v4;
	v4 =	vshll.u32 v4, $0x1;
	v5 =	vshll.u32 v3, $0x7  }
0x4a: {  	v3 =	vand.u32 $0xFFFFF000, v3;
	v4 =	vand.u32 $0xFFFFFF00, v4  }
0x4b: {  	s18 =	sadd.s32 $0x10, s18;
	s15 =	sadd.s32 $0x10, s15;
	v3 =	vadd.s32 v3, v4;
	v4 =	vand.u32 $0x80, v5;
	(ifvalue) =	ssetifvalue $0x7FFFFFFF  }
.Ltmp4:
0x4c: {  	_ = 	snop;
	(pc) =	sbr.rel .LBB2_4-.Ltmp4, $1  }
0x4d: {  	_ =	sdelay $0x3  }
.LBB2_6:
0x4e: {  	_ =	sfence.sel $0x180000  }
0x4f: {  	s2 =	simm.s32 $0x2;
	[bflag:$0x0] =	sbarrier.arrive $0xFFFF  }
0x50: {  	s30 =	simm.s32 $0x3;
	[sflag:s2] =	ssyncpa.u1 $0x1  }
0x51: {  	s31 =	simm.s32 $0x1;
	[sflag:s30] =	ssyncpa.u1 $0x1  }
0x52: {  	[sflag:s31] =	ssyncpa.u1 $0x1  }
0x53: {  	p0 =	sne.s32 s1, $0x0;
	_ =	strace $0x90000062  }
0x54: {  	s0 =	sadd.s32 @!p0 $0x100000, s0;
	[bflag:$0x2] =	sbarrier.arrive $0xFFFF  }
0x55: {  	[sflag:s0] =	ssyncadd.tile.s32 @!p0 $0x1;
	_ =	shalt  }
.Lfunc_end2:
_tile_overlayer_lowered:
.L_overlay_start_2:
0x56: {  	(tag) =	ssettag $0x2  }
0x57: {  	s0 =	rddreg [dreg:$0x0];
	s2 =	stileid.u32  }
0x58: {  	s1 =	rddreg [dreg:$0x1];
	p0 =	sne.s32 s2, $0x0  }
0x59: {  	s3 =	rddreg [dreg:$0x2];
	[bflag:$0x3] =	sbarrier.arrive $0xFFFF;
	s2 =	simm.s32 @!p0 $0x1C01  }
0x5a: {  	[timem:s3], [sflag:s2] =	dma.local @!p0 [hbm:s0], s1  }
0x5b: {  	s0 =	simm.s32 @!p0 $0x1  }
0x5c: {  	_ =	swait.ge @!p0 [sflag:s0], s1  }
0x5d: {  	s1 =	ssub.s32 @!p0 $0x0, s1;
	[sflag:s0] =	ssyncset.done @!p0 $0x0  }
0x5e: {  	[sflag:s0] =	ssyncadd.s32 @!p0 s1  }
0x5f: {  	[bflag:$0x3] =	sbarrier.arrive $0xFFFF  }
0x60: {  	_ =	shalt  }

// kernel: gather_offload_async_start
scs
__scs_entry_jumppad:
0x0: {  	(pc) =	sbr.rel $0x88, $3  }
0x1: {  	(tag) =	ssettag $0x0;
	lr =	simm.s32 $0x1  }
0x2: {  	[smem:$0x3F9E] =	sst lr;
	_ =	strace $0xD0000000  }
0x3: {  	_ = 	snop  }
0x4: {  	_ = 	snop  }
0x5: {  	_ = 	snop  }
0x6: {  	_ = 	snop  }
0x7: {  	_ = 	snop  }
__scs_overlays_trampoline_lowered:
0x8: {  	[smem:$0x3FAD] =	sst s0  }
0x9: {  	[smem:$0x3FAE] =	sst s1  }
0xa: {  	[smem:$0x3FAF] =	sst s2  }
0xb: {  	[smem:$0x3FB0] =	sst s3  }
0xc: {  	[smem:$0x3FB1] =	sst s4  }
0xd: {  	[smem:$0x3FB2] =	sst s5  }
0xe: {  	[smem:$0x3FB3] =	sst s6  }
0xf: {  	[smem:$0x3FB4] =	sst s7  }
0x10: {  	[smem:$0x3FB5] =	sst s8  }
0x11: {  	[smem:$0x3FB6] =	sst s9;
	s0 =	simm.s32 @!p0 $0x0  }
0x12: {  	s1 =	sld [smem:$0x3F9C];
	s0 =	simm.s32 @p0 $0x1  }
0x13: {  	[smem:$0x3FB7] =	sst s0;
	s0 =	simm.s32 @!p1 $0x0  }
0x14: {  	s2 =	sld [smem:$0x3F9B];
	s0 =	simm.s32 @p1 $0x1  }
0x15: {  	[smem:$0x3FB8] =	sst s0;
	s0 =	simm.s32 @!p2 $0x0  }
0x16: {  	s3 =	sld [smem:$0x3FDB];
	s0 =	simm.s32 @p2 $0x1  }
0x17: {  	s4 =	simm.s32 $0x1BF5;
	[smem:$0x3FBA] =	sst s0  }
0x18: {  	s0 =	sld [smem:$0x3F9D];
	_ =	swait.ge [sflag:s4], $0x0  }
0x19: {  	s7 =	sld [smem:$0x3F9E]  }
0x1a: {  	s8 =	sadd.s32 $0xFFFFE003, lr  }
0x1b: {  	s9 =	sadd.s32 $0xFFFFFEF7, lr;
	s5 =	simm.s32 $0xFFFFFFFF;
	p2 =	slt.u32 s8, $0xFFFFF086  }
0x1c: {  	p1 =	slt.u32 s9, $0xF7A;
	s5 =	simm.s32 @!p2 $0x0  }
0x1d: {  	s5 =	simm.s32 @p1 $0x1;
	p0 =	seq.s32 s7, s2  }
0x1e: {  	s7 =	smul.u32 @!p0 $0xF7A, s2;
	p2 =	seq.s32 @!p0 s5, $0x0  }
0x1f: {  	s9 =	smul.u32 $0xF7A, s1;
	s8 =	simm.s32 @!p0 $0x1BF5;
	p2 =	por !p2, p0  }
0x20: {  	[sflag:s8] =	ssyncset.s32 @!p0 $0xFFFFF086;
	s6 =	sadd.s32 @!p0 s3, s7;
	s7 =	simm.s32 @!p0 $0x108  }
0x21: {  	s3 =	sadd.s32 s3, s9;
	s6 =	sadd.s32 @!p0 $0x88, s6;
	s7 =	simm.s32 @p2 $0x1082  }
0x22: {  	[simem:s7], [sflag:s8] =	dma.local @!p0 [hbm:s6], $0xF7A  }
0x23: {  	s9 =	sor.u32 $0xD0000000, s2;
	s6 =	simm.s32 $0x108;
	_ =	swait.ge @!p0 [sflag:s8], $0x0  }
0x24: {  	s3 =	sadd.s32 $0x88, s3;
	s6 =	simm.s32 @!p1 $0x1082;
	[sflag:s4] =	ssyncset.s32 $0xFFFFF086  }
0x25: {  	[simem:s6], [sflag:s4] =	dma.local [hbm:s3], $0xF7A  }
0x26: {  	[smem:$0x3F9E] =	sst s1;
	(tag) =	ssettag s2;
	_ =	strace s9  }
0x27: {  	s1 =	sld [smem:$0x3FAE]  }
0x28: {  	s2 =	sld [smem:$0x3FAF]  }
0x29: {  	s4 =	sld [smem:$0x3FB1]  }
0x2a: {  	p0 =	seq.s32 s5, $0x0;
	s5 =	sld [smem:$0x3FB2]  }
0x2b: {  	s6 =	sld [smem:$0x3FB3]  }
0x2c: {  	s7 =	sld [smem:$0x3FB4]  }
0x2d: {  	s3 =	simm.s32 $0x108;
	s8 =	sld [smem:$0x3FB5]  }
0x2e: {  	s3 =	simm.s32 @!p0 $0x1082;
	s9 =	sld [smem:$0x3FB6]  }
0x2f: {  	lr =	sadd.s32 s0, s3;
	s0 =	sld [smem:$0x3FAD]  }
0x30: {  	s3 =	sld [smem:$0x3FB0]  }
0x31: {  	[smem:$0x3FB9] =	sst s10  }
0x32: {  	s10 =	sld [smem:$0x3FB7];
	_ =	sdelay $0x3  }
0x33: {  	p0 =	seq.s32 s10, $0x1;
	s10 =	sld [smem:$0x3FB9];
	_ =	sdelay $0x3  }
0x34: {  	[smem:$0x3FB9] =	sst s10  }
0x35: {  	s10 =	sld [smem:$0x3FB8];
	_ =	sdelay $0x3  }
0x36: {  	p1 =	seq.s32 s10, $0x1;
	s10 =	sld [smem:$0x3FB9];
	_ =	sdelay $0x3  }
0x37: {  	[smem:$0x3FB9] =	sst s10  }
0x38: {  	s10 =	sld [smem:$0x3FBA]  }
0x39: {  	_ = 	snop;
	(pc) =	sbr.ind lr, $3  }
0x3a: {  	_ = 	snop  }
0x3b: {  	_ = 	snop  }
0x3c: {  	p2 =	seq.s32 s10, $0x1;
	s10 =	sld [smem:$0x3FB9]  }
0x3d: {  	_ =	shalt  }
0x3e: {  	_ =	shalt  }
0x3f: {  	_ =	shalt  }
0x40: {  	_ =	shalt  }
0x41: {  	_ =	shalt  }
0x42: {  	_ =	shalt  }
0x43: {  	_ =	shalt  }
0x44: {  	_ =	shalt  }
0x45: {  	_ =	shalt  }
0x46: {  	_ =	shalt  }
0x47: {  	_ =	shalt  }
0x48: {  	_ =	shalt  }
0x49: {  	_ =	shalt  }
0x4a: {  	_ =	shalt  }
0x4b: {  	_ =	shalt  }
0x4c: {  	_ =	shalt  }
0x4d: {  	_ =	shalt  }
0x4e: {  	_ =	shalt  }
0x4f: {  	_ =	shalt  }
0x50: {  	_ =	shalt  }
0x51: {  	_ =	shalt  }
0x52: {  	_ =	shalt  }
0x53: {  	_ =	shalt  }
0x54: {  	_ =	shalt  }
0x55: {  	_ =	shalt  }
0x56: {  	_ =	shalt  }
0x57: {  	_ =	shalt  }
0x58: {  	_ =	shalt  }
0x59: {  	_ =	shalt  }
0x5a: {  	_ =	shalt  }
0x5b: {  	_ =	shalt  }
0x5c: {  	_ =	shalt  }
0x5d: {  	_ =	shalt  }
0x5e: {  	_ =	shalt  }
0x5f: {  	_ =	shalt  }
0x60: {  	_ =	shalt  }
0x61: {  	_ =	shalt  }
0x62: {  	_ =	shalt  }
0x63: {  	_ =	shalt  }
0x64: {  	_ =	shalt  }
0x65: {  	_ =	shalt  }
0x66: {  	_ =	shalt  }
0x67: {  	_ =	shalt  }
0x68: {  	_ =	shalt  }
0x69: {  	_ =	shalt  }
0x6a: {  	_ =	shalt  }
0x6b: {  	_ =	shalt  }
0x6c: {  	_ =	shalt  }
0x6d: {  	_ =	shalt  }
0x6e: {  	_ =	shalt  }
0x6f: {  	_ =	shalt  }
0x70: {  	_ =	shalt  }
0x71: {  	_ =	shalt  }
0x72: {  	_ =	shalt  }
0x73: {  	_ =	shalt  }
0x74: {  	_ =	shalt  }
0x75: {  	_ =	shalt  }
0x76: {  	_ =	shalt  }
0x77: {  	_ =	shalt  }
0x78: {  	_ =	shalt  }
0x79: {  	_ =	shalt  }
0x7a: {  	_ =	shalt  }
0x7b: {  	_ =	shalt  }
0x7c: {  	_ =	shalt  }
0x7d: {  	_ =	shalt  }
0x7e: {  	_ =	shalt  }
0x7f: {  	_ =	shalt  }
0x80: {  	_ =	shalt  }
0x81: {  	_ =	shalt  }
0x82: {  	_ =	shalt  }
0x83: {  	_ =	shalt  }
0x84: {  	_ =	shalt  }
0x85: {  	_ =	shalt  }
0x86: {  	_ =	shalt  }
0x87: {  	_ =	shalt  }
.Lfunc_end0:
.L_simem_size_0:
called_computation_lowered:
.L_overlay_start_0:
0x88: {  	s2 =	sld [smem:$0x3FD9]  }
0x89: {  	s3 =	sld [smem:$0x3FFE];
	_ =	sdelay $0x1  }
0x8a: {  	s1 =	srdreg.scid  }
0x8b: {  	s0 =	sand.u32 $0x1, s1  }
0x8c: {  	s16 =	sshll.u32 s0, $0xA;
	s2 =	sadd.s32 s3, s2  }
0x8d: {  	s2 =	sadd.s32 s2, s16  }
0x8e: {  	[smem:$0x3FC5] =	sst s2  }
0x8f: {  	_ = 	snop  }
0x90: {  	(tm) =	ssettm $0x1  }
0x91: {  	s17 =	sld [smem:$0x3FFB];
	_ =	sdelay $0x3  }
0x92: {  	_ =	strace s17  }
0x93: {  	s2 =	sld [smem:$0x3FFC];
	_ =	sdelay $0x3  }
0x94: {  	_ =	strace s2  }
0x95: {  	s2 =	sld [smem:$0x3FFD];
	_ =	sdelay $0x3  }
0x96: {  	_ =	strace s2  }
0x97: {  	_ =	strace $0x8FFFFFFF  }
0x98: {  	s18 =	sld [smem:$0x3FDB];
	_ =	sdelay $0x1  }
0x99: {  	s19 =	simm.s32 $_scs_section_size  }
0x9a: {  	s4 =	simm.s32 $_size__tile_overlayer_lowered;
	s5 =	simm.s32 $_tile_overlayer_lowered  }
0x9b: {  	s22 =	simm.s32 $0x1BFF;
	s21 =	sshll.u32 s5, $0x1;
	s2 =	sadd.s32 s19, s18  }
0x9c: {  	s6 =	simm.s32 $0x0;
	s20 =	sshll.u32 s4, $0x1;
	s4 =	sadd.s32 s21, s2  }
0x9d: {  	[timem:s6], [sflag:s22] =	dma.local [hbm:s4], s20  }
0x9e: {  	_ =	swait.ge [sflag:s22], s20  }
0x9f: {  	s3 =	ssub.s32 $0x0, s20;
	[sflag:s22] =	ssyncset.done $0x0  }
0xa0: {  	[sflag:s22] =	ssyncadd.s32 s3;
	_ =	sdelay $0x1  }
0xa1: {  	s23 =	simm.s32 $0x1B8B  }
0xa2: {  	_ =	swait.ge [sflag:s23], $0x1  }
0xa3: {  	[sflag:s23] =	ssyncset.done $0x0  }
0xa4: {  	s25 =	simm.s32 $0x1B8E;
	s24 =	sld [smem:$0x3FFE];
	[sflag:s23] =	ssyncadd.s32 $0xFFFFFFFF  }
0xa5: {  	s26 =	simm.s32 $execute0_lowered;
	[smem:$0x3FD2] =	sst s25  }
0xa6: {  	s4 =	sshll.u32 s26, $0x1;
	_ =	strace $0x80000046;
	[dreg:$0x1] =	wrdreg $0xFFFFFFFF  }
0xa7: {  	s28 =	simm.s32 $_size_execute0_lowered;
	s2 =	sadd.s32 s2, s4;
	[dreg:$0x0] =	wrdreg $0x0  }
0xa8: {  	s4 =	sshll.u32 s28, $0x1;
	[dreg:$0x2] =	wrdreg s2  }
0xa9: {  	[dreg:$0x3] =	wrdreg s4  }
0xaa: {  	[dreg:$0x4] =	wrdreg $0xC0  }
0xab: {  	_ =	task [dreg:s6], $0x5FFFF  }
0xac: {  	[dreg:$0x1] =	wrdreg $0xFFFFFFFF  }
0xad: {  	[dreg:$0x0] =	wrdreg $0x60  }
0xae: {  	[dreg:$0x2] =	wrdreg s24  }
0xaf: {  	[dreg:$0x3] =	wrdreg $0x9  }
0xb0: {  	_ =	task.clear_ibuf [dreg:s6], $0x4FFFF;
	_ =	strace $0x90000046  }
0xb1: {  	s29 =	simm.s32 $0x9;
	_ =	strace $0x80000048  }
0xb2: {  	_ =	swait.ge [sflag:s29], $0x1  }
0xb3: {  	[sflag:s29] =	ssyncadd.s32 $0xFFFFFFFF  }
0xb4: {  	_ =	strace $0x90000048  }
0xb5: {  	_ =	sfence  }
0xb6: {  	s30 =	sld [smem:$0x0];
	_ =	sdelay $0x2  }
0xb7: {  	s31 =	sshll.u32 s1, $0xD;
	s1 =	sshrl.u32 s1, $0x2  }
0xb8: {  	s3 =	sand.u32 $0x4000, s31;
	s1 =	sadd.s32 s1, s30  }
0xb9: {  	s0 =	sor.u32 s3, s0;
	s1 =	sshll.u32 s1, $0x11  }
0xba: {  	s0 =	sor.u32 s1, s0  }
0xbb: {  	s0 =	sadd.s32 $0x8F2B, s0  }
0xbc: {  	[sflag:s0] =	ssyncadd.remote.s32 $0x1  }
0xbd: {  	_ =	sfence.sel $0xFFFF  }
0xbe: {  	[dreg:$0x0] =	wrdreg $0xFFFFFFFF;
	(pc) =	sbr.abs _section_cstart, $3  }
0xbf: {  	[dreg:$0x1] =	wrdreg $0xFFFFFFFF  }
0xc0: {  	_ =	task.clear_ibuf [dreg:s6], $0x2FFFF;
	_ =	strace $0x9FFFFFFF  }
0xc1: {  	(tm) =	ssettm $0x7FFFFFFF  }
tec
execute0_lowered:
.L_overlay_start_1:
0x0: {  	(tag) =	ssettag $0x1  }
0x1: {  	s0 =	srdreg.scid  }
0x2: {  	s1 =	sshll.u32 s0, $0x4  }
0x3: {  	s0 =	stileid.u32;
	s1 =	sand.u32 $0x10, s1  }
0x4: {  	s1 =	sor.u32 s0, s1  }
0x5: {  	s2 =	smin.u32 s1, $0x12  }
0x6: {  	s2 =	sadd.s32 s1, s2  }
0x7: {  	p0 =	slt.u32 s1, $0x12;
	s1 =	simm.s32 $0xA0;
	s2 =	smul.u32 $0x50, s2  }
0x8: {  	s1 =	simm.s32 @!p0 $0x50  }
0x9: {  	s1 =	sadd.s32 s1, s2  }
0xa: {  	s3 =	smin.u32 s1, $0xFA0  }
0xb: {  	s7 =	ssub.s32 s3, s2  }
0xc: {  	p0 =	sgt.s32 s7, $0x0  }
0xd: {  	s7 =	simm.s32 @!p0 $0x0  }
0xe: {  	s31 =	smul.u32 $0xCCCD, s7  }
0xf: {  	s4 =	rddreg [dreg:$0x0];
	s6 =	simm.s32 $0x1  }
0x10: {  	s10 =	simm.s32 $0x3;
	s13 =	simm.s32 $0x0;
	s8 =	sshrl.u32 s31, $0x16  }
0x11: {  	s12 =	simm.s32 $0x0;
	s5 =	sadd.s32 $0x30000, s4;
	s9 =	smul.u32 $0x50, s8  }
.Ltmp0:
0x12: {  	s11 =	smov.u32 s2;
	s1 =	rddreg [dreg:$0x1];
	(pc) =	sbr.rel .LBB2_1-.Ltmp0, $4  }
0x13: {  	_ =	strace $0x80000047;
	p0 =	sne.s32 s7, s9;
	s9 =	simm.s32 $0x1  }
0x14: {  	[sflag:s6] =	ssyncpa.u1 $0x0;
	s7 =	simm.s32 $0x2;
	s9 =	simm.s32 @!p0 $0x0  }
0x15: {  	[sflag:s7] =	ssyncpa.u1 $0x0;
	p0 =	por $0x0, $0x0;
	s8 =	sadd.s32 s8, s9  }
0x16: {  	vm0 =	vmmov $0xff;
	vm1 =	vcmask $0x3F20;
	s9 =	sadd.s32 $0x30200, s4;
	[sflag:s10] =	ssyncpa.u1 $0x0;
	s10 =	sadd.s32 $0x1, s8  }
.LBB2_6:
0x17: {  	[hbm:s17] =	stream.linear.scatter [tilespmem:s14], [sflag:$0x3], $0x400, $0x38;
	[tilespmem:$0x50A0] =	vst v63  }
.LBB2_7:
0x18: {  	s13 =	sadd.s32 $0x50, s11  }
0x19: {  	s15 =	smov.u32 s2;
	p2 =	slt.s32 s13, s3  }
0x1a: {  	s15 =	smov.u32 @p2 s13;
	p2 =	sne.s32 s12, s10  }
.Ltmp1:
0x1b: {  	p1 =	slt.u32 s12, $0x2;
	(pc) =	sbr.rel @!p2 .LBB2_8-.Ltmp1, $4  }
0x1c: {  	s14 =	simm.s32 @!p1 $0x3  }
0x1d: {  	s16 =	sadd.s32 $0x1, s12;
	_ =	swait.ge @!p1 [sflag:s14], $0x2800  }
0x1e: {  	p0 =	por !p0, !p0;
	s13 =	smov.u32 s11;
	[sflag:s14] =	ssyncset.done @!p1 $0x0  }
0x1f: {  	s12 =	smov.u32 s16;
	s11 =	smov.u32 s15;
	[sflag:s14] =	ssyncadd.s32 @!p1 $0xFFFFD800  }
.LBB2_1:
0x20: {  	p1 =	sge.u32 s12, s8  }
0x21: {  	s14 =	sxor.u32 @!p1 $0xFFFFFFFF, s12  }
0x22: {  	s14 =	sand.u32 @!p1 $0x1, s14  }
0x23: {  	s14 =	smul.u32 @!p1 $0x140, s14  }
0x24: {  	s31 =	sadd.s32 $0xFFFFFFFF, s12;
	s15 =	sshrl.u32 @!p1 s11, $0x3  }
0x25: {  	s16 =	sand.u32 @!p1 $0x7, s11;
	s15 =	sadd.s32 @!p1 s5, s15;
	s14 =	sshrl.u32 @!p1 s14, $0x2  }
0x26: {  	[tilespmem:s14], [sflag:$0x2] =	stream.linear.gather @!p1 [hbm4b:s15+s16], $0x50, $0x38;
	[tilespmem:$0x50A0] =	vst v63  }
0x27: {  	p1 =	sge.u32 s31, s8  }
.Ltmp2:
0x28: {  	_ = 	snop;
	(pc) =	sbr.rel @p1 .LBB2_7-.Ltmp2, $1  }
0x29: {  	_ =	sdelay $0x3  }
0x2a: {  	s14 =	simm.s32 $0x1  }
0x2b: {  	s14 =	simm.s32 @!p0 $0x0  }
0x2c: {  	s15 =	smul.u32 $0x140, s14  }
0x2d: {  	_ =	swait.ge [sflag:s7], $0x50  }
0x2e: {  	[sflag:s7] =	ssyncset.done $0x0;
	s16 =	sshrl.u32 s15, $0x2  }
0x2f: {  	[sflag:s7] =	ssyncadd.s32 $0xFFFFFFB0;
	s15 =	sadd.s32 $0x0, s16  }
0x30: {  	v0 =	vld.msk [tilespmem:s15+$0x0 ss:$0x1], $0xffff;
	_ =	sdelay $0x4  }
0x31: {  	vm2 =	vgt.s32 v0, $0x0  }
0x32: {  	v0 =	vnsel vm2, $0x0, v0  }
0x33: {  	v0 =	vmin.u32 v0, $0x2FFF  }
0x34: {  	v0 =	vshll.u32 v0, $0x4  }
0x35: {  	s14 =	smul.u32 $0xA000, s14;
	_ =	sdelay $0x1  }
0x36: {  	s14 =	sshrl.u32 s14, $0x2  }
0x37: {  	s14 =	sor.u32 $0xA0, s14  }
0x38: {  	[tilespmem:s14], [sflag:$0x1] =	stream.indirect_vreg.gather [hbm:s4], $0x80, v0, vm0, $0x38;
	[tilespmem:$0x50A0] =	vst v63  }
0x39: {  	s17 =	sadd.s32 $0x10, s16;
	s15 =	sadd.s32 $0x400, s14  }
0x3a: {  	[tilespmem:s15], [sflag:$0x1] =	stream.indirect_vreg.gather [hbm:s4], $0x80, v0, vm1, $0x38;
	[tilespmem:$0x50A0] =	vst v63  }
0x3b: {  	s18 =	simm.s32 $0x80;
	v0 =	vld.msk [tilespmem:s17+$0x0 ss:$0x1], $0xffff;
	s17 =	smov.u32 s14  }
.LBB2_3:
0x3c: {  	p1 =	sne.s32 s18, $0x100;
	_ =	sdelay $0x4  }
0x3d: {  	vm2 =	vgt.s32 v0, $0x0  }
0x3e: {  	v0 =	vnsel vm2, $0x0, v0  }
0x3f: {  	v0 =	vmin.u32 v0, $0x2FFF  }
0x40: {  	v0 =	vshll.u32 v0, $0x4;
	_ =	sdelay $0x3  }
.Ltmp3:
0x41: {  	s19 =	sshra.s32 s18, $0x2;
	s17 =	sadd.s32 $0x800, s17;
	(pc) =	sbr.rel @p1 .LBB2_3-.Ltmp3, $4  }
0x42: {  	[tilespmem:s17], [sflag:$0x1] =	stream.indirect_vreg.gather [hbm:s4], $0x80, v0, vm0, $0x38;
	[tilespmem:$0x50A0] =	vst v63  }
0x43: {  	s19 =	sadd.s32 s19, s16;
	s20 =	sadd.s32 $0x400, s17  }
0x44: {  	[tilespmem:s20], [sflag:$0x1] =	stream.indirect_vreg.gather [hbm:s4], $0x80, v0, vm1, $0x38;
	[tilespmem:$0x50A0] =	vst v63  }
0x45: {  	s18 =	sadd.s32 $0x40, s18;
	v0 =	vld.msk [tilespmem:s19+$0x0 ss:$0x1], $0xffff  }
0x46: {  	_ =	sdelay $0x3  }
0x47: {  	vm2 =	vgt.s32 v0, $0x0  }
0x48: {  	v0 =	vnsel vm2, $0x0, v0  }
0x49: {  	v0 =	vmin.u32 v0, $0x2FFF  }
0x4a: {  	v0 =	vshll.u32 v0, $0x4;
	_ =	sdelay $0x3  }
0x4b: {  	s16 =	sadd.s32 $0x800, s17  }
0x4c: {  	[tilespmem:s16], [sflag:$0x1] =	stream.indirect_vreg.gather [hbm:s4], $0x80, v0, vm0, $0x38;
	[tilespmem:$0x50A0] =	vst v63  }
0x4d: {  	s16 =	sadd.s32 $0x400, s16  }
0x4e: {  	[tilespmem:s16], [sflag:$0x1] =	stream.indirect_vreg.gather [hbm:s4], $0x80, v0, vm1, $0x38;
	[tilespmem:$0x50A0] =	vst v63  }
0x4f: {  	s13 =	sshll.u32 s13, $0x4;
	_ =	swait.ge [sflag:s6], $0x2800  }
0x50: {  	s13 =	sadd.s32 s13, s9;
	[sflag:s6] =	ssyncset.done $0x0  }
0x51: {  	s17 =	sadd.s32 $0x0, s13;
	s16 =	simm.s32 $0x80;
	[sflag:s6] =	ssyncadd.s32 $0xFFFFD800  }
.LBB2_5:
0x52: {  	[hbm:s17] =	stream.linear.scatter [tilespmem:s14], [sflag:$0x3], $0x400, $0x38;
	[tilespmem:$0x50A0] =	vst v63  }
0x53: {  	s17 =	smov.u32 s16;
	s14 =	smov.u32 s15;
	p1 =	sne.s32 s16, $0x480  }
.Ltmp4:
0x54: {  	s16 =	sadd.s32 $0x80, s16;
	(pc) =	sbr.rel @p1 .LBB2_5-.Ltmp4, $2  }
0x55: {  	_ =	sdelay $0x2  }
0x56: {  	s15 =	sadd.s32 $0x400, s15;
	s17 =	sadd.s32 s17, s13  }
.Ltmp5:
0x57: {  	_ = 	snop;
	(pc) =	sbr.rel .LBB2_6-.Ltmp5, $1  }
0x58: {  	_ =	sdelay $0x3  }
.LBB2_8:
0x59: {  	_ =	sfence.sel $0x180000  }
0x5a: {  	s2 =	simm.s32 $0x2;
	[bflag:$0x0] =	sbarrier.arrive $0xFFFF  }
0x5b: {  	s30 =	simm.s32 $0x3;
	[sflag:s2] =	ssyncpa.u1 $0x1  }
0x5c: {  	s31 =	simm.s32 $0x1;
	[sflag:s30] =	ssyncpa.u1 $0x1  }
0x5d: {  	[sflag:s31] =	ssyncpa.u1 $0x1  }
0x5e: {  	p0 =	sne.s32 s0, $0x0;
	_ =	strace $0x90000047  }
0x5f: {  	s0 =	sadd.s32 @!p0 $0x100000, s1;
	[bflag:$0x2] =	sbarrier.arrive $0xFFFF  }
0x60: {  	[sflag:s0] =	ssyncadd.tile.s32 @!p0 $0x1;
	_ =	shalt  }
.Lfunc_end2:
_tile_overlayer_lowered:
.L_overlay_start_2:
0x61: {  	(tag) =	ssettag $0x2  }
0x62: {  	s0 =	rddreg [dreg:$0x0];
	s2 =	stileid.u32  }
0x63: {  	s1 =	rddreg [dreg:$0x1];
	p0 =	sne.s32 s2, $0x0  }
0x64: {  	s3 =	rddreg [dreg:$0x2];
	[bflag:$0x3] =	sbarrier.arrive $0xFFFF;
	s2 =	simm.s32 @!p0 $0x1C01  }
0x65: {  	[timem:s3], [sflag:s2] =	dma.local @!p0 [hbm:s0], s1  }
0x66: {  	s0 =	simm.s32 @!p0 $0x1  }
0x67: {  	_ =	swait.ge @!p0 [sflag:s0], s1  }
0x68: {  	s1 =	ssub.s32 @!p0 $0x0, s1;
	[sflag:s0] =	ssyncset.done @!p0 $0x0  }
0x69: {  	[sflag:s0] =	ssyncadd.s32 @!p0 s1  }
0x6a: {  	[bflag:$0x3] =	sbarrier.arrive $0xFFFF  }
0x6b: {  	_ =	shalt  }

</sc_bundles>
